<compile_context>
chip_gen: v7x
topology: tpu7x:2x2x1
jax: 0.10.2.dev20260603
libtpu: 0.0.44.dev20260713+nightly
codegen_flags: <defaults>
</compile_context>

<pallas_src>
import functools

import jax
import jax.numpy as jnp
from jax import lax
from jax.experimental import pallas as pl
from jax.experimental.pallas import tpu as pltpu
from jax.experimental.pallas import tpu_sc as plsc

B = 1024
V = 100000
TOP_N = 614
LANE = 128

NC = 2
NS = 16
NW = NC * NS
BPW = B // NW



def _sc_gather_body(x_hbm, tgt_hbm, out_hbm, tgt_v, win_v, val_v, sem):
    wid = lax.axis_index("s") * NC + lax.axis_index("c")
    base = wid * BPW
    pltpu.sync_copy(tgt_hbm.at[pl.ds(base, BPW)], tgt_v)
    lane = lax.iota(jnp.int32, 16)

    tscal = []
    for g in range(BPW // 16):
        tg = tgt_v[pl.ds(g * 16, 16)]
        for u in range(16):
            tscal.append(tg[u])

    copies = []
    for i in range(BPW):
        c0 = pl.multiple_of(lax.bitwise_and(tscal[i], jnp.int32(~127)), LANE)
        r0 = pl.multiple_of(lax.bitwise_and(base + i, jnp.int32(~7)), 8)
        cp = pltpu.make_async_copy(
            x_hbm.at[pl.ds(r0, 8), pl.ds(c0, LANE)],
            win_v.at[pl.ds(i * 8, 8), :], sem)
        cp.start()
        copies.append(cp)
    for cp in copies:
        cp.wait()
    for i in range(BPW):
        start = pl.multiple_of(lax.bitwise_and(tscal[i], jnp.int32(112)), 16)
        val_v[i, :] = win_v[i * 8 + (i % 8), pl.ds(start, 16)]
    pltpu.sync_copy(val_v, out_hbm.at[pl.ds(base, BPW), :])


def _sc_gather(x, tgt):
    mesh = plsc.VectorSubcoreMesh(core_axis_name="c", subcore_axis_name="s")
    fn = functools.partial(
        pl.kernel,
        mesh=mesh,
        out_type=jax.ShapeDtypeStruct((B, 16), jnp.float32),
        scratch_types=[
            pltpu.VMEM((BPW,), jnp.int32),
            pltpu.VMEM((BPW * 8, LANE), jnp.float32),
            pltpu.VMEM((BPW, 16), jnp.float32),
            pltpu.SemaphoreType.DMA,
        ],
    )(_sc_gather_body)
    return fn(x, tgt)



R = 32
NCHUNK = V // LANE
TAILW = V - NCHUNK * LANE
WPAD = (NCHUNK + 1) * LANE


def _tree(op, xs):
    xs = list(xs)
    while len(xs) > 1:
        xs = [op(xs[i], xs[i + 1]) if i + 1 < len(xs) else xs[i]
              for i in range(0, len(xs), 2)]
    return xs[0]


UNR = 32
NACC = 8
NGRP = NCHUNK // UNR
TAIL0 = NGRP * UNR


def _lse_body(x_ref, lse_ref):
    def chunk(c):
        return x_ref[:, pl.ds(pl.multiple_of(c * LANE, LANE), LANE)]

    def chunks_at(g):
        base = pl.multiple_of(g * (UNR * LANE), UNR * LANE)
        return [x_ref[:, pl.ds(base + u * LANE, LANE)] for u in range(UNR)]

    def tail_chunks():
        tail = [chunk(c) for c in range(TAIL0, NCHUNK)]
        lane = lax.broadcasted_iota(jnp.int32, (R, LANE), 1)
        tail.append(jnp.where(lane < TAILW, chunk(NCHUNK), -jnp.inf))
        return tail

    def maxbody(g, acc):
        cs = chunks_at(g)
        acc = list(acc)
        for u in range(UNR):
            acc[u % NACC] = jnp.maximum(acc[u % NACC], cs[u])
        return tuple(acc)

    neg = jnp.full((R, LANE), -jnp.inf, dtype=jnp.float32)
    macc = lax.fori_loop(0, NGRP, maxbody, (neg,) * NACC)
    m = _tree(jnp.maximum, list(macc) + tail_chunks())

    log2e = jnp.float32(1.4426950408889634)
    m2 = m * log2e

    def sumbody(g, acc):
        cs = chunks_at(g)
        acc = list(acc)
        for u in range(UNR):
            acc[u % NACC] = acc[u % NACC] + jnp.exp2(cs[u] * log2e - m2)
        return tuple(acc)

    zero = jnp.zeros((R, LANE), dtype=jnp.float32)
    sacc = lax.fori_loop(0, NGRP, sumbody, (zero,) * NACC)
    s = _tree(jnp.add, [jnp.exp2(c * log2e - m2) for c in tail_chunks()]
              + list(sacc))

    m_fin = jnp.max(m, axis=1, keepdims=True)
    s_fin = jnp.sum(s * jnp.exp(m - m_fin), axis=1, keepdims=True)
    lse_ref[...] = m_fin + jnp.log(s_fin)


def _tc_lse(x):
    return pl.pallas_call(
        _lse_body,
        grid=(B // R,),
        in_specs=[pl.BlockSpec((R, WPAD), lambda i: (i, 0))],
        out_specs=pl.BlockSpec((R, 1), lambda i: (i, 0)),
        out_shape=jax.ShapeDtypeStruct((B, 1), jnp.float32),
    )(x)



def _topk_body(lse_ref, lseT_ref, win_ref, winT_ref, t_ref, tT_ref, out_ref):
    off_c = lax.bitwise_and(t_ref[...], 15)
    lane_c = lax.broadcasted_iota(jnp.int32, (B, 16), 1)
    xt_c = jnp.sum(jnp.where(lane_c == off_c, win_ref[...], 0.0),
                   axis=1, keepdims=True)
    off_r = lax.bitwise_and(tT_ref[...], 15)
    lane_r = lax.broadcasted_iota(jnp.int32, (16, B), 0)
    xt_r = jnp.sum(jnp.where(lane_r == off_r, winT_ref[...], 0.0),
                   axis=0, keepdims=True)
    loss_c = lse_ref[...] - xt_c
    loss_r = lseT_ref[...] - xt_r
    gt = (loss_r > loss_c).astype(jnp.float32)
    eq = (loss_r == loss_c).astype(jnp.float32)
    c = jnp.sum(gt, axis=1, keepdims=True)
    e = jnp.sum(eq, axis=1, keepdims=True)
    w = jnp.clip(jnp.float32(TOP_N) - c, 0.0, e) / e
    out_ref[...] = jnp.sum(loss_c * w, keepdims=True) / jnp.float32(TOP_N)


def _tc_topk_mean(lse, win, tgt):
    lse_t = jnp.reshape(lse, (1, B))
    win_t = jnp.transpose(win)
    t_c = jnp.reshape(tgt, (B, 1))
    t_t = jnp.reshape(tgt, (1, B))
    out = pl.pallas_call(
        _topk_body,
        out_shape=jax.ShapeDtypeStruct((1, 1), jnp.float32),
    )(lse, lse_t, win, win_t, t_c, t_t)
    return jnp.reshape(out, ())


def kernel(input, target):
    tgt = target.astype(jnp.int32)
    win = _sc_gather(input, tgt)
    lse = _tc_lse(input)
    return _tc_topk_mean(lse, win, tgt)

# --- scband reference (transcript-rebuilt; emitter-appended) ---
"""Pipeline reference for scband-oesm-cross-entropy-41970420417164 (READ-ONLY COPY).

The authoritative reference and input builder live on the scoring server;
editing this copy changes nothing except your own understanding.
"""

import jax, jax.numpy as jnp
import numpy as np

DOWN_K = 1.0
TOP_K = 0.6


def setup_inputs(seed: int = 0) -> dict:
    key = jax.random.key(seed)
    k1, k2 = jax.random.split(key)
    B, V = 1024, 100000
    inp = jax.random.normal(k1, (B, V), dtype=jnp.float32)
    target = jax.random.randint(k2, (B,), 0, V, dtype=jnp.int64)
    return {"input": inp, "target": target}


def reference(input, target):
    # log_softmax over class dim (matches nn.LogSoftmax applied rowwise)
    logp = jax.nn.log_softmax(input, axis=-1)
    # per-sample NLL loss (matches per-row nn.NLLLoss loop)
    loss = -jnp.take_along_axis(logp, target[:, None].astype(jnp.int32), axis=1)[:, 0]
    N = loss.shape[0]
    # first selection: topk of -loss keeps the down_k fraction with smallest loss
    down_n = int(DOWN_K * N)
    _, idx1 = jax.lax.top_k(-loss, down_n)
    loss_sel = loss[idx1]
    # second selection: topk of loss keeps the top_k fraction with largest loss
    top_n = int(TOP_K * loss_sel.shape[0])
    _, idx2 = jax.lax.top_k(loss_sel, top_n)
    valid_loss = loss_sel[idx2]
    return jnp.mean(valid_loss)

if __name__ == "__main__":
    import jax
    _d = setup_inputs()
    print(jax.jit(kernel)(*tuple(_d.values())))

</pallas_src>

<mosaic_0001>
#map = affine_map<(d0, d1) -> (0, 0)>
#map1 = affine_map<(d0, d1) -> (0)>
module attributes {stable_mosaic.version = 14 : i64} {
  func.func @_sc_gather_body(%arg0: i32, %arg1: i32, %arg2: memref<1024x100000xf32, #tpu.memory_space<hbm>>, %arg3: memref<1024xi32, #tpu.memory_space<hbm>>, %arg4: memref<1024x16xf32, #tpu.memory_space<hbm>>, %arg5: memref<32xi32, #tpu.memory_space<vmem>>, %arg6: memref<256x128xf32, #tpu.memory_space<vmem>>, %arg7: memref<32x16xf32, #tpu.memory_space<vmem>>, %arg8: memref<!tpu.dma_semaphore, #tpu.memory_space<semaphore_mem>>) attributes {dimension_semantics = [#tpu.dimension_semantics<core_parallel>, #tpu.dimension_semantics<subcore_parallel>], iteration_bounds = array<i64: 2, 16>, scalar_prefetch = 0 : i64, scratch_operands = 4 : i64, tpu.core_type = #tpu.core_type<sc_vector_subcore>, window_params = [{transform_indices = #map}, {transform_indices = #map1}, {transform_indices = #map}]} {
    %mul3A = arith.constant 2 : i32
    %mul3A_0 = arith.muli %arg1, %mul3A : i32
    %add3A = arith.addi %mul3A_0, %arg0 : i32
    %mul3A_1 = arith.constant 32 : i32
    %mul3A_2 = arith.muli %add3A, %mul3A_1 : i32
    "tpu.region"() ({
      %run_scoped3A = tpu.sem_alloc : memref<!tpu.dma_semaphore, #tpu.memory_space<semaphore_mem>>
      %dma_start3A_1281 = tpu.memref_slice %arg3[%mul3A_2] : memref<1024xi32, #tpu.memory_space<hbm>> -> memref<32xi32, #tpu.memory_space<hbm>>
      %dma_start3A_1282 = tpu.memref_slice %arg3[%mul3A_2] : memref<1024xi32, #tpu.memory_space<hbm>> -> memref<32xi32, #tpu.memory_space<hbm>>
      tpu.enqueue_dma source(%dma_start3A_1282 : memref<32xi32, #tpu.memory_space<hbm>>) target(%arg5 : memref<32xi32, #tpu.memory_space<vmem>>) target_semaphore(%run_scoped3A : memref<!tpu.dma_semaphore, #tpu.memory_space<semaphore_mem>>)
      %dma_wait3A_1283 = tpu.memref_slice %arg3[%mul3A_2] : memref<1024xi32, #tpu.memory_space<hbm>> -> memref<32xi32, #tpu.memory_space<hbm>>
      %dma_wait3A_1284 = tpu.memref_slice %arg3[%mul3A_2] : memref<1024xi32, #tpu.memory_space<hbm>> -> memref<32xi32, #tpu.memory_space<hbm>>
      tpu.wait_dma2 semaphore(%run_scoped3A : memref<!tpu.dma_semaphore, #tpu.memory_space<semaphore_mem>>) src(%dma_wait3A_1284 : memref<32xi32, #tpu.memory_space<hbm>>) dst(%arg5 : memref<32xi32, #tpu.memory_space<vmem>>)
      tpu.yield
    }) : () -> ()
    %iota3A = tpu.iota {dimensions = array<i32: 0>} : vector<16xi32>
    %get3A = arith.constant 0 : index
    %get3A_3 = tpu.vector_load %arg5[%get3A] {strides = array<i32>} : memref<32xi32, #tpu.memory_space<vmem>>, vector<16xi32>,
    %get3A_4 = vector.shape_cast %get3A_3 : vector<16xi32> to vector<16xi32>
    %slice3A = vector.extract_strided_slice %get3A_4 {offsets = [0], sizes = [1], strides = [1]} : vector<16xi32> to vector<1xi32>
    %squeeze3A = vector.extract %slice3A[0] : i32 from vector<1xi32>
    %slice3A_5 = vector.extract_strided_slice %get3A_4 {offsets = [1], sizes = [1], strides = [1]} : vector<16xi32> to vector<1xi32>
    %squeeze3A_6 = vector.extract %slice3A_5[0] : i32 from vector<1xi32>
    %slice3A_7 = vector.extract_strided_slice %get3A_4 {offsets = [2], sizes = [1], strides = [1]} : vector<16xi32> to vector<1xi32>
    %squeeze3A_8 = vector.extract %slice3A_7[0] : i32 from vector<1xi32>
    %slice3A_9 = vector.extract_strided_slice %get3A_4 {offsets = [3], sizes = [1], strides = [1]} : vector<16xi32> to vector<1xi32>
    %squeeze3A_10 = vector.extract %slice3A_9[0] : i32 from vector<1xi32>
    %slice3A_11 = vector.extract_strided_slice %get3A_4 {offsets = [4], sizes = [1], strides = [1]} : vector<16xi32> to vector<1xi32>
    %squeeze3A_12 = vector.extract %slice3A_11[0] : i32 from vector<1xi32>
    %slice3A_13 = vector.extract_strided_slice %get3A_4 {offsets = [5], sizes = [1], strides = [1]} : vector<16xi32> to vector<1xi32>
    %squeeze3A_14 = vector.extract %slice3A_13[0] : i32 from vector<1xi32>
    %slice3A_15 = vector.extract_strided_slice %get3A_4 {offsets = [6], sizes = [1], strides = [1]} : vector<16xi32> to vector<1xi32>
    %squeeze3A_16 = vector.extract %slice3A_15[0] : i32 from vector<1xi32>
    %slice3A_17 = vector.extract_strided_slice %get3A_4 {offsets = [7], sizes = [1], strides = [1]} : vector<16xi32> to vector<1xi32>
    %squeeze3A_18 = vector.extract %slice3A_17[0] : i32 from vector<1xi32>
    %slice3A_19 = vector.extract_strided_slice %get3A_4 {offsets = [8], sizes = [1], strides = [1]} : vector<16xi32> to vector<1xi32>
    %squeeze3A_20 = vector.extract %slice3A_19[0] : i32 from vector<1xi32>
    %slice3A_21 = vector.extract_strided_slice %get3A_4 {offsets = [9], sizes = [1], strides = [1]} : vector<16xi32> to vector<1xi32>
    %squeeze3A_22 = vector.extract %slice3A_21[0] : i32 from vector<1xi32>
    %slice3A_23 = vector.extract_strided_slice %get3A_4 {offsets = [10], sizes = [1], strides = [1]} : vector<16xi32> to vector<1xi32>
    %squeeze3A_24 = vector.extract %slice3A_23[0] : i32 from vector<1xi32>
    %slice3A_25 = vector.extract_strided_slice %get3A_4 {offsets = [11], sizes = [1], strides = [1]} : vector<16xi32> to vector<1xi32>
    %squeeze3A_26 = vector.extract %slice3A_25[0] : i32 from vector<1xi32>
    %slice3A_27 = vector.extract_strided_slice %get3A_4 {offsets = [12], sizes = [1], strides = [1]} : vector<16xi32> to vector<1xi32>
    %squeeze3A_28 = vector.extract %slice3A_27[0] : i32 from vector<1xi32>
    %slice3A_29 = vector.extract_strided_slice %get3A_4 {offsets = [13], sizes = [1], strides = [1]} : vector<16xi32> to vector<1xi32>
    %squeeze3A_30 = vector.extract %slice3A_29[0] : i32 from vector<1xi32>
    %slice3A_31 = vector.extract_strided_slice %get3A_4 {offsets = [14], sizes = [1], strides = [1]} : vector<16xi32> to vector<1xi32>
    %squeeze3A_32 = vector.extract %slice3A_31[0] : i32 from vector<1xi32>
    %slice3A_33 = vector.extract_strided_slice %get3A_4 {offsets = [15], sizes = [1], strides = [1]} : vector<16xi32> to vector<1xi32>
    %squeeze3A_34 = vector.extract %slice3A_33[0] : i32 from vector<1xi32>
    %get3A_35 = arith.constant 16 : index
    %get3A_36 = tpu.vector_load %arg5[%get3A_35] {strides = array<i32>} : memref<32xi32, #tpu.memory_space<vmem>>, vector<16xi32>,
    %get3A_37 = vector.shape_cast %get3A_36 : vector<16xi32> to vector<16xi32>
    %slice3A_38 = vector.extract_strided_slice %get3A_37 {offsets = [0], sizes = [1], strides = [1]} : vector<16xi32> to vector<1xi32>
    %squeeze3A_39 = vector.extract %slice3A_38[0] : i32 from vector<1xi32>
    %slice3A_40 = vector.extract_strided_slice %get3A_37 {offsets = [1], sizes = [1], strides = [1]} : vector<16xi32> to vector<1xi32>
    %squeeze3A_41 = vector.extract %slice3A_40[0] : i32 from vector<1xi32>
    %slice3A_42 = vector.extract_strided_slice %get3A_37 {offsets = [2], sizes = [1], strides = [1]} : vector<16xi32> to vector<1xi32>
    %squeeze3A_43 = vector.extract %slice3A_42[0] : i32 from vector<1xi32>
    %slice3A_44 = vector.extract_strided_slice %get3A_37 {offsets = [3], sizes = [1], strides = [1]} : vector<16xi32> to vector<1xi32>
    %squeeze3A_45 = vector.extract %slice3A_44[0] : i32 from vector<1xi32>
    %slice3A_46 = vector.extract_strided_slice %get3A_37 {offsets = [4], sizes = [1], strides = [1]} : vector<16xi32> to vector<1xi32>
    %squeeze3A_47 = vector.extract %slice3A_46[0] : i32 from vector<1xi32>
    %slice3A_48 = vector.extract_strided_slice %get3A_37 {offsets = [5], sizes = [1], strides = [1]} : vector<16xi32> to vector<1xi32>
    %squeeze3A_49 = vector.extract %slice3A_48[0] : i32 from vector<1xi32>
    %slice3A_50 = vector.extract_strided_slice %get3A_37 {offsets = [6], sizes = [1], strides = [1]} : vector<16xi32> to vector<1xi32>
    %squeeze3A_51 = vector.extract %slice3A_50[0] : i32 from vector<1xi32>
    %slice3A_52 = vector.extract_strided_slice %get3A_37 {offsets = [7], sizes = [1], strides = [1]} : vector<16xi32> to vector<1xi32>
    %squeeze3A_53 = vector.extract %slice3A_52[0] : i32 from vector<1xi32>
    %slice3A_54 = vector.extract_strided_slice %get3A_37 {offsets = [8], sizes = [1], strides = [1]} : vector<16xi32> to vector<1xi32>
    %squeeze3A_55 = vector.extract %slice3A_54[0] : i32 from vector<1xi32>
    %slice3A_56 = vector.extract_strided_slice %get3A_37 {offsets = [9], sizes = [1], strides = [1]} : vector<16xi32> to vector<1xi32>
    %squeeze3A_57 = vector.extract %slice3A_56[0] : i32 from vector<1xi32>
    %slice3A_58 = vector.extract_strided_slice %get3A_37 {offsets = [10], sizes = [1], strides = [1]} : vector<16xi32> to vector<1xi32>
    %squeeze3A_59 = vector.extract %slice3A_58[0] : i32 from vector<1xi32>
    %slice3A_60 = vector.extract_strided_slice %get3A_37 {offsets = [11], sizes = [1], strides = [1]} : vector<16xi32> to vector<1xi32>
    %squeeze3A_61 = vector.extract %slice3A_60[0] : i32 from vector<1xi32>
    %slice3A_62 = vector.extract_strided_slice %get3A_37 {offsets = [12], sizes = [1], strides = [1]} : vector<16xi32> to vector<1xi32>
    %squeeze3A_63 = vector.extract %slice3A_62[0] : i32 from vector<1xi32>
    %slice3A_64 = vector.extract_strided_slice %get3A_37 {offsets = [13], sizes = [1], strides = [1]} : vector<16xi32> to vector<1xi32>
    %squeeze3A_65 = vector.extract %slice3A_64[0] : i32 from vector<1xi32>
    %slice3A_66 = vector.extract_strided_slice %get3A_37 {offsets = [14], sizes = [1], strides = [1]} : vector<16xi32> to vector<1xi32>
    %squeeze3A_67 = vector.extract %slice3A_66[0] : i32 from vector<1xi32>
    %slice3A_68 = vector.extract_strided_slice %get3A_37 {offsets = [15], sizes = [1], strides = [1]} : vector<16xi32> to vector<1xi32>
    %squeeze3A_69 = vector.extract %slice3A_68[0] : i32 from vector<1xi32>
    %and3A = arith.constant -128 : i32
    %and3A_70 = arith.andi %squeeze3A, %and3A : i32
    %multiple_of3A = tpu.assume_multiple %and3A_70, 128 : i32
    %add3A_71 = arith.constant 0 : i32
    %add3A_72 = arith.addi %mul3A_2, %add3A_71 : i32
    %and3A_73 = arith.constant -8 : i32
    %and3A_74 = arith.andi %add3A_72, %and3A_73 : i32
    %multiple_of3A_75 = tpu.assume_multiple %and3A_74, 8 : i32
    %dma_start3A = arith.constant 0 : i32
    %dma_start3A_76 = arith.constant 0 : i32
    %dma_start3A_77 = tpu.memref_slice %arg6[%dma_start3A, %dma_start3A_76] : memref<256x128xf32, #tpu.memory_space<vmem>> -> memref<8x128xf32, #tpu.memory_space<vmem>>
    %dma_start3A_78 = tpu.memref_slice %arg2[%multiple_of3A_75, %multiple_of3A] : memref<1024x100000xf32, #tpu.memory_space<hbm>> -> memref<8x128xf32, #tpu.memory_space<hbm>>
    %dma_start3A_79 = arith.constant 0 : i32
    %dma_start3A_80 = arith.constant 0 : i32
    %dma_start3A_81 = tpu.memref_slice %arg6[%dma_start3A_79, %dma_start3A_80] : memref<256x128xf32, #tpu.memory_space<vmem>> -> memref<8x128xf32, #tpu.memory_space<vmem>>
    %dma_start3A_82 = tpu.memref_slice %arg2[%multiple_of3A_75, %multiple_of3A] : memref<1024x100000xf32, #tpu.memory_space<hbm>> -> memref<8x128xf32, #tpu.memory_space<hbm>>
    tpu.enqueue_dma source(%dma_start3A_82 : memref<8x128xf32, #tpu.memory_space<hbm>>) target(%dma_start3A_81 : memref<8x128xf32, #tpu.memory_space<vmem>>) target_semaphore(%arg8 : memref<!tpu.dma_semaphore, #tpu.memory_space<semaphore_mem>>)
    %and3A_83 = arith.constant -128 : i32
    %and3A_84 = arith.andi %squeeze3A_6, %and3A_83 : i32
    %multiple_of3A_85 = tpu.assume_multiple %and3A_84, 128 : i32
    %add3A_86 = arith.constant 1 : i32
    %add3A_87 = arith.addi %mul3A_2, %add3A_86 : i32
    %and3A_88 = arith.constant -8 : i32
    %and3A_89 = arith.andi %add3A_87, %and3A_88 : i32
    %multiple_of3A_90 = tpu.assume_multiple %and3A_89, 8 : i32
    %dma_start3A_91 = arith.constant 8 : i32
    %dma_start3A_92 = arith.constant 0 : i32
    %dma_start3A_93 = tpu.memref_slice %arg6[%dma_start3A_91, %dma_start3A_92] : memref<256x128xf32, #tpu.memory_space<vmem>> -> memref<8x128xf32, #tpu.memory_space<vmem>>
    %dma_start3A_94 = tpu.memref_slice %arg2[%multiple_of3A_90, %multiple_of3A_85] : memref<1024x100000xf32, #tpu.memory_space<hbm>> -> memref<8x128xf32, #tpu.memory_space<hbm>>
    %dma_start3A_95 = arith.constant 8 : i32
    %dma_start3A_96 = arith.constant 0 : i32
    %dma_start3A_97 = tpu.memref_slice %arg6[%dma_start3A_95, %dma_start3A_96] : memref<256x128xf32, #tpu.memory_space<vmem>> -> memref<8x128xf32, #tpu.memory_space<vmem>>
    %dma_start3A_98 = tpu.memref_slice %arg2[%multiple_of3A_90, %multiple_of3A_85] : memref<1024x100000xf32, #tpu.memory_space<hbm>> -> memref<8x128xf32, #tpu.memory_space<hbm>>
    tpu.enqueue_dma source(%dma_start3A_98 : memref<8x128xf32, #tpu.memory_space<hbm>>) target(%dma_start3A_97 : memref<8x128xf32, #tpu.memory_space<vmem>>) target_semaphore(%arg8 : memref<!tpu.dma_semaphore, #tpu.memory_space<semaphore_mem>>)
    %and3A_99 = arith.constant -128 : i32
    %and3A_100 = arith.andi %squeeze3A_8, %and3A_99 : i32
    %multiple_of3A_101 = tpu.assume_multiple %and3A_100, 128 : i32
    %add3A_102 = arith.constant 2 : i32
    %add3A_103 = arith.addi %mul3A_2, %add3A_102 : i32
    %and3A_104 = arith.constant -8 : i32
    %and3A_105 = arith.andi %add3A_103, %and3A_104 : i32
    %multiple_of3A_106 = tpu.assume_multiple %and3A_105, 8 : i32
    %dma_start3A_107 = arith.constant 16 : i32
    %dma_start3A_108 = arith.constant 0 : i32
    %dma_start3A_109 = tpu.memref_slice %arg6[%dma_start3A_107, %dma_start3A_108] : memref<256x128xf32, #tpu.memory_space<vmem>> -> memref<8x128xf32, #tpu.memory_space<vmem>>
    %dma_start3A_110 = tpu.memref_slice %arg2[%multiple_of3A_106, %multiple_of3A_101] : memref<1024x100000xf32, #tpu.memory_space<hbm>> -> memref<8x128xf32, #tpu.memory_space<hbm>>
    %dma_start3A_111 = arith.constant 16 : i32
    %dma_start3A_112 = arith.constant 0 : i32
    %dma_start3A_113 = tpu.memref_slice %arg6[%dma_start3A_111, %dma_start3A_112] : memref<256x128xf32, #tpu.memory_space<vmem>> -> memref<8x128xf32, #tpu.memory_space<vmem>>
    %dma_start3A_114 = tpu.memref_slice %arg2[%multiple_of3A_106, %multiple_of3A_101] : memref<1024x100000xf32, #tpu.memory_space<hbm>> -> memref<8x128xf32, #tpu.memory_space<hbm>>
    tpu.enqueue_dma source(%dma_start3A_114 : memref<8x128xf32, #tpu.memory_space<hbm>>) target(%dma_start3A_113 : memref<8x128xf32, #tpu.memory_space<vmem>>) target_semaphore(%arg8 : memref<!tpu.dma_semaphore, #tpu.memory_space<semaphore_mem>>)
    %and3A_115 = arith.constant -128 : i32
    %and3A_116 = arith.andi %squeeze3A_10, %and3A_115 : i32
    %multiple_of3A_117 = tpu.assume_multiple %and3A_116, 128 : i32
    %add3A_118 = arith.constant 3 : i32
    %add3A_119 = arith.addi %mul3A_2, %add3A_118 : i32
    %and3A_120 = arith.constant -8 : i32
    %and3A_121 = arith.andi %add3A_119, %and3A_120 : i32
    %multiple_of3A_122 = tpu.assume_multiple %and3A_121, 8 : i32
    %dma_start3A_123 = arith.constant 24 : i32
    %dma_start3A_124 = arith.constant 0 : i32
    %dma_start3A_125 = tpu.memref_slice %arg6[%dma_start3A_123, %dma_start3A_124] : memref<256x128xf32, #tpu.memory_space<vmem>> -> memref<8x128xf32, #tpu.memory_space<vmem>>
    %dma_start3A_126 = tpu.memref_slice %arg2[%multiple_of3A_122, %multiple_of3A_117] : memref<1024x100000xf32, #tpu.memory_space<hbm>> -> memref<8x128xf32, #tpu.memory_space<hbm>>
    %dma_start3A_127 = arith.constant 24 : i32
    %dma_start3A_128 = arith.constant 0 : i32
    %dma_start3A_129 = tpu.memref_slice %arg6[%dma_start3A_127, %dma_start3A_128] : memref<256x128xf32, #tpu.memory_space<vmem>> -> memref<8x128xf32, #tpu.memory_space<vmem>>
    %dma_start3A_130 = tpu.memref_slice %arg2[%multiple_of3A_122, %multiple_of3A_117] : memref<1024x100000xf32, #tpu.memory_space<hbm>> -> memref<8x128xf32, #tpu.memory_space<hbm>>
    tpu.enqueue_dma source(%dma_start3A_130 : memref<8x128xf32, #tpu.memory_space<hbm>>) target(%dma_start3A_129 : memref<8x128xf32, #tpu.memory_space<vmem>>) target_semaphore(%arg8 : memref<!tpu.dma_semaphore, #tpu.memory_space<semaphore_mem>>)
    %and3A_131 = arith.constant -128 : i32
    %and3A_132 = arith.andi %squeeze3A_12, %and3A_131 : i32
    %multiple_of3A_133 = tpu.assume_multiple %and3A_132, 128 : i32
    %add3A_134 = arith.constant 4 : i32
    %add3A_135 = arith.addi %mul3A_2, %add3A_134 : i32
    %and3A_136 = arith.constant -8 : i32
    %and3A_137 = arith.andi %add3A_135, %and3A_136 : i32
    %multiple_of3A_138 = tpu.assume_multiple %and3A_137, 8 : i32
    %dma_start3A_139 = arith.constant 32 : i32
    %dma_start3A_140 = arith.constant 0 : i32
    %dma_start3A_141 = tpu.memref_slice %arg6[%dma_start3A_139, %dma_start3A_140] : memref<256x128xf32, #tpu.memory_space<vmem>> -> memref<8x128xf32, #tpu.memory_space<vmem>>
    %dma_start3A_142 = tpu.memref_slice %arg2[%multiple_of3A_138, %multiple_of3A_133] : memref<1024x100000xf32, #tpu.memory_space<hbm>> -> memref<8x128xf32, #tpu.memory_space<hbm>>
    %dma_start3A_143 = arith.constant 32 : i32
    %dma_start3A_144 = arith.constant 0 : i32
    %dma_start3A_145 = tpu.memref_slice %arg6[%dma_start3A_143, %dma_start3A_144] : memref<256x128xf32, #tpu.memory_space<vmem>> -> memref<8x128xf32, #tpu.memory_space<vmem>>
    %dma_start3A_146 = tpu.memref_slice %arg2[%multiple_of3A_138, %multiple_of3A_133] : memref<1024x100000xf32, #tpu.memory_space<hbm>> -> memref<8x128xf32, #tpu.memory_space<hbm>>
    tpu.enqueue_dma source(%dma_start3A_146 : memref<8x128xf32, #tpu.memory_space<hbm>>) target(%dma_start3A_145 : memref<8x128xf32, #tpu.memory_space<vmem>>) target_semaphore(%arg8 : memref<!tpu.dma_semaphore, #tpu.memory_space<semaphore_mem>>)
    %and3A_147 = arith.constant -128 : i32
    %and3A_148 = arith.andi %squeeze3A_14, %and3A_147 : i32
    %multiple_of3A_149 = tpu.assume_multiple %and3A_148, 128 : i32
    %add3A_150 = arith.constant 5 : i32
    %add3A_151 = arith.addi %mul3A_2, %add3A_150 : i32
    %and3A_152 = arith.constant -8 : i32
    %and3A_153 = arith.andi %add3A_151, %and3A_152 : i32
    %multiple_of3A_154 = tpu.assume_multiple %and3A_153, 8 : i32
    %dma_start3A_155 = arith.constant 40 : i32
    %dma_start3A_156 = arith.constant 0 : i32
    %dma_start3A_157 = tpu.memref_slice %arg6[%dma_start3A_155, %dma_start3A_156] : memref<256x128xf32, #tpu.memory_space<vmem>> -> memref<8x128xf32, #tpu.memory_space<vmem>>
    %dma_start3A_158 = tpu.memref_slice %arg2[%multiple_of3A_154, %multiple_of3A_149] : memref<1024x100000xf32, #tpu.memory_space<hbm>> -> memref<8x128xf32, #tpu.memory_space<hbm>>
    %dma_start3A_159 = arith.constant 40 : i32
    %dma_start3A_160 = arith.constant 0 : i32
    %dma_start3A_161 = tpu.memref_slice %arg6[%dma_start3A_159, %dma_start3A_160] : memref<256x128xf32, #tpu.memory_space<vmem>> -> memref<8x128xf32, #tpu.memory_space<vmem>>
    %dma_start3A_162 = tpu.memref_slice %arg2[%multiple_of3A_154, %multiple_of3A_149] : memref<1024x100000xf32, #tpu.memory_space<hbm>> -> memref<8x128xf32, #tpu.memory_space<hbm>>
    tpu.enqueue_dma source(%dma_start3A_162 : memref<8x128xf32, #tpu.memory_space<hbm>>) target(%dma_start3A_161 : memref<8x128xf32, #tpu.memory_space<vmem>>) target_semaphore(%arg8 : memref<!tpu.dma_semaphore, #tpu.memory_space<semaphore_mem>>)
    %and3A_163 = arith.constant -128 : i32
    %and3A_164 = arith.andi %squeeze3A_16, %and3A_163 : i32
    %multiple_of3A_165 = tpu.assume_multiple %and3A_164, 128 : i32
    %add3A_166 = arith.constant 6 : i32
    %add3A_167 = arith.addi %mul3A_2, %add3A_166 : i32
    %and3A_168 = arith.constant -8 : i32
    %and3A_169 = arith.andi %add3A_167, %and3A_168 : i32
    %multiple_of3A_170 = tpu.assume_multiple %and3A_169, 8 : i32
    %dma_start3A_171 = arith.constant 48 : i32
    %dma_start3A_172 = arith.constant 0 : i32
    %dma_start3A_173 = tpu.memref_slice %arg6[%dma_start3A_171, %dma_start3A_172] : memref<256x128xf32, #tpu.memory_space<vmem>> -> memref<8x128xf32, #tpu.memory_space<vmem>>
    %dma_start3A_174 = tpu.memref_slice %arg2[%multiple_of3A_170, %multiple_of3A_165] : memref<1024x100000xf32, #tpu.memory_space<hbm>> -> memref<8x128xf32, #tpu.memory_space<hbm>>
    %dma_start3A_175 = arith.constant 48 : i32
    %dma_start3A_176 = arith.constant 0 : i32
    %dma_start3A_177 = tpu.memref_slice %arg6[%dma_start3A_175, %dma_start3A_176] : memref<256x128xf32, #tpu.memory_space<vmem>> -> memref<8x128xf32, #tpu.memory_space<vmem>>
    %dma_start3A_178 = tpu.memref_slice %arg2[%multiple_of3A_170, %multiple_of3A_165] : memref<1024x100000xf32, #tpu.memory_space<hbm>> -> memref<8x128xf32, #tpu.memory_space<hbm>>
    tpu.enqueue_dma source(%dma_start3A_178 : memref<8x128xf32, #tpu.memory_space<hbm>>) target(%dma_start3A_177 : memref<8x128xf32, #tpu.memory_space<vmem>>) target_semaphore(%arg8 : memref<!tpu.dma_semaphore, #tpu.memory_space<semaphore_mem>>)
    %and3A_179 = arith.constant -128 : i32
    %and3A_180 = arith.andi %squeeze3A_18, %and3A_179 : i32
    %multiple_of3A_181 = tpu.assume_multiple %and3A_180, 128 : i32
    %add3A_182 = arith.constant 7 : i32
    %add3A_183 = arith.addi %mul3A_2, %add3A_182 : i32
    %and3A_184 = arith.constant -8 : i32
    %and3A_185 = arith.andi %add3A_183, %and3A_184 : i32
    %multiple_of3A_186 = tpu.assume_multiple %and3A_185, 8 : i32
    %dma_start3A_187 = arith.constant 56 : i32
    %dma_start3A_188 = arith.constant 0 : i32
    %dma_start3A_189 = tpu.memref_slice %arg6[%dma_start3A_187, %dma_start3A_188] : memref<256x128xf32, #tpu.memory_space<vmem>> -> memref<8x128xf32, #tpu.memory_space<vmem>>
    %dma_start3A_190 = tpu.memref_slice %arg2[%multiple_of3A_186, %multiple_of3A_181] : memref<1024x100000xf32, #tpu.memory_space<hbm>> -> memref<8x128xf32, #tpu.memory_space<hbm>>
    %dma_start3A_191 = arith.constant 56 : i32
    %dma_start3A_192 = arith.constant 0 : i32
    %dma_start3A_193 = tpu.memref_slice %arg6[%dma_start3A_191, %dma_start3A_192] : memref<256x128xf32, #tpu.memory_space<vmem>> -> memref<8x128xf32, #tpu.memory_space<vmem>>
    %dma_start3A_194 = tpu.memref_slice %arg2[%multiple_of3A_186, %multiple_of3A_181] : memref<1024x100000xf32, #tpu.memory_space<hbm>> -> memref<8x128xf32, #tpu.memory_space<hbm>>
    tpu.enqueue_dma source(%dma_start3A_194 : memref<8x128xf32, #tpu.memory_space<hbm>>) target(%dma_start3A_193 : memref<8x128xf32, #tpu.memory_space<vmem>>) target_semaphore(%arg8 : memref<!tpu.dma_semaphore, #tpu.memory_space<semaphore_mem>>)
    %and3A_195 = arith.constant -128 : i32
    %and3A_196 = arith.andi %squeeze3A_20, %and3A_195 : i32
    %multiple_of3A_197 = tpu.assume_multiple %and3A_196, 128 : i32
    %add3A_198 = arith.constant 8 : i32
    %add3A_199 = arith.addi %mul3A_2, %add3A_198 : i32
    %and3A_200 = arith.constant -8 : i32
    %and3A_201 = arith.andi %add3A_199, %and3A_200 : i32
    %multiple_of3A_202 = tpu.assume_multiple %and3A_201, 8 : i32
    %dma_start3A_203 = arith.constant 64 : i32
    %dma_start3A_204 = arith.constant 0 : i32
    %dma_start3A_205 = tpu.memref_slice %arg6[%dma_start3A_203, %dma_start3A_204] : memref<256x128xf32, #tpu.memory_space<vmem>> -> memref<8x128xf32, #tpu.memory_space<vmem>>
    %dma_start3A_206 = tpu.memref_slice %arg2[%multiple_of3A_202, %multiple_of3A_197] : memref<1024x100000xf32, #tpu.memory_space<hbm>> -> memref<8x128xf32, #tpu.memory_space<hbm>>
    %dma_start3A_207 = arith.constant 64 : i32
    %dma_start3A_208 = arith.constant 0 : i32
    %dma_start3A_209 = tpu.memref_slice %arg6[%dma_start3A_207, %dma_start3A_208] : memref<256x128xf32, #tpu.memory_space<vmem>> -> memref<8x128xf32, #tpu.memory_space<vmem>>
    %dma_start3A_210 = tpu.memref_slice %arg2[%multiple_of3A_202, %multiple_of3A_197] : memref<1024x100000xf32, #tpu.memory_space<hbm>> -> memref<8x128xf32, #tpu.memory_space<hbm>>
    tpu.enqueue_dma source(%dma_start3A_210 : memref<8x128xf32, #tpu.memory_space<hbm>>) target(%dma_start3A_209 : memref<8x128xf32, #tpu.memory_space<vmem>>) target_semaphore(%arg8 : memref<!tpu.dma_semaphore, #tpu.memory_space<semaphore_mem>>)
    %and3A_211 = arith.constant -128 : i32
    %and3A_212 = arith.andi %squeeze3A_22, %and3A_211 : i32
    %multiple_of3A_213 = tpu.assume_multiple %and3A_212, 128 : i32
    %add3A_214 = arith.constant 9 : i32
    %add3A_215 = arith.addi %mul3A_2, %add3A_214 : i32
    %and3A_216 = arith.constant -8 : i32
    %and3A_217 = arith.andi %add3A_215, %and3A_216 : i32
    %multiple_of3A_218 = tpu.assume_multiple %and3A_217, 8 : i32
    %dma_start3A_219 = arith.constant 72 : i32
    %dma_start3A_220 = arith.constant 0 : i32
    %dma_start3A_221 = tpu.memref_slice %arg6[%dma_start3A_219, %dma_start3A_220] : memref<256x128xf32, #tpu.memory_space<vmem>> -> memref<8x128xf32, #tpu.memory_space<vmem>>
    %dma_start3A_222 = tpu.memref_slice %arg2[%multiple_of3A_218, %multiple_of3A_213] : memref<1024x100000xf32, #tpu.memory_space<hbm>> -> memref<8x128xf32, #tpu.memory_space<hbm>>
    %dma_start3A_223 = arith.constant 72 : i32
    %dma_start3A_224 = arith.constant 0 : i32
    %dma_start3A_225 = tpu.memref_slice %arg6[%dma_start3A_223, %dma_start3A_224] : memref<256x128xf32, #tpu.memory_space<vmem>> -> memref<8x128xf32, #tpu.memory_space<vmem>>
    %dma_start3A_226 = tpu.memref_slice %arg2[%multiple_of3A_218, %multiple_of3A_213] : memref<1024x100000xf32, #tpu.memory_space<hbm>> -> memref<8x128xf32, #tpu.memory_space<hbm>>
    tpu.enqueue_dma source(%dma_start3A_226 : memref<8x128xf32, #tpu.memory_space<hbm>>) target(%dma_start3A_225 : memref<8x128xf32, #tpu.memory_space<vmem>>) target_semaphore(%arg8 : memref<!tpu.dma_semaphore, #tpu.memory_space<semaphore_mem>>)
    %and3A_227 = arith.constant -128 : i32
    %and3A_228 = arith.andi %squeeze3A_24, %and3A_227 : i32
    %multiple_of3A_229 = tpu.assume_multiple %and3A_228, 128 : i32
    %add3A_230 = arith.constant 10 : i32
    %add3A_231 = arith.addi %mul3A_2, %add3A_230 : i32
    %and3A_232 = arith.constant -8 : i32
    %and3A_233 = arith.andi %add3A_231, %and3A_232 : i32
    %multiple_of3A_234 = tpu.assume_multiple %and3A_233, 8 : i32
    %dma_start3A_235 = arith.constant 80 : i32
    %dma_start3A_236 = arith.constant 0 : i32
    %dma_start3A_237 = tpu.memref_slice %arg6[%dma_start3A_235, %dma_start3A_236] : memref<256x128xf32, #tpu.memory_space<vmem>> -> memref<8x128xf32, #tpu.memory_space<vmem>>
    %dma_start3A_238 = tpu.memref_slice %arg2[%multiple_of3A_234, %multiple_of3A_229] : memref<1024x100000xf32, #tpu.memory_space<hbm>> -> memref<8x128xf32, #tpu.memory_space<hbm>>
    %dma_start3A_239 = arith.constant 80 : i32
    %dma_start3A_240 = arith.constant 0 : i32
    %dma_start3A_241 = tpu.memref_slice %arg6[%dma_start3A_239, %dma_start3A_240] : memref<256x128xf32, #tpu.memory_space<vmem>> -> memref<8x128xf32, #tpu.memory_space<vmem>>
    %dma_start3A_242 = tpu.memref_slice %arg2[%multiple_of3A_234, %multiple_of3A_229] : memref<1024x100000xf32, #tpu.memory_space<hbm>> -> memref<8x128xf32, #tpu.memory_space<hbm>>
    tpu.enqueue_dma source(%dma_start3A_242 : memref<8x128xf32, #tpu.memory_space<hbm>>) target(%dma_start3A_241 : memref<8x128xf32, #tpu.memory_space<vmem>>) target_semaphore(%arg8 : memref<!tpu.dma_semaphore, #tpu.memory_space<semaphore_mem>>)
    %and3A_243 = arith.constant -128 : i32
    %and3A_244 = arith.andi %squeeze3A_26, %and3A_243 : i32
    %multiple_of3A_245 = tpu.assume_multiple %and3A_244, 128 : i32
    %add3A_246 = arith.constant 11 : i32
    %add3A_247 = arith.addi %mul3A_2, %add3A_246 : i32
    %and3A_248 = arith.constant -8 : i32
    %and3A_249 = arith.andi %add3A_247, %and3A_248 : i32
    %multiple_of3A_250 = tpu.assume_multiple %and3A_249, 8 : i32
    %dma_start3A_251 = arith.constant 88 : i32
    %dma_start3A_252 = arith.constant 0 : i32
    %dma_start3A_253 = tpu.memref_slice %arg6[%dma_start3A_251, %dma_start3A_252] : memref<256x128xf32, #tpu.memory_space<vmem>> -> memref<8x128xf32, #tpu.memory_space<vmem>>
    %dma_start3A_254 = tpu.memref_slice %arg2[%multiple_of3A_250, %multiple_of3A_245] : memref<1024x100000xf32, #tpu.memory_space<hbm>> -> memref<8x128xf32, #tpu.memory_space<hbm>>
    %dma_start3A_255 = arith.constant 88 : i32
    %dma_start3A_256 = arith.constant 0 : i32
    %dma_start3A_257 = tpu.memref_slice %arg6[%dma_start3A_255, %dma_start3A_256] : memref<256x128xf32, #tpu.memory_space<vmem>> -> memref<8x128xf32, #tpu.memory_space<vmem>>
    %dma_start3A_258 = tpu.memref_slice %arg2[%multiple_of3A_250, %multiple_of3A_245] : memref<1024x100000xf32, #tpu.memory_space<hbm>> -> memref<8x128xf32, #tpu.memory_space<hbm>>
    tpu.enqueue_dma source(%dma_start3A_258 : memref<8x128xf32, #tpu.memory_space<hbm>>) target(%dma_start3A_257 : memref<8x128xf32, #tpu.memory_space<vmem>>) target_semaphore(%arg8 : memref<!tpu.dma_semaphore, #tpu.memory_space<semaphore_mem>>)
    %and3A_259 = arith.constant -128 : i32
    %and3A_260 = arith.andi %squeeze3A_28, %and3A_259 : i32
    %multiple_of3A_261 = tpu.assume_multiple %and3A_260, 128 : i32
    %add3A_262 = arith.constant 12 : i32
    %add3A_263 = arith.addi %mul3A_2, %add3A_262 : i32
    %and3A_264 = arith.constant -8 : i32
    %and3A_265 = arith.andi %add3A_263, %and3A_264 : i32
    %multiple_of3A_266 = tpu.assume_multiple %and3A_265, 8 : i32
    %dma_start3A_267 = arith.constant 96 : i32
    %dma_start3A_268 = arith.constant 0 : i32
    %dma_start3A_269 = tpu.memref_slice %arg6[%dma_start3A_267, %dma_start3A_268] : memref<256x128xf32, #tpu.memory_space<vmem>> -> memref<8x128xf32, #tpu.memory_space<vmem>>
    %dma_start3A_270 = tpu.memref_slice %arg2[%multiple_of3A_266, %multiple_of3A_261] : memref<1024x100000xf32, #tpu.memory_space<hbm>> -> memref<8x128xf32, #tpu.memory_space<hbm>>
    %dma_start3A_271 = arith.constant 96 : i32
    %dma_start3A_272 = arith.constant 0 : i32
    %dma_start3A_273 = tpu.memref_slice %arg6[%dma_start3A_271, %dma_start3A_272] : memref<256x128xf32, #tpu.memory_space<vmem>> -> memref<8x128xf32, #tpu.memory_space<vmem>>
    %dma_start3A_274 = tpu.memref_slice %arg2[%multiple_of3A_266, %multiple_of3A_261] : memref<1024x100000xf32, #tpu.memory_space<hbm>> -> memref<8x128xf32, #tpu.memory_space<hbm>>
    tpu.enqueue_dma source(%dma_start3A_274 : memref<8x128xf32, #tpu.memory_space<hbm>>) target(%dma_start3A_273 : memref<8x128xf32, #tpu.memory_space<vmem>>) target_semaphore(%arg8 : memref<!tpu.dma_semaphore, #tpu.memory_space<semaphore_mem>>)
    %and3A_275 = arith.constant -128 : i32
    %and3A_276 = arith.andi %squeeze3A_30, %and3A_275 : i32
    %multiple_of3A_277 = tpu.assume_multiple %and3A_276, 128 : i32
    %add3A_278 = arith.constant 13 : i32
    %add3A_279 = arith.addi %mul3A_2, %add3A_278 : i32
    %and3A_280 = arith.constant -8 : i32
    %and3A_281 = arith.andi %add3A_279, %and3A_280 : i32
    %multiple_of3A_282 = tpu.assume_multiple %and3A_281, 8 : i32
    %dma_start3A_283 = arith.constant 104 : i32
    %dma_start3A_284 = arith.constant 0 : i32
    %dma_start3A_285 = tpu.memref_slice %arg6[%dma_start3A_283, %dma_start3A_284] : memref<256x128xf32, #tpu.memory_space<vmem>> -> memref<8x128xf32, #tpu.memory_space<vmem>>
    %dma_start3A_286 = tpu.memref_slice %arg2[%multiple_of3A_282, %multiple_of3A_277] : memref<1024x100000xf32, #tpu.memory_space<hbm>> -> memref<8x128xf32, #tpu.memory_space<hbm>>
    %dma_start3A_287 = arith.constant 104 : i32
    %dma_start3A_288 = arith.constant 0 : i32
    %dma_start3A_289 = tpu.memref_slice %arg6[%dma_start3A_287, %dma_start3A_288] : memref<256x128xf32, #tpu.memory_space<vmem>> -> memref<8x128xf32, #tpu.memory_space<vmem>>
    %dma_start3A_290 = tpu.memref_slice %arg2[%multiple_of3A_282, %multiple_of3A_277] : memref<1024x100000xf32, #tpu.memory_space<hbm>> -> memref<8x128xf32, #tpu.memory_space<hbm>>
    tpu.enqueue_dma source(%dma_start3A_290 : memref<8x128xf32, #tpu.memory_space<hbm>>) target(%dma_start3A_289 : memref<8x128xf32, #tpu.memory_space<vmem>>) target_semaphore(%arg8 : memref<!tpu.dma_semaphore, #tpu.memory_space<semaphore_mem>>)
    %and3A_291 = arith.constant -128 : i32
    %and3A_292 = arith.andi %squeeze3A_32, %and3A_291 : i32
    %multiple_of3A_293 = tpu.assume_multiple %and3A_292, 128 : i32
    %add3A_294 = arith.constant 14 : i32
    %add3A_295 = arith.addi %mul3A_2, %add3A_294 : i32
    %and3A_296 = arith.constant -8 : i32
    %and3A_297 = arith.andi %add3A_295, %and3A_296 : i32
    %multiple_of3A_298 = tpu.assume_multiple %and3A_297, 8 : i32
    %dma_start3A_299 = arith.constant 112 : i32
    %dma_start3A_300 = arith.constant 0 : i32
    %dma_start3A_301 = tpu.memref_slice %arg6[%dma_start3A_299, %dma_start3A_300] : memref<256x128xf32, #tpu.memory_space<vmem>> -> memref<8x128xf32, #tpu.memory_space<vmem>>
    %dma_start3A_302 = tpu.memref_slice %arg2[%multiple_of3A_298, %multiple_of3A_293] : memref<1024x100000xf32, #tpu.memory_space<hbm>> -> memref<8x128xf32, #tpu.memory_space<hbm>>
    %dma_start3A_303 = arith.constant 112 : i32
    %dma_start3A_304 = arith.constant 0 : i32
    %dma_start3A_305 = tpu.memref_slice %arg6[%dma_start3A_303, %dma_start3A_304] : memref<256x128xf32, #tpu.memory_space<vmem>> -> memref<8x128xf32, #tpu.memory_space<vmem>>
    %dma_start3A_306 = tpu.memref_slice %arg2[%multiple_of3A_298, %multiple_of3A_293] : memref<1024x100000xf32, #tpu.memory_space<hbm>> -> memref<8x128xf32, #tpu.memory_space<hbm>>
    tpu.enqueue_dma source(%dma_start3A_306 : memref<8x128xf32, #tpu.memory_space<hbm>>) target(%dma_start3A_305 : memref<8x128xf32, #tpu.memory_space<vmem>>) target_semaphore(%arg8 : memref<!tpu.dma_semaphore, #tpu.memory_space<semaphore_mem>>)
    %and3A_307 = arith.constant -128 : i32
    %and3A_308 = arith.andi %squeeze3A_34, %and3A_307 : i32
    %multiple_of3A_309 = tpu.assume_multiple %and3A_308, 128 : i32
    %add3A_310 = arith.constant 15 : i32
    %add3A_311 = arith.addi %mul3A_2, %add3A_310 : i32
    %and3A_312 = arith.constant -8 : i32
    %and3A_313 = arith.andi %add3A_311, %and3A_312 : i32
    %multiple_of3A_314 = tpu.assume_multiple %and3A_313, 8 : i32
    %dma_start3A_315 = arith.constant 120 : i32
    %dma_start3A_316 = arith.constant 0 : i32
    %dma_start3A_317 = tpu.memref_slice %arg6[%dma_start3A_315, %dma_start3A_316] : memref<256x128xf32, #tpu.memory_space<vmem>> -> memref<8x128xf32, #tpu.memory_space<vmem>>
    %dma_start3A_318 = tpu.memref_slice %arg2[%multiple_of3A_314, %multiple_of3A_309] : memref<1024x100000xf32, #tpu.memory_space<hbm>> -> memref<8x128xf32, #tpu.memory_space<hbm>>
    %dma_start3A_319 = arith.constant 120 : i32
    %dma_start3A_320 = arith.constant 0 : i32
    %dma_start3A_321 = tpu.memref_slice %arg6[%dma_start3A_319, %dma_start3A_320] : memref<256x128xf32, #tpu.memory_space<vmem>> -> memref<8x128xf32, #tpu.memory_space<vmem>>
    %dma_start3A_322 = tpu.memref_slice %arg2[%multiple_of3A_314, %multiple_of3A_309] : memref<1024x100000xf32, #tpu.memory_space<hbm>> -> memref<8x128xf32, #tpu.memory_space<hbm>>
    tpu.enqueue_dma source(%dma_start3A_322 : memref<8x128xf32, #tpu.memory_space<hbm>>) target(%dma_start3A_321 : memref<8x128xf32, #tpu.memory_space<vmem>>) target_semaphore(%arg8 : memref<!tpu.dma_semaphore, #tpu.memory_space<semaphore_mem>>)
    %and3A_323 = arith.constant -128 : i32
    %and3A_324 = arith.andi %squeeze3A_39, %and3A_323 : i32
    %multiple_of3A_325 = tpu.assume_multiple %and3A_324, 128 : i32
    %add3A_326 = arith.constant 16 : i32
    %add3A_327 = arith.addi %mul3A_2, %add3A_326 : i32
    %and3A_328 = arith.constant -8 : i32
    %and3A_329 = arith.andi %add3A_327, %and3A_328 : i32
    %multiple_of3A_330 = tpu.assume_multiple %and3A_329, 8 : i32
    %dma_start3A_331 = arith.constant 128 : i32
    %dma_start3A_332 = arith.constant 0 : i32
    %dma_start3A_333 = tpu.memref_slice %arg6[%dma_start3A_331, %dma_start3A_332] : memref<256x128xf32, #tpu.memory_space<vmem>> -> memref<8x128xf32, #tpu.memory_space<vmem>>
    %dma_start3A_334 = tpu.memref_slice %arg2[%multiple_of3A_330, %multiple_of3A_325] : memref<1024x100000xf32, #tpu.memory_space<hbm>> -> memref<8x128xf32, #tpu.memory_space<hbm>>
    %dma_start3A_335 = arith.constant 128 : i32
    %dma_start3A_336 = arith.constant 0 : i32
    %dma_start3A_337 = tpu.memref_slice %arg6[%dma_start3A_335, %dma_start3A_336] : memref<256x128xf32, #tpu.memory_space<vmem>> -> memref<8x128xf32, #tpu.memory_space<vmem>>
    %dma_start3A_338 = tpu.memref_slice %arg2[%multiple_of3A_330, %multiple_of3A_325] : memref<1024x100000xf32, #tpu.memory_space<hbm>> -> memref<8x128xf32, #tpu.memory_space<hbm>>
    tpu.enqueue_dma source(%dma_start3A_338 : memref<8x128xf32, #tpu.memory_space<hbm>>) target(%dma_start3A_337 : memref<8x128xf32, #tpu.memory_space<vmem>>) target_semaphore(%arg8 : memref<!tpu.dma_semaphore, #tpu.memory_space<semaphore_mem>>)
    %and3A_339 = arith.constant -128 : i32
    %and3A_340 = arith.andi %squeeze3A_41, %and3A_339 : i32
    %multiple_of3A_341 = tpu.assume_multiple %and3A_340, 128 : i32
    %add3A_342 = arith.constant 17 : i32
    %add3A_343 = arith.addi %mul3A_2, %add3A_342 : i32
    %and3A_344 = arith.constant -8 : i32
    %and3A_345 = arith.andi %add3A_343, %and3A_344 : i32
    %multiple_of3A_346 = tpu.assume_multiple %and3A_345, 8 : i32
    %dma_start3A_347 = arith.constant 136 : i32
    %dma_start3A_348 = arith.constant 0 : i32
    %dma_start3A_349 = tpu.memref_slice %arg6[%dma_start3A_347, %dma_start3A_348] : memref<256x128xf32, #tpu.memory_space<vmem>> -> memref<8x128xf32, #tpu.memory_space<vmem>>
    %dma_start3A_350 = tpu.memref_slice %arg2[%multiple_of3A_346, %multiple_of3A_341] : memref<1024x100000xf32, #tpu.memory_space<hbm>> -> memref<8x128xf32, #tpu.memory_space<hbm>>
    %dma_start3A_351 = arith.constant 136 : i32
    %dma_start3A_352 = arith.constant 0 : i32
    %dma_start3A_353 = tpu.memref_slice %arg6[%dma_start3A_351, %dma_start3A_352] : memref<256x128xf32, #tpu.memory_space<vmem>> -> memref<8x128xf32, #tpu.memory_space<vmem>>
    %dma_start3A_354 = tpu.memref_slice %arg2[%multiple_of3A_346, %multiple_of3A_341] : memref<1024x100000xf32, #tpu.memory_space<hbm>> -> memref<8x128xf32, #tpu.memory_space<hbm>>
    tpu.enqueue_dma source(%dma_start3A_354 : memref<8x128xf32, #tpu.memory_space<hbm>>) target(%dma_start3A_353 : memref<8x128xf32, #tpu.memory_space<vmem>>) target_semaphore(%arg8 : memref<!tpu.dma_semaphore, #tpu.memory_space<semaphore_mem>>)
    %and3A_355 = arith.constant -128 : i32
    %and3A_356 = arith.andi %squeeze3A_43, %and3A_355 : i32
    %multiple_of3A_357 = tpu.assume_multiple %and3A_356, 128 : i32
    %add3A_358 = arith.constant 18 : i32
    %add3A_359 = arith.addi %mul3A_2, %add3A_358 : i32
    %and3A_360 = arith.constant -8 : i32
    %and3A_361 = arith.andi %add3A_359, %and3A_360 : i32
    %multiple_of3A_362 = tpu.assume_multiple %and3A_361, 8 : i32
    %dma_start3A_363 = arith.constant 144 : i32
    %dma_start3A_364 = arith.constant 0 : i32
    %dma_start3A_365 = tpu.memref_slice %arg6[%dma_start3A_363, %dma_start3A_364] : memref<256x128xf32, #tpu.memory_space<vmem>> -> memref<8x128xf32, #tpu.memory_space<vmem>>
    %dma_start3A_366 = tpu.memref_slice %arg2[%multiple_of3A_362, %multiple_of3A_357] : memref<1024x100000xf32, #tpu.memory_space<hbm>> -> memref<8x128xf32, #tpu.memory_space<hbm>>
    %dma_start3A_367 = arith.constant 144 : i32
    %dma_start3A_368 = arith.constant 0 : i32
    %dma_start3A_369 = tpu.memref_slice %arg6[%dma_start3A_367, %dma_start3A_368] : memref<256x128xf32, #tpu.memory_space<vmem>> -> memref<8x128xf32, #tpu.memory_space<vmem>>
    %dma_start3A_370 = tpu.memref_slice %arg2[%multiple_of3A_362, %multiple_of3A_357] : memref<1024x100000xf32, #tpu.memory_space<hbm>> -> memref<8x128xf32, #tpu.memory_space<hbm>>
    tpu.enqueue_dma source(%dma_start3A_370 : memref<8x128xf32, #tpu.memory_space<hbm>>) target(%dma_start3A_369 : memref<8x128xf32, #tpu.memory_space<vmem>>) target_semaphore(%arg8 : memref<!tpu.dma_semaphore, #tpu.memory_space<semaphore_mem>>)
    %and3A_371 = arith.constant -128 : i32
    %and3A_372 = arith.andi %squeeze3A_45, %and3A_371 : i32
    %multiple_of3A_373 = tpu.assume_multiple %and3A_372, 128 : i32
    %add3A_374 = arith.constant 19 : i32
    %add3A_375 = arith.addi %mul3A_2, %add3A_374 : i32
    %and3A_376 = arith.constant -8 : i32
    %and3A_377 = arith.andi %add3A_375, %and3A_376 : i32
    %multiple_of3A_378 = tpu.assume_multiple %and3A_377, 8 : i32
    %dma_start3A_379 = arith.constant 152 : i32
    %dma_start3A_380 = arith.constant 0 : i32
    %dma_start3A_381 = tpu.memref_slice %arg6[%dma_start3A_379, %dma_start3A_380] : memref<256x128xf32, #tpu.memory_space<vmem>> -> memref<8x128xf32, #tpu.memory_space<vmem>>
    %dma_start3A_382 = tpu.memref_slice %arg2[%multiple_of3A_378, %multiple_of3A_373] : memref<1024x100000xf32, #tpu.memory_space<hbm>> -> memref<8x128xf32, #tpu.memory_space<hbm>>
    %dma_start3A_383 = arith.constant 152 : i32
    %dma_start3A_384 = arith.constant 0 : i32
    %dma_start3A_385 = tpu.memref_slice %arg6[%dma_start3A_383, %dma_start3A_384] : memref<256x128xf32, #tpu.memory_space<vmem>> -> memref<8x128xf32, #tpu.memory_space<vmem>>
    %dma_start3A_386 = tpu.memref_slice %arg2[%multiple_of3A_378, %multiple_of3A_373] : memref<1024x100000xf32, #tpu.memory_space<hbm>> -> memref<8x128xf32, #tpu.memory_space<hbm>>
    tpu.enqueue_dma source(%dma_start3A_386 : memref<8x128xf32, #tpu.memory_space<hbm>>) target(%dma_start3A_385 : memref<8x128xf32, #tpu.memory_space<vmem>>) target_semaphore(%arg8 : memref<!tpu.dma_semaphore, #tpu.memory_space<semaphore_mem>>)
    %and3A_387 = arith.constant -128 : i32
    %and3A_388 = arith.andi %squeeze3A_47, %and3A_387 : i32
    %multiple_of3A_389 = tpu.assume_multiple %and3A_388, 128 : i32
    %add3A_390 = arith.constant 20 : i32
    %add3A_391 = arith.addi %mul3A_2, %add3A_390 : i32
    %and3A_392 = arith.constant -8 : i32
    %and3A_393 = arith.andi %add3A_391, %and3A_392 : i32
    %multiple_of3A_394 = tpu.assume_multiple %and3A_393, 8 : i32
    %dma_start3A_395 = arith.constant 160 : i32
    %dma_start3A_396 = arith.constant 0 : i32
    %dma_start3A_397 = tpu.memref_slice %arg6[%dma_start3A_395, %dma_start3A_396] : memref<256x128xf32, #tpu.memory_space<vmem>> -> memref<8x128xf32, #tpu.memory_space<vmem>>
    %dma_start3A_398 = tpu.memref_slice %arg2[%multiple_of3A_394, %multiple_of3A_389] : memref<1024x100000xf32, #tpu.memory_space<hbm>> -> memref<8x128xf32, #tpu.memory_space<hbm>>
    %dma_start3A_399 = arith.constant 160 : i32
    %dma_start3A_400 = arith.constant 0 : i32
    %dma_start3A_401 = tpu.memref_slice %arg6[%dma_start3A_399, %dma_start3A_400] : memref<256x128xf32, #tpu.memory_space<vmem>> -> memref<8x128xf32, #tpu.memory_space<vmem>>
    %dma_start3A_402 = tpu.memref_slice %arg2[%multiple_of3A_394, %multiple_of3A_389] : memref<1024x100000xf32, #tpu.memory_space<hbm>> -> memref<8x128xf32, #tpu.memory_space<hbm>>
    tpu.enqueue_dma source(%dma_start3A_402 : memref<8x128xf32, #tpu.memory_space<hbm>>) target(%dma_start3A_401 : memref<8x128xf32, #tpu.memory_space<vmem>>) target_semaphore(%arg8 : memref<!tpu.dma_semaphore, #tpu.memory_space<semaphore_mem>>)
    %and3A_403 = arith.constant -128 : i32
    %and3A_404 = arith.andi %squeeze3A_49, %and3A_403 : i32
    %multiple_of3A_405 = tpu.assume_multiple %and3A_404, 128 : i32
    %add3A_406 = arith.constant 21 : i32
    %add3A_407 = arith.addi %mul3A_2, %add3A_406 : i32
    %and3A_408 = arith.constant -8 : i32
    %and3A_409 = arith.andi %add3A_407, %and3A_408 : i32
    %multiple_of3A_410 = tpu.assume_multiple %and3A_409, 8 : i32
    %dma_start3A_411 = arith.constant 168 : i32
    %dma_start3A_412 = arith.constant 0 : i32
    %dma_start3A_413 = tpu.memref_slice %arg6[%dma_start3A_411, %dma_start3A_412] : memref<256x128xf32, #tpu.memory_space<vmem>> -> memref<8x128xf32, #tpu.memory_space<vmem>>
    %dma_start3A_414 = tpu.memref_slice %arg2[%multiple_of3A_410, %multiple_of3A_405] : memref<1024x100000xf32, #tpu.memory_space<hbm>> -> memref<8x128xf32, #tpu.memory_space<hbm>>
    %dma_start3A_415 = arith.constant 168 : i32
    %dma_start3A_416 = arith.constant 0 : i32
    %dma_start3A_417 = tpu.memref_slice %arg6[%dma_start3A_415, %dma_start3A_416] : memref<256x128xf32, #tpu.memory_space<vmem>> -> memref<8x128xf32, #tpu.memory_space<vmem>>
    %dma_start3A_418 = tpu.memref_slice %arg2[%multiple_of3A_410, %multiple_of3A_405] : memref<1024x100000xf32, #tpu.memory_space<hbm>> -> memref<8x128xf32, #tpu.memory_space<hbm>>
    tpu.enqueue_dma source(%dma_start3A_418 : memref<8x128xf32, #tpu.memory_space<hbm>>) target(%dma_start3A_417 : memref<8x128xf32, #tpu.memory_space<vmem>>) target_semaphore(%arg8 : memref<!tpu.dma_semaphore, #tpu.memory_space<semaphore_mem>>)
    %and3A_419 = arith.constant -128 : i32
    %and3A_420 = arith.andi %squeeze3A_51, %and3A_419 : i32
    %multiple_of3A_421 = tpu.assume_multiple %and3A_420, 128 : i32
    %add3A_422 = arith.constant 22 : i32
    %add3A_423 = arith.addi %mul3A_2, %add3A_422 : i32
    %and3A_424 = arith.constant -8 : i32
    %and3A_425 = arith.andi %add3A_423, %and3A_424 : i32
    %multiple_of3A_426 = tpu.assume_multiple %and3A_425, 8 : i32
    %dma_start3A_427 = arith.constant 176 : i32
    %dma_start3A_428 = arith.constant 0 : i32
    %dma_start3A_429 = tpu.memref_slice %arg6[%dma_start3A_427, %dma_start3A_428] : memref<256x128xf32, #tpu.memory_space<vmem>> -> memref<8x128xf32, #tpu.memory_space<vmem>>
    %dma_start3A_430 = tpu.memref_slice %arg2[%multiple_of3A_426, %multiple_of3A_421] : memref<1024x100000xf32, #tpu.memory_space<hbm>> -> memref<8x128xf32, #tpu.memory_space<hbm>>
    %dma_start3A_431 = arith.constant 176 : i32
    %dma_start3A_432 = arith.constant 0 : i32
    %dma_start3A_433 = tpu.memref_slice %arg6[%dma_start3A_431, %dma_start3A_432] : memref<256x128xf32, #tpu.memory_space<vmem>> -> memref<8x128xf32, #tpu.memory_space<vmem>>
    %dma_start3A_434 = tpu.memref_slice %arg2[%multiple_of3A_426, %multiple_of3A_421] : memref<1024x100000xf32, #tpu.memory_space<hbm>> -> memref<8x128xf32, #tpu.memory_space<hbm>>
    tpu.enqueue_dma source(%dma_start3A_434 : memref<8x128xf32, #tpu.memory_space<hbm>>) target(%dma_start3A_433 : memref<8x128xf32, #tpu.memory_space<vmem>>) target_semaphore(%arg8 : memref<!tpu.dma_semaphore, #tpu.memory_space<semaphore_mem>>)
    %and3A_435 = arith.constant -128 : i32
    %and3A_436 = arith.andi %squeeze3A_53, %and3A_435 : i32
    %multiple_of3A_437 = tpu.assume_multiple %and3A_436, 128 : i32
    %add3A_438 = arith.constant 23 : i32
    %add3A_439 = arith.addi %mul3A_2, %add3A_438 : i32
    %and3A_440 = arith.constant -8 : i32
    %and3A_441 = arith.andi %add3A_439, %and3A_440 : i32
    %multiple_of3A_442 = tpu.assume_multiple %and3A_441, 8 : i32
    %dma_start3A_443 = arith.constant 184 : i32
    %dma_start3A_444 = arith.constant 0 : i32
    %dma_start3A_445 = tpu.memref_slice %arg6[%dma_start3A_443, %dma_start3A_444] : memref<256x128xf32, #tpu.memory_space<vmem>> -> memref<8x128xf32, #tpu.memory_space<vmem>>
    %dma_start3A_446 = tpu.memref_slice %arg2[%multiple_of3A_442, %multiple_of3A_437] : memref<1024x100000xf32, #tpu.memory_space<hbm>> -> memref<8x128xf32, #tpu.memory_space<hbm>>
    %dma_start3A_447 = arith.constant 184 : i32
    %dma_start3A_448 = arith.constant 0 : i32
    %dma_start3A_449 = tpu.memref_slice %arg6[%dma_start3A_447, %dma_start3A_448] : memref<256x128xf32, #tpu.memory_space<vmem>> -> memref<8x128xf32, #tpu.memory_space<vmem>>
    %dma_start3A_450 = tpu.memref_slice %arg2[%multiple_of3A_442, %multiple_of3A_437] : memref<1024x100000xf32, #tpu.memory_space<hbm>> -> memref<8x128xf32, #tpu.memory_space<hbm>>
    tpu.enqueue_dma source(%dma_start3A_450 : memref<8x128xf32, #tpu.memory_space<hbm>>) target(%dma_start3A_449 : memref<8x128xf32, #tpu.memory_space<vmem>>) target_semaphore(%arg8 : memref<!tpu.dma_semaphore, #tpu.memory_space<semaphore_mem>>)
    %and3A_451 = arith.constant -128 : i32
    %and3A_452 = arith.andi %squeeze3A_55, %and3A_451 : i32
    %multiple_of3A_453 = tpu.assume_multiple %and3A_452, 128 : i32
    %add3A_454 = arith.constant 24 : i32
    %add3A_455 = arith.addi %mul3A_2, %add3A_454 : i32
    %and3A_456 = arith.constant -8 : i32
    %and3A_457 = arith.andi %add3A_455, %and3A_456 : i32
    %multiple_of3A_458 = tpu.assume_multiple %and3A_457, 8 : i32
    %dma_start3A_459 = arith.constant 192 : i32
    %dma_start3A_460 = arith.constant 0 : i32
    %dma_start3A_461 = tpu.memref_slice %arg6[%dma_start3A_459, %dma_start3A_460] : memref<256x128xf32, #tpu.memory_space<vmem>> -> memref<8x128xf32, #tpu.memory_space<vmem>>
    %dma_start3A_462 = tpu.memref_slice %arg2[%multiple_of3A_458, %multiple_of3A_453] : memref<1024x100000xf32, #tpu.memory_space<hbm>> -> memref<8x128xf32, #tpu.memory_space<hbm>>
    %dma_start3A_463 = arith.constant 192 : i32
    %dma_start3A_464 = arith.constant 0 : i32
    %dma_start3A_465 = tpu.memref_slice %arg6[%dma_start3A_463, %dma_start3A_464] : memref<256x128xf32, #tpu.memory_space<vmem>> -> memref<8x128xf32, #tpu.memory_space<vmem>>
    %dma_start3A_466 = tpu.memref_slice %arg2[%multiple_of3A_458, %multiple_of3A_453] : memref<1024x100000xf32, #tpu.memory_space<hbm>> -> memref<8x128xf32, #tpu.memory_space<hbm>>
    tpu.enqueue_dma source(%dma_start3A_466 : memref<8x128xf32, #tpu.memory_space<hbm>>) target(%dma_start3A_465 : memref<8x128xf32, #tpu.memory_space<vmem>>) target_semaphore(%arg8 : memref<!tpu.dma_semaphore, #tpu.memory_space<semaphore_mem>>)
    %and3A_467 = arith.constant -128 : i32
    %and3A_468 = arith.andi %squeeze3A_57, %and3A_467 : i32
    %multiple_of3A_469 = tpu.assume_multiple %and3A_468, 128 : i32
    %add3A_470 = arith.constant 25 : i32
    %add3A_471 = arith.addi %mul3A_2, %add3A_470 : i32
    %and3A_472 = arith.constant -8 : i32
    %and3A_473 = arith.andi %add3A_471, %and3A_472 : i32
    %multiple_of3A_474 = tpu.assume_multiple %and3A_473, 8 : i32
    %dma_start3A_475 = arith.constant 200 : i32
    %dma_start3A_476 = arith.constant 0 : i32
    %dma_start3A_477 = tpu.memref_slice %arg6[%dma_start3A_475, %dma_start3A_476] : memref<256x128xf32, #tpu.memory_space<vmem>> -> memref<8x128xf32, #tpu.memory_space<vmem>>
    %dma_start3A_478 = tpu.memref_slice %arg2[%multiple_of3A_474, %multiple_of3A_469] : memref<1024x100000xf32, #tpu.memory_space<hbm>> -> memref<8x128xf32, #tpu.memory_space<hbm>>
    %dma_start3A_479 = arith.constant 200 : i32
    %dma_start3A_480 = arith.constant 0 : i32
    %dma_start3A_481 = tpu.memref_slice %arg6[%dma_start3A_479, %dma_start3A_480] : memref<256x128xf32, #tpu.memory_space<vmem>> -> memref<8x128xf32, #tpu.memory_space<vmem>>
    %dma_start3A_482 = tpu.memref_slice %arg2[%multiple_of3A_474, %multiple_of3A_469] : memref<1024x100000xf32, #tpu.memory_space<hbm>> -> memref<8x128xf32, #tpu.memory_space<hbm>>
    tpu.enqueue_dma source(%dma_start3A_482 : memref<8x128xf32, #tpu.memory_space<hbm>>) target(%dma_start3A_481 : memref<8x128xf32, #tpu.memory_space<vmem>>) target_semaphore(%arg8 : memref<!tpu.dma_semaphore, #tpu.memory_space<semaphore_mem>>)
    %and3A_483 = arith.constant -128 : i32
    %and3A_484 = arith.andi %squeeze3A_59, %and3A_483 : i32
    %multiple_of3A_485 = tpu.assume_multiple %and3A_484, 128 : i32
    %add3A_486 = arith.constant 26 : i32
    %add3A_487 = arith.addi %mul3A_2, %add3A_486 : i32
    %and3A_488 = arith.constant -8 : i32
    %and3A_489 = arith.andi %add3A_487, %and3A_488 : i32
    %multiple_of3A_490 = tpu.assume_multiple %and3A_489, 8 : i32
    %dma_start3A_491 = arith.constant 208 : i32
    %dma_start3A_492 = arith.constant 0 : i32
    %dma_start3A_493 = tpu.memref_slice %arg6[%dma_start3A_491, %dma_start3A_492] : memref<256x128xf32, #tpu.memory_space<vmem>> -> memref<8x128xf32, #tpu.memory_space<vmem>>
    %dma_start3A_494 = tpu.memref_slice %arg2[%multiple_of3A_490, %multiple_of3A_485] : memref<1024x100000xf32, #tpu.memory_space<hbm>> -> memref<8x128xf32, #tpu.memory_space<hbm>>
    %dma_start3A_495 = arith.constant 208 : i32
    %dma_start3A_496 = arith.constant 0 : i32
    %dma_start3A_497 = tpu.memref_slice %arg6[%dma_start3A_495, %dma_start3A_496] : memref<256x128xf32, #tpu.memory_space<vmem>> -> memref<8x128xf32, #tpu.memory_space<vmem>>
    %dma_start3A_498 = tpu.memref_slice %arg2[%multiple_of3A_490, %multiple_of3A_485] : memref<1024x100000xf32, #tpu.memory_space<hbm>> -> memref<8x128xf32, #tpu.memory_space<hbm>>
    tpu.enqueue_dma source(%dma_start3A_498 : memref<8x128xf32, #tpu.memory_space<hbm>>) target(%dma_start3A_497 : memref<8x128xf32, #tpu.memory_space<vmem>>) target_semaphore(%arg8 : memref<!tpu.dma_semaphore, #tpu.memory_space<semaphore_mem>>)
    %and3A_499 = arith.constant -128 : i32
    %and3A_500 = arith.andi %squeeze3A_61, %and3A_499 : i32
    %multiple_of3A_501 = tpu.assume_multiple %and3A_500, 128 : i32
    %add3A_502 = arith.constant 27 : i32
    %add3A_503 = arith.addi %mul3A_2, %add3A_502 : i32
    %and3A_504 = arith.constant -8 : i32
    %and3A_505 = arith.andi %add3A_503, %and3A_504 : i32
    %multiple_of3A_506 = tpu.assume_multiple %and3A_505, 8 : i32
    %dma_start3A_507 = arith.constant 216 : i32
    %dma_start3A_508 = arith.constant 0 : i32
    %dma_start3A_509 = tpu.memref_slice %arg6[%dma_start3A_507, %dma_start3A_508] : memref<256x128xf32, #tpu.memory_space<vmem>> -> memref<8x128xf32, #tpu.memory_space<vmem>>
    %dma_start3A_510 = tpu.memref_slice %arg2[%multiple_of3A_506, %multiple_of3A_501] : memref<1024x100000xf32, #tpu.memory_space<hbm>> -> memref<8x128xf32, #tpu.memory_space<hbm>>
    %dma_start3A_511 = arith.constant 216 : i32
    %dma_start3A_512 = arith.constant 0 : i32
    %dma_start3A_513 = tpu.memref_slice %arg6[%dma_start3A_511, %dma_start3A_512] : memref<256x128xf32, #tpu.memory_space<vmem>> -> memref<8x128xf32, #tpu.memory_space<vmem>>
    %dma_start3A_514 = tpu.memref_slice %arg2[%multiple_of3A_506, %multiple_of3A_501] : memref<1024x100000xf32, #tpu.memory_space<hbm>> -> memref<8x128xf32, #tpu.memory_space<hbm>>
    tpu.enqueue_dma source(%dma_start3A_514 : memref<8x128xf32, #tpu.memory_space<hbm>>) target(%dma_start3A_513 : memref<8x128xf32, #tpu.memory_space<vmem>>) target_semaphore(%arg8 : memref<!tpu.dma_semaphore, #tpu.memory_space<semaphore_mem>>)
    %and3A_515 = arith.constant -128 : i32
    %and3A_516 = arith.andi %squeeze3A_63, %and3A_515 : i32
    %multiple_of3A_517 = tpu.assume_multiple %and3A_516, 128 : i32
    %add3A_518 = arith.constant 28 : i32
    %add3A_519 = arith.addi %mul3A_2, %add3A_518 : i32
    %and3A_520 = arith.constant -8 : i32
    %and3A_521 = arith.andi %add3A_519, %and3A_520 : i32
    %multiple_of3A_522 = tpu.assume_multiple %and3A_521, 8 : i32
    %dma_start3A_523 = arith.constant 224 : i32
    %dma_start3A_524 = arith.constant 0 : i32
    %dma_start3A_525 = tpu.memref_slice %arg6[%dma_start3A_523, %dma_start3A_524] : memref<256x128xf32, #tpu.memory_space<vmem>> -> memref<8x128xf32, #tpu.memory_space<vmem>>
    %dma_start3A_526 = tpu.memref_slice %arg2[%multiple_of3A_522, %multiple_of3A_517] : memref<1024x100000xf32, #tpu.memory_space<hbm>> -> memref<8x128xf32, #tpu.memory_space<hbm>>
    %dma_start3A_527 = arith.constant 224 : i32
    %dma_start3A_528 = arith.constant 0 : i32
    %dma_start3A_529 = tpu.memref_slice %arg6[%dma_start3A_527, %dma_start3A_528] : memref<256x128xf32, #tpu.memory_space<vmem>> -> memref<8x128xf32, #tpu.memory_space<vmem>>
    %dma_start3A_530 = tpu.memref_slice %arg2[%multiple_of3A_522, %multiple_of3A_517] : memref<1024x100000xf32, #tpu.memory_space<hbm>> -> memref<8x128xf32, #tpu.memory_space<hbm>>
    tpu.enqueue_dma source(%dma_start3A_530 : memref<8x128xf32, #tpu.memory_space<hbm>>) target(%dma_start3A_529 : memref<8x128xf32, #tpu.memory_space<vmem>>) target_semaphore(%arg8 : memref<!tpu.dma_semaphore, #tpu.memory_space<semaphore_mem>>)
    %and3A_531 = arith.constant -128 : i32
    %and3A_532 = arith.andi %squeeze3A_65, %and3A_531 : i32
    %multiple_of3A_533 = tpu.assume_multiple %and3A_532, 128 : i32
    %add3A_534 = arith.constant 29 : i32
    %add3A_535 = arith.addi %mul3A_2, %add3A_534 : i32
    %and3A_536 = arith.constant -8 : i32
    %and3A_537 = arith.andi %add3A_535, %and3A_536 : i32
    %multiple_of3A_538 = tpu.assume_multiple %and3A_537, 8 : i32
    %dma_start3A_539 = arith.constant 232 : i32
    %dma_start3A_540 = arith.constant 0 : i32
    %dma_start3A_541 = tpu.memref_slice %arg6[%dma_start3A_539, %dma_start3A_540] : memref<256x128xf32, #tpu.memory_space<vmem>> -> memref<8x128xf32, #tpu.memory_space<vmem>>
    %dma_start3A_542 = tpu.memref_slice %arg2[%multiple_of3A_538, %multiple_of3A_533] : memref<1024x100000xf32, #tpu.memory_space<hbm>> -> memref<8x128xf32, #tpu.memory_space<hbm>>
    %dma_start3A_543 = arith.constant 232 : i32
    %dma_start3A_544 = arith.constant 0 : i32
    %dma_start3A_545 = tpu.memref_slice %arg6[%dma_start3A_543, %dma_start3A_544] : memref<256x128xf32, #tpu.memory_space<vmem>> -> memref<8x128xf32, #tpu.memory_space<vmem>>
    %dma_start3A_546 = tpu.memref_slice %arg2[%multiple_of3A_538, %multiple_of3A_533] : memref<1024x100000xf32, #tpu.memory_space<hbm>> -> memref<8x128xf32, #tpu.memory_space<hbm>>
    tpu.enqueue_dma source(%dma_start3A_546 : memref<8x128xf32, #tpu.memory_space<hbm>>) target(%dma_start3A_545 : memref<8x128xf32, #tpu.memory_space<vmem>>) target_semaphore(%arg8 : memref<!tpu.dma_semaphore, #tpu.memory_space<semaphore_mem>>)
    %and3A_547 = arith.constant -128 : i32
    %and3A_548 = arith.andi %squeeze3A_67, %and3A_547 : i32
    %multiple_of3A_549 = tpu.assume_multiple %and3A_548, 128 : i32
    %add3A_550 = arith.constant 30 : i32
    %add3A_551 = arith.addi %mul3A_2, %add3A_550 : i32
    %and3A_552 = arith.constant -8 : i32
    %and3A_553 = arith.andi %add3A_551, %and3A_552 : i32
    %multiple_of3A_554 = tpu.assume_multiple %and3A_553, 8 : i32
    %dma_start3A_555 = arith.constant 240 : i32
    %dma_start3A_556 = arith.constant 0 : i32
    %dma_start3A_557 = tpu.memref_slice %arg6[%dma_start3A_555, %dma_start3A_556] : memref<256x128xf32, #tpu.memory_space<vmem>> -> memref<8x128xf32, #tpu.memory_space<vmem>>
    %dma_start3A_558 = tpu.memref_slice %arg2[%multiple_of3A_554, %multiple_of3A_549] : memref<1024x100000xf32, #tpu.memory_space<hbm>> -> memref<8x128xf32, #tpu.memory_space<hbm>>
    %dma_start3A_559 = arith.constant 240 : i32
    %dma_start3A_560 = arith.constant 0 : i32
    %dma_start3A_561 = tpu.memref_slice %arg6[%dma_start3A_559, %dma_start3A_560] : memref<256x128xf32, #tpu.memory_space<vmem>> -> memref<8x128xf32, #tpu.memory_space<vmem>>
    %dma_start3A_562 = tpu.memref_slice %arg2[%multiple_of3A_554, %multiple_of3A_549] : memref<1024x100000xf32, #tpu.memory_space<hbm>> -> memref<8x128xf32, #tpu.memory_space<hbm>>
    tpu.enqueue_dma source(%dma_start3A_562 : memref<8x128xf32, #tpu.memory_space<hbm>>) target(%dma_start3A_561 : memref<8x128xf32, #tpu.memory_space<vmem>>) target_semaphore(%arg8 : memref<!tpu.dma_semaphore, #tpu.memory_space<semaphore_mem>>)
    %and3A_563 = arith.constant -128 : i32
    %and3A_564 = arith.andi %squeeze3A_69, %and3A_563 : i32
    %multiple_of3A_565 = tpu.assume_multiple %and3A_564, 128 : i32
    %add3A_566 = arith.constant 31 : i32
    %add3A_567 = arith.addi %mul3A_2, %add3A_566 : i32
    %and3A_568 = arith.constant -8 : i32
    %and3A_569 = arith.andi %add3A_567, %and3A_568 : i32
    %multiple_of3A_570 = tpu.assume_multiple %and3A_569, 8 : i32
    %dma_start3A_571 = arith.constant 248 : i32
    %dma_start3A_572 = arith.constant 0 : i32
    %dma_start3A_573 = tpu.memref_slice %arg6[%dma_start3A_571, %dma_start3A_572] : memref<256x128xf32, #tpu.memory_space<vmem>> -> memref<8x128xf32, #tpu.memory_space<vmem>>
    %dma_start3A_574 = tpu.memref_slice %arg2[%multiple_of3A_570, %multiple_of3A_565] : memref<1024x100000xf32, #tpu.memory_space<hbm>> -> memref<8x128xf32, #tpu.memory_space<hbm>>
    %dma_start3A_575 = arith.constant 248 : i32
    %dma_start3A_576 = arith.constant 0 : i32
    %dma_start3A_577 = tpu.memref_slice %arg6[%dma_start3A_575, %dma_start3A_576] : memref<256x128xf32, #tpu.memory_space<vmem>> -> memref<8x128xf32, #tpu.memory_space<vmem>>
    %dma_start3A_578 = tpu.memref_slice %arg2[%multiple_of3A_570, %multiple_of3A_565] : memref<1024x100000xf32, #tpu.memory_space<hbm>> -> memref<8x128xf32, #tpu.memory_space<hbm>>
    tpu.enqueue_dma source(%dma_start3A_578 : memref<8x128xf32, #tpu.memory_space<hbm>>) target(%dma_start3A_577 : memref<8x128xf32, #tpu.memory_space<vmem>>) target_semaphore(%arg8 : memref<!tpu.dma_semaphore, #tpu.memory_space<semaphore_mem>>)
    %dma_wait3A = arith.constant 0 : i32
    %dma_wait3A_579 = arith.constant 0 : i32
    %dma_wait3A_580 = tpu.memref_slice %arg6[%dma_wait3A, %dma_wait3A_579] : memref<256x128xf32, #tpu.memory_space<vmem>> -> memref<8x128xf32, #tpu.memory_space<vmem>>
    %dma_wait3A_581 = tpu.memref_slice %arg2[%multiple_of3A_75, %multiple_of3A] : memref<1024x100000xf32, #tpu.memory_space<hbm>> -> memref<8x128xf32, #tpu.memory_space<hbm>>
    %dma_wait3A_582 = arith.constant 0 : i32
    %dma_wait3A_583 = arith.constant 0 : i32
    %dma_wait3A_584 = tpu.memref_slice %arg6[%dma_wait3A_582, %dma_wait3A_583] : memref<256x128xf32, #tpu.memory_space<vmem>> -> memref<8x128xf32, #tpu.memory_space<vmem>>
    %dma_wait3A_585 = tpu.memref_slice %arg2[%multiple_of3A_75, %multiple_of3A] : memref<1024x100000xf32, #tpu.memory_space<hbm>> -> memref<8x128xf32, #tpu.memory_space<hbm>>
    tpu.wait_dma2 semaphore(%arg8 : memref<!tpu.dma_semaphore, #tpu.memory_space<semaphore_mem>>) src(%dma_wait3A_585 : memref<8x128xf32, #tpu.memory_space<hbm>>) dst(%dma_wait3A_584 : memref<8x128xf32, #tpu.memory_space<vmem>>)
    %dma_wait3A_586 = arith.constant 8 : i32
    %dma_wait3A_587 = arith.constant 0 : i32
    %dma_wait3A_588 = tpu.memref_slice %arg6[%dma_wait3A_586, %dma_wait3A_587] : memref<256x128xf32, #tpu.memory_space<vmem>> -> memref<8x128xf32, #tpu.memory_space<vmem>>
    %dma_wait3A_589 = tpu.memref_slice %arg2[%multiple_of3A_90, %multiple_of3A_85] : memref<1024x100000xf32, #tpu.memory_space<hbm>> -> memref<8x128xf32, #tpu.memory_space<hbm>>
    %dma_wait3A_590 = arith.constant 8 : i32
    %dma_wait3A_591 = arith.constant 0 : i32
    %dma_wait3A_592 = tpu.memref_slice %arg6[%dma_wait3A_590, %dma_wait3A_591] : memref<256x128xf32, #tpu.memory_space<vmem>> -> memref<8x128xf32, #tpu.memory_space<vmem>>
    %dma_wait3A_593 = tpu.memref_slice %arg2[%multiple_of3A_90, %multiple_of3A_85] : memref<1024x100000xf32, #tpu.memory_space<hbm>> -> memref<8x128xf32, #tpu.memory_space<hbm>>
    tpu.wait_dma2 semaphore(%arg8 : memref<!tpu.dma_semaphore, #tpu.memory_space<semaphore_mem>>) src(%dma_wait3A_593 : memref<8x128xf32, #tpu.memory_space<hbm>>) dst(%dma_wait3A_592 : memref<8x128xf32, #tpu.memory_space<vmem>>)
    %dma_wait3A_594 = arith.constant 16 : i32
    %dma_wait3A_595 = arith.constant 0 : i32
    %dma_wait3A_596 = tpu.memref_slice %arg6[%dma_wait3A_594, %dma_wait3A_595] : memref<256x128xf32, #tpu.memory_space<vmem>> -> memref<8x128xf32, #tpu.memory_space<vmem>>
    %dma_wait3A_597 = tpu.memref_slice %arg2[%multiple_of3A_106, %multiple_of3A_101] : memref<1024x100000xf32, #tpu.memory_space<hbm>> -> memref<8x128xf32, #tpu.memory_space<hbm>>
    %dma_wait3A_598 = arith.constant 16 : i32
    %dma_wait3A_599 = arith.constant 0 : i32
    %dma_wait3A_600 = tpu.memref_slice %arg6[%dma_wait3A_598, %dma_wait3A_599] : memref<256x128xf32, #tpu.memory_space<vmem>> -> memref<8x128xf32, #tpu.memory_space<vmem>>
    %dma_wait3A_601 = tpu.memref_slice %arg2[%multiple_of3A_106, %multiple_of3A_101] : memref<1024x100000xf32, #tpu.memory_space<hbm>> -> memref<8x128xf32, #tpu.memory_space<hbm>>
    tpu.wait_dma2 semaphore(%arg8 : memref<!tpu.dma_semaphore, #tpu.memory_space<semaphore_mem>>) src(%dma_wait3A_601 : memref<8x128xf32, #tpu.memory_space<hbm>>) dst(%dma_wait3A_600 : memref<8x128xf32, #tpu.memory_space<vmem>>)
    %dma_wait3A_602 = arith.constant 24 : i32
    %dma_wait3A_603 = arith.constant 0 : i32
    %dma_wait3A_604 = tpu.memref_slice %arg6[%dma_wait3A_602, %dma_wait3A_603] : memref<256x128xf32, #tpu.memory_space<vmem>> -> memref<8x128xf32, #tpu.memory_space<vmem>>
    %dma_wait3A_605 = tpu.memref_slice %arg2[%multiple_of3A_122, %multiple_of3A_117] : memref<1024x100000xf32, #tpu.memory_space<hbm>> -> memref<8x128xf32, #tpu.memory_space<hbm>>
    %dma_wait3A_606 = arith.constant 24 : i32
    %dma_wait3A_607 = arith.constant 0 : i32
    %dma_wait3A_608 = tpu.memref_slice %arg6[%dma_wait3A_606, %dma_wait3A_607] : memref<256x128xf32, #tpu.memory_space<vmem>> -> memref<8x128xf32, #tpu.memory_space<vmem>>
    %dma_wait3A_609 = tpu.memref_slice %arg2[%multiple_of3A_122, %multiple_of3A_117] : memref<1024x100000xf32, #tpu.memory_space<hbm>> -> memref<8x128xf32, #tpu.memory_space<hbm>>
    tpu.wait_dma2 semaphore(%arg8 : memref<!tpu.dma_semaphore, #tpu.memory_space<semaphore_mem>>) src(%dma_wait3A_609 : memref<8x128xf32, #tpu.memory_space<hbm>>) dst(%dma_wait3A_608 : memref<8x128xf32, #tpu.memory_space<vmem>>)
    %dma_wait3A_610 = arith.constant 32 : i32
    %dma_wait3A_611 = arith.constant 0 : i32
    %dma_wait3A_612 = tpu.memref_slice %arg6[%dma_wait3A_610, %dma_wait3A_611] : memref<256x128xf32, #tpu.memory_space<vmem>> -> memref<8x128xf32, #tpu.memory_space<vmem>>
    %dma_wait3A_613 = tpu.memref_slice %arg2[%multiple_of3A_138, %multiple_of3A_133] : memref<1024x100000xf32, #tpu.memory_space<hbm>> -> memref<8x128xf32, #tpu.memory_space<hbm>>
    %dma_wait3A_614 = arith.constant 32 : i32
    %dma_wait3A_615 = arith.constant 0 : i32
    %dma_wait3A_616 = tpu.memref_slice %arg6[%dma_wait3A_614, %dma_wait3A_615] : memref<256x128xf32, #tpu.memory_space<vmem>> -> memref<8x128xf32, #tpu.memory_space<vmem>>
    %dma_wait3A_617 = tpu.memref_slice %arg2[%multiple_of3A_138, %multiple_of3A_133] : memref<1024x100000xf32, #tpu.memory_space<hbm>> -> memref<8x128xf32, #tpu.memory_space<hbm>>
    tpu.wait_dma2 semaphore(%arg8 : memref<!tpu.dma_semaphore, #tpu.memory_space<semaphore_mem>>) src(%dma_wait3A_617 : memref<8x128xf32, #tpu.memory_space<hbm>>) dst(%dma_wait3A_616 : memref<8x128xf32, #tpu.memory_space<vmem>>)
    %dma_wait3A_618 = arith.constant 40 : i32
    %dma_wait3A_619 = arith.constant 0 : i32
    %dma_wait3A_620 = tpu.memref_slice %arg6[%dma_wait3A_618, %dma_wait3A_619] : memref<256x128xf32, #tpu.memory_space<vmem>> -> memref<8x128xf32, #tpu.memory_space<vmem>>
    %dma_wait3A_621 = tpu.memref_slice %arg2[%multiple_of3A_154, %multiple_of3A_149] : memref<1024x100000xf32, #tpu.memory_space<hbm>> -> memref<8x128xf32, #tpu.memory_space<hbm>>
    %dma_wait3A_622 = arith.constant 40 : i32
    %dma_wait3A_623 = arith.constant 0 : i32
    %dma_wait3A_624 = tpu.memref_slice %arg6[%dma_wait3A_622, %dma_wait3A_623] : memref<256x128xf32, #tpu.memory_space<vmem>> -> memref<8x128xf32, #tpu.memory_space<vmem>>
    %dma_wait3A_625 = tpu.memref_slice %arg2[%multiple_of3A_154, %multiple_of3A_149] : memref<1024x100000xf32, #tpu.memory_space<hbm>> -> memref<8x128xf32, #tpu.memory_space<hbm>>
    tpu.wait_dma2 semaphore(%arg8 : memref<!tpu.dma_semaphore, #tpu.memory_space<semaphore_mem>>) src(%dma_wait3A_625 : memref<8x128xf32, #tpu.memory_space<hbm>>) dst(%dma_wait3A_624 : memref<8x128xf32, #tpu.memory_space<vmem>>)
    %dma_wait3A_626 = arith.constant 48 : i32
    %dma_wait3A_627 = arith.constant 0 : i32
    %dma_wait3A_628 = tpu.memref_slice %arg6[%dma_wait3A_626, %dma_wait3A_627] : memref<256x128xf32, #tpu.memory_space<vmem>> -> memref<8x128xf32, #tpu.memory_space<vmem>>
    %dma_wait3A_629 = tpu.memref_slice %arg2[%multiple_of3A_170, %multiple_of3A_165] : memref<1024x100000xf32, #tpu.memory_space<hbm>> -> memref<8x128xf32, #tpu.memory_space<hbm>>
    %dma_wait3A_630 = arith.constant 48 : i32
    %dma_wait3A_631 = arith.constant 0 : i32
    %dma_wait3A_632 = tpu.memref_slice %arg6[%dma_wait3A_630, %dma_wait3A_631] : memref<256x128xf32, #tpu.memory_space<vmem>> -> memref<8x128xf32, #tpu.memory_space<vmem>>
    %dma_wait3A_633 = tpu.memref_slice %arg2[%multiple_of3A_170, %multiple_of3A_165] : memref<1024x100000xf32, #tpu.memory_space<hbm>> -> memref<8x128xf32, #tpu.memory_space<hbm>>
    tpu.wait_dma2 semaphore(%arg8 : memref<!tpu.dma_semaphore, #tpu.memory_space<semaphore_mem>>) src(%dma_wait3A_633 : memref<8x128xf32, #tpu.memory_space<hbm>>) dst(%dma_wait3A_632 : memref<8x128xf32, #tpu.memory_space<vmem>>)
    %dma_wait3A_634 = arith.constant 56 : i32
    %dma_wait3A_635 = arith.constant 0 : i32
    %dma_wait3A_636 = tpu.memref_slice %arg6[%dma_wait3A_634, %dma_wait3A_635] : memref<256x128xf32, #tpu.memory_space<vmem>> -> memref<8x128xf32, #tpu.memory_space<vmem>>
    %dma_wait3A_637 = tpu.memref_slice %arg2[%multiple_of3A_186, %multiple_of3A_181] : memref<1024x100000xf32, #tpu.memory_space<hbm>> -> memref<8x128xf32, #tpu.memory_space<hbm>>
    %dma_wait3A_638 = arith.constant 56 : i32
    %dma_wait3A_639 = arith.constant 0 : i32
    %dma_wait3A_640 = tpu.memref_slice %arg6[%dma_wait3A_638, %dma_wait3A_639] : memref<256x128xf32, #tpu.memory_space<vmem>> -> memref<8x128xf32, #tpu.memory_space<vmem>>
    %dma_wait3A_641 = tpu.memref_slice %arg2[%multiple_of3A_186, %multiple_of3A_181] : memref<1024x100000xf32, #tpu.memory_space<hbm>> -> memref<8x128xf32, #tpu.memory_space<hbm>>
    tpu.wait_dma2 semaphore(%arg8 : memref<!tpu.dma_semaphore, #tpu.memory_space<semaphore_mem>>) src(%dma_wait3A_641 : memref<8x128xf32, #tpu.memory_space<hbm>>) dst(%dma_wait3A_640 : memref<8x128xf32, #tpu.memory_space<vmem>>)
    %dma_wait3A_642 = arith.constant 64 : i32
    %dma_wait3A_643 = arith.constant 0 : i32
    %dma_wait3A_644 = tpu.memref_slice %arg6[%dma_wait3A_642, %dma_wait3A_643] : memref<256x128xf32, #tpu.memory_space<vmem>> -> memref<8x128xf32, #tpu.memory_space<vmem>>
    %dma_wait3A_645 = tpu.memref_slice %arg2[%multiple_of3A_202, %multiple_of3A_197] : memref<1024x100000xf32, #tpu.memory_space<hbm>> -> memref<8x128xf32, #tpu.memory_space<hbm>>
    %dma_wait3A_646 = arith.constant 64 : i32
    %dma_wait3A_647 = arith.constant 0 : i32
    %dma_wait3A_648 = tpu.memref_slice %arg6[%dma_wait3A_646, %dma_wait3A_647] : memref<256x128xf32, #tpu.memory_space<vmem>> -> memref<8x128xf32, #tpu.memory_space<vmem>>
    %dma_wait3A_649 = tpu.memref_slice %arg2[%multiple_of3A_202, %multiple_of3A_197] : memref<1024x100000xf32, #tpu.memory_space<hbm>> -> memref<8x128xf32, #tpu.memory_space<hbm>>
    tpu.wait_dma2 semaphore(%arg8 : memref<!tpu.dma_semaphore, #tpu.memory_space<semaphore_mem>>) src(%dma_wait3A_649 : memref<8x128xf32, #tpu.memory_space<hbm>>) dst(%dma_wait3A_648 : memref<8x128xf32, #tpu.memory_space<vmem>>)
    %dma_wait3A_650 = arith.constant 72 : i32
    %dma_wait3A_651 = arith.constant 0 : i32
    %dma_wait3A_652 = tpu.memref_slice %arg6[%dma_wait3A_650, %dma_wait3A_651] : memref<256x128xf32, #tpu.memory_space<vmem>> -> memref<8x128xf32, #tpu.memory_space<vmem>>
    %dma_wait3A_653 = tpu.memref_slice %arg2[%multiple_of3A_218, %multiple_of3A_213] : memref<1024x100000xf32, #tpu.memory_space<hbm>> -> memref<8x128xf32, #tpu.memory_space<hbm>>
    %dma_wait3A_654 = arith.constant 72 : i32
    %dma_wait3A_655 = arith.constant 0 : i32
    %dma_wait3A_656 = tpu.memref_slice %arg6[%dma_wait3A_654, %dma_wait3A_655] : memref<256x128xf32, #tpu.memory_space<vmem>> -> memref<8x128xf32, #tpu.memory_space<vmem>>
    %dma_wait3A_657 = tpu.memref_slice %arg2[%multiple_of3A_218, %multiple_of3A_213] : memref<1024x100000xf32, #tpu.memory_space<hbm>> -> memref<8x128xf32, #tpu.memory_space<hbm>>
    tpu.wait_dma2 semaphore(%arg8 : memref<!tpu.dma_semaphore, #tpu.memory_space<semaphore_mem>>) src(%dma_wait3A_657 : memref<8x128xf32, #tpu.memory_space<hbm>>) dst(%dma_wait3A_656 : memref<8x128xf32, #tpu.memory_space<vmem>>)
    %dma_wait3A_658 = arith.constant 80 : i32
    %dma_wait3A_659 = arith.constant 0 : i32
    %dma_wait3A_660 = tpu.memref_slice %arg6[%dma_wait3A_658, %dma_wait3A_659] : memref<256x128xf32, #tpu.memory_space<vmem>> -> memref<8x128xf32, #tpu.memory_space<vmem>>
    %dma_wait3A_661 = tpu.memref_slice %arg2[%multiple_of3A_234, %multiple_of3A_229] : memref<1024x100000xf32, #tpu.memory_space<hbm>> -> memref<8x128xf32, #tpu.memory_space<hbm>>
    %dma_wait3A_662 = arith.constant 80 : i32
    %dma_wait3A_663 = arith.constant 0 : i32
    %dma_wait3A_664 = tpu.memref_slice %arg6[%dma_wait3A_662, %dma_wait3A_663] : memref<256x128xf32, #tpu.memory_space<vmem>> -> memref<8x128xf32, #tpu.memory_space<vmem>>
    %dma_wait3A_665 = tpu.memref_slice %arg2[%multiple_of3A_234, %multiple_of3A_229] : memref<1024x100000xf32, #tpu.memory_space<hbm>> -> memref<8x128xf32, #tpu.memory_space<hbm>>
    tpu.wait_dma2 semaphore(%arg8 : memref<!tpu.dma_semaphore, #tpu.memory_space<semaphore_mem>>) src(%dma_wait3A_665 : memref<8x128xf32, #tpu.memory_space<hbm>>) dst(%dma_wait3A_664 : memref<8x128xf32, #tpu.memory_space<vmem>>)
    %dma_wait3A_666 = arith.constant 88 : i32
    %dma_wait3A_667 = arith.constant 0 : i32
    %dma_wait3A_668 = tpu.memref_slice %arg6[%dma_wait3A_666, %dma_wait3A_667] : memref<256x128xf32, #tpu.memory_space<vmem>> -> memref<8x128xf32, #tpu.memory_space<vmem>>
    %dma_wait3A_669 = tpu.memref_slice %arg2[%multiple_of3A_250, %multiple_of3A_245] : memref<1024x100000xf32, #tpu.memory_space<hbm>> -> memref<8x128xf32, #tpu.memory_space<hbm>>
    %dma_wait3A_670 = arith.constant 88 : i32
    %dma_wait3A_671 = arith.constant 0 : i32
    %dma_wait3A_672 = tpu.memref_slice %arg6[%dma_wait3A_670, %dma_wait3A_671] : memref<256x128xf32, #tpu.memory_space<vmem>> -> memref<8x128xf32, #tpu.memory_space<vmem>>
    %dma_wait3A_673 = tpu.memref_slice %arg2[%multiple_of3A_250, %multiple_of3A_245] : memref<1024x100000xf32, #tpu.memory_space<hbm>> -> memref<8x128xf32, #tpu.memory_space<hbm>>
    tpu.wait_dma2 semaphore(%arg8 : memref<!tpu.dma_semaphore, #tpu.memory_space<semaphore_mem>>) src(%dma_wait3A_673 : memref<8x128xf32, #tpu.memory_space<hbm>>) dst(%dma_wait3A_672 : memref<8x128xf32, #tpu.memory_space<vmem>>)
    %dma_wait3A_674 = arith.constant 96 : i32
    %dma_wait3A_675 = arith.constant 0 : i32
    %dma_wait3A_676 = tpu.memref_slice %arg6[%dma_wait3A_674, %dma_wait3A_675] : memref<256x128xf32, #tpu.memory_space<vmem>> -> memref<8x128xf32, #tpu.memory_space<vmem>>
    %dma_wait3A_677 = tpu.memref_slice %arg2[%multiple_of3A_266, %multiple_of3A_261] : memref<1024x100000xf32, #tpu.memory_space<hbm>> -> memref<8x128xf32, #tpu.memory_space<hbm>>
    %dma_wait3A_678 = arith.constant 96 : i32
    %dma_wait3A_679 = arith.constant 0 : i32
    %dma_wait3A_680 = tpu.memref_slice %arg6[%dma_wait3A_678, %dma_wait3A_679] : memref<256x128xf32, #tpu.memory_space<vmem>> -> memref<8x128xf32, #tpu.memory_space<vmem>>
    %dma_wait3A_681 = tpu.memref_slice %arg2[%multiple_of3A_266, %multiple_of3A_261] : memref<1024x100000xf32, #tpu.memory_space<hbm>> -> memref<8x128xf32, #tpu.memory_space<hbm>>
    tpu.wait_dma2 semaphore(%arg8 : memref<!tpu.dma_semaphore, #tpu.memory_space<semaphore_mem>>) src(%dma_wait3A_681 : memref<8x128xf32, #tpu.memory_space<hbm>>) dst(%dma_wait3A_680 : memref<8x128xf32, #tpu.memory_space<vmem>>)
    %dma_wait3A_682 = arith.constant 104 : i32
    %dma_wait3A_683 = arith.constant 0 : i32
    %dma_wait3A_684 = tpu.memref_slice %arg6[%dma_wait3A_682, %dma_wait3A_683] : memref<256x128xf32, #tpu.memory_space<vmem>> -> memref<8x128xf32, #tpu.memory_space<vmem>>
    %dma_wait3A_685 = tpu.memref_slice %arg2[%multiple_of3A_282, %multiple_of3A_277] : memref<1024x100000xf32, #tpu.memory_space<hbm>> -> memref<8x128xf32, #tpu.memory_space<hbm>>
    %dma_wait3A_686 = arith.constant 104 : i32
    %dma_wait3A_687 = arith.constant 0 : i32
    %dma_wait3A_688 = tpu.memref_slice %arg6[%dma_wait3A_686, %dma_wait3A_687] : memref<256x128xf32, #tpu.memory_space<vmem>> -> memref<8x128xf32, #tpu.memory_space<vmem>>
    %dma_wait3A_689 = tpu.memref_slice %arg2[%multiple_of3A_282, %multiple_of3A_277] : memref<1024x100000xf32, #tpu.memory_space<hbm>> -> memref<8x128xf32, #tpu.memory_space<hbm>>
    tpu.wait_dma2 semaphore(%arg8 : memref<!tpu.dma_semaphore, #tpu.memory_space<semaphore_mem>>) src(%dma_wait3A_689 : memref<8x128xf32, #tpu.memory_space<hbm>>) dst(%dma_wait3A_688 : memref<8x128xf32, #tpu.memory_space<vmem>>)
    %dma_wait3A_690 = arith.constant 112 : i32
    %dma_wait3A_691 = arith.constant 0 : i32
    %dma_wait3A_692 = tpu.memref_slice %arg6[%dma_wait3A_690, %dma_wait3A_691] : memref<256x128xf32, #tpu.memory_space<vmem>> -> memref<8x128xf32, #tpu.memory_space<vmem>>
    %dma_wait3A_693 = tpu.memref_slice %arg2[%multiple_of3A_298, %multiple_of3A_293] : memref<1024x100000xf32, #tpu.memory_space<hbm>> -> memref<8x128xf32, #tpu.memory_space<hbm>>
    %dma_wait3A_694 = arith.constant 112 : i32
    %dma_wait3A_695 = arith.constant 0 : i32
    %dma_wait3A_696 = tpu.memref_slice %arg6[%dma_wait3A_694, %dma_wait3A_695] : memref<256x128xf32, #tpu.memory_space<vmem>> -> memref<8x128xf32, #tpu.memory_space<vmem>>
    %dma_wait3A_697 = tpu.memref_slice %arg2[%multiple_of3A_298, %multiple_of3A_293] : memref<1024x100000xf32, #tpu.memory_space<hbm>> -> memref<8x128xf32, #tpu.memory_space<hbm>>
    tpu.wait_dma2 semaphore(%arg8 : memref<!tpu.dma_semaphore, #tpu.memory_space<semaphore_mem>>) src(%dma_wait3A_697 : memref<8x128xf32, #tpu.memory_space<hbm>>) dst(%dma_wait3A_696 : memref<8x128xf32, #tpu.memory_space<vmem>>)
    %dma_wait3A_698 = arith.constant 120 : i32
    %dma_wait3A_699 = arith.constant 0 : i32
    %dma_wait3A_700 = tpu.memref_slice %arg6[%dma_wait3A_698, %dma_wait3A_699] : memref<256x128xf32, #tpu.memory_space<vmem>> -> memref<8x128xf32, #tpu.memory_space<vmem>>
    %dma_wait3A_701 = tpu.memref_slice %arg2[%multiple_of3A_314, %multiple_of3A_309] : memref<1024x100000xf32, #tpu.memory_space<hbm>> -> memref<8x128xf32, #tpu.memory_space<hbm>>
    %dma_wait3A_702 = arith.constant 120 : i32
    %dma_wait3A_703 = arith.constant 0 : i32
    %dma_wait3A_704 = tpu.memref_slice %arg6[%dma_wait3A_702, %dma_wait3A_703] : memref<256x128xf32, #tpu.memory_space<vmem>> -> memref<8x128xf32, #tpu.memory_space<vmem>>
    %dma_wait3A_705 = tpu.memref_slice %arg2[%multiple_of3A_314, %multiple_of3A_309] : memref<1024x100000xf32, #tpu.memory_space<hbm>> -> memref<8x128xf32, #tpu.memory_space<hbm>>
    tpu.wait_dma2 semaphore(%arg8 : memref<!tpu.dma_semaphore, #tpu.memory_space<semaphore_mem>>) src(%dma_wait3A_705 : memref<8x128xf32, #tpu.memory_space<hbm>>) dst(%dma_wait3A_704 : memref<8x128xf32, #tpu.memory_space<vmem>>)
    %dma_wait3A_706 = arith.constant 128 : i32
    %dma_wait3A_707 = arith.constant 0 : i32
    %dma_wait3A_708 = tpu.memref_slice %arg6[%dma_wait3A_706, %dma_wait3A_707] : memref<256x128xf32, #tpu.memory_space<vmem>> -> memref<8x128xf32, #tpu.memory_space<vmem>>
    %dma_wait3A_709 = tpu.memref_slice %arg2[%multiple_of3A_330, %multiple_of3A_325] : memref<1024x100000xf32, #tpu.memory_space<hbm>> -> memref<8x128xf32, #tpu.memory_space<hbm>>
    %dma_wait3A_710 = arith.constant 128 : i32
    %dma_wait3A_711 = arith.constant 0 : i32
    %dma_wait3A_712 = tpu.memref_slice %arg6[%dma_wait3A_710, %dma_wait3A_711] : memref<256x128xf32, #tpu.memory_space<vmem>> -> memref<8x128xf32, #tpu.memory_space<vmem>>
    %dma_wait3A_713 = tpu.memref_slice %arg2[%multiple_of3A_330, %multiple_of3A_325] : memref<1024x100000xf32, #tpu.memory_space<hbm>> -> memref<8x128xf32, #tpu.memory_space<hbm>>
    tpu.wait_dma2 semaphore(%arg8 : memref<!tpu.dma_semaphore, #tpu.memory_space<semaphore_mem>>) src(%dma_wait3A_713 : memref<8x128xf32, #tpu.memory_space<hbm>>) dst(%dma_wait3A_712 : memref<8x128xf32, #tpu.memory_space<vmem>>)
    %dma_wait3A_714 = arith.constant 136 : i32
    %dma_wait3A_715 = arith.constant 0 : i32
    %dma_wait3A_716 = tpu.memref_slice %arg6[%dma_wait3A_714, %dma_wait3A_715] : memref<256x128xf32, #tpu.memory_space<vmem>> -> memref<8x128xf32, #tpu.memory_space<vmem>>
    %dma_wait3A_717 = tpu.memref_slice %arg2[%multiple_of3A_346, %multiple_of3A_341] : memref<1024x100000xf32, #tpu.memory_space<hbm>> -> memref<8x128xf32, #tpu.memory_space<hbm>>
    %dma_wait3A_718 = arith.constant 136 : i32
    %dma_wait3A_719 = arith.constant 0 : i32
    %dma_wait3A_720 = tpu.memref_slice %arg6[%dma_wait3A_718, %dma_wait3A_719] : memref<256x128xf32, #tpu.memory_space<vmem>> -> memref<8x128xf32, #tpu.memory_space<vmem>>
    %dma_wait3A_721 = tpu.memref_slice %arg2[%multiple_of3A_346, %multiple_of3A_341] : memref<1024x100000xf32, #tpu.memory_space<hbm>> -> memref<8x128xf32, #tpu.memory_space<hbm>>
    tpu.wait_dma2 semaphore(%arg8 : memref<!tpu.dma_semaphore, #tpu.memory_space<semaphore_mem>>) src(%dma_wait3A_721 : memref<8x128xf32, #tpu.memory_space<hbm>>) dst(%dma_wait3A_720 : memref<8x128xf32, #tpu.memory_space<vmem>>)
    %dma_wait3A_722 = arith.constant 144 : i32
    %dma_wait3A_723 = arith.constant 0 : i32
    %dma_wait3A_724 = tpu.memref_slice %arg6[%dma_wait3A_722, %dma_wait3A_723] : memref<256x128xf32, #tpu.memory_space<vmem>> -> memref<8x128xf32, #tpu.memory_space<vmem>>
    %dma_wait3A_725 = tpu.memref_slice %arg2[%multiple_of3A_362, %multiple_of3A_357] : memref<1024x100000xf32, #tpu.memory_space<hbm>> -> memref<8x128xf32, #tpu.memory_space<hbm>>
    %dma_wait3A_726 = arith.constant 144 : i32
    %dma_wait3A_727 = arith.constant 0 : i32
    %dma_wait3A_728 = tpu.memref_slice %arg6[%dma_wait3A_726, %dma_wait3A_727] : memref<256x128xf32, #tpu.memory_space<vmem>> -> memref<8x128xf32, #tpu.memory_space<vmem>>
    %dma_wait3A_729 = tpu.memref_slice %arg2[%multiple_of3A_362, %multiple_of3A_357] : memref<1024x100000xf32, #tpu.memory_space<hbm>> -> memref<8x128xf32, #tpu.memory_space<hbm>>
    tpu.wait_dma2 semaphore(%arg8 : memref<!tpu.dma_semaphore, #tpu.memory_space<semaphore_mem>>) src(%dma_wait3A_729 : memref<8x128xf32, #tpu.memory_space<hbm>>) dst(%dma_wait3A_728 : memref<8x128xf32, #tpu.memory_space<vmem>>)
    %dma_wait3A_730 = arith.constant 152 : i32
    %dma_wait3A_731 = arith.constant 0 : i32
    %dma_wait3A_732 = tpu.memref_slice %arg6[%dma_wait3A_730, %dma_wait3A_731] : memref<256x128xf32, #tpu.memory_space<vmem>> -> memref<8x128xf32, #tpu.memory_space<vmem>>
    %dma_wait3A_733 = tpu.memref_slice %arg2[%multiple_of3A_378, %multiple_of3A_373] : memref<1024x100000xf32, #tpu.memory_space<hbm>> -> memref<8x128xf32, #tpu.memory_space<hbm>>
    %dma_wait3A_734 = arith.constant 152 : i32
    %dma_wait3A_735 = arith.constant 0 : i32
    %dma_wait3A_736 = tpu.memref_slice %arg6[%dma_wait3A_734, %dma_wait3A_735] : memref<256x128xf32, #tpu.memory_space<vmem>> -> memref<8x128xf32, #tpu.memory_space<vmem>>
    %dma_wait3A_737 = tpu.memref_slice %arg2[%multiple_of3A_378, %multiple_of3A_373] : memref<1024x100000xf32, #tpu.memory_space<hbm>> -> memref<8x128xf32, #tpu.memory_space<hbm>>
    tpu.wait_dma2 semaphore(%arg8 : memref<!tpu.dma_semaphore, #tpu.memory_space<semaphore_mem>>) src(%dma_wait3A_737 : memref<8x128xf32, #tpu.memory_space<hbm>>) dst(%dma_wait3A_736 : memref<8x128xf32, #tpu.memory_space<vmem>>)
    %dma_wait3A_738 = arith.constant 160 : i32
    %dma_wait3A_739 = arith.constant 0 : i32
    %dma_wait3A_740 = tpu.memref_slice %arg6[%dma_wait3A_738, %dma_wait3A_739] : memref<256x128xf32, #tpu.memory_space<vmem>> -> memref<8x128xf32, #tpu.memory_space<vmem>>
    %dma_wait3A_741 = tpu.memref_slice %arg2[%multiple_of3A_394, %multiple_of3A_389] : memref<1024x100000xf32, #tpu.memory_space<hbm>> -> memref<8x128xf32, #tpu.memory_space<hbm>>
    %dma_wait3A_742 = arith.constant 160 : i32
    %dma_wait3A_743 = arith.constant 0 : i32
    %dma_wait3A_744 = tpu.memref_slice %arg6[%dma_wait3A_742, %dma_wait3A_743] : memref<256x128xf32, #tpu.memory_space<vmem>> -> memref<8x128xf32, #tpu.memory_space<vmem>>
    %dma_wait3A_745 = tpu.memref_slice %arg2[%multiple_of3A_394, %multiple_of3A_389] : memref<1024x100000xf32, #tpu.memory_space<hbm>> -> memref<8x128xf32, #tpu.memory_space<hbm>>
    tpu.wait_dma2 semaphore(%arg8 : memref<!tpu.dma_semaphore, #tpu.memory_space<semaphore_mem>>) src(%dma_wait3A_745 : memref<8x128xf32, #tpu.memory_space<hbm>>) dst(%dma_wait3A_744 : memref<8x128xf32, #tpu.memory_space<vmem>>)
    %dma_wait3A_746 = arith.constant 168 : i32
    %dma_wait3A_747 = arith.constant 0 : i32
    %dma_wait3A_748 = tpu.memref_slice %arg6[%dma_wait3A_746, %dma_wait3A_747] : memref<256x128xf32, #tpu.memory_space<vmem>> -> memref<8x128xf32, #tpu.memory_space<vmem>>
    %dma_wait3A_749 = tpu.memref_slice %arg2[%multiple_of3A_410, %multiple_of3A_405] : memref<1024x100000xf32, #tpu.memory_space<hbm>> -> memref<8x128xf32, #tpu.memory_space<hbm>>
    %dma_wait3A_750 = arith.constant 168 : i32
    %dma_wait3A_751 = arith.constant 0 : i32
    %dma_wait3A_752 = tpu.memref_slice %arg6[%dma_wait3A_750, %dma_wait3A_751] : memref<256x128xf32, #tpu.memory_space<vmem>> -> memref<8x128xf32, #tpu.memory_space<vmem>>
    %dma_wait3A_753 = tpu.memref_slice %arg2[%multiple_of3A_410, %multiple_of3A_405] : memref<1024x100000xf32, #tpu.memory_space<hbm>> -> memref<8x128xf32, #tpu.memory_space<hbm>>
    tpu.wait_dma2 semaphore(%arg8 : memref<!tpu.dma_semaphore, #tpu.memory_space<semaphore_mem>>) src(%dma_wait3A_753 : memref<8x128xf32, #tpu.memory_space<hbm>>) dst(%dma_wait3A_752 : memref<8x128xf32, #tpu.memory_space<vmem>>)
    %dma_wait3A_754 = arith.constant 176 : i32
    %dma_wait3A_755 = arith.constant 0 : i32
    %dma_wait3A_756 = tpu.memref_slice %arg6[%dma_wait3A_754, %dma_wait3A_755] : memref<256x128xf32, #tpu.memory_space<vmem>> -> memref<8x128xf32, #tpu.memory_space<vmem>>
    %dma_wait3A_757 = tpu.memref_slice %arg2[%multiple_of3A_426, %multiple_of3A_421] : memref<1024x100000xf32, #tpu.memory_space<hbm>> -> memref<8x128xf32, #tpu.memory_space<hbm>>
    %dma_wait3A_758 = arith.constant 176 : i32
    %dma_wait3A_759 = arith.constant 0 : i32
    %dma_wait3A_760 = tpu.memref_slice %arg6[%dma_wait3A_758, %dma_wait3A_759] : memref<256x128xf32, #tpu.memory_space<vmem>> -> memref<8x128xf32, #tpu.memory_space<vmem>>
    %dma_wait3A_761 = tpu.memref_slice %arg2[%multiple_of3A_426, %multiple_of3A_421] : memref<1024x100000xf32, #tpu.memory_space<hbm>> -> memref<8x128xf32, #tpu.memory_space<hbm>>
    tpu.wait_dma2 semaphore(%arg8 : memref<!tpu.dma_semaphore, #tpu.memory_space<semaphore_mem>>) src(%dma_wait3A_761 : memref<8x128xf32, #tpu.memory_space<hbm>>) dst(%dma_wait3A_760 : memref<8x128xf32, #tpu.memory_space<vmem>>)
    %dma_wait3A_762 = arith.constant 184 : i32
    %dma_wait3A_763 = arith.constant 0 : i32
    %dma_wait3A_764 = tpu.memref_slice %arg6[%dma_wait3A_762, %dma_wait3A_763] : memref<256x128xf32, #tpu.memory_space<vmem>> -> memref<8x128xf32, #tpu.memory_space<vmem>>
    %dma_wait3A_765 = tpu.memref_slice %arg2[%multiple_of3A_442, %multiple_of3A_437] : memref<1024x100000xf32, #tpu.memory_space<hbm>> -> memref<8x128xf32, #tpu.memory_space<hbm>>
    %dma_wait3A_766 = arith.constant 184 : i32
    %dma_wait3A_767 = arith.constant 0 : i32
    %dma_wait3A_768 = tpu.memref_slice %arg6[%dma_wait3A_766, %dma_wait3A_767] : memref<256x128xf32, #tpu.memory_space<vmem>> -> memref<8x128xf32, #tpu.memory_space<vmem>>
    %dma_wait3A_769 = tpu.memref_slice %arg2[%multiple_of3A_442, %multiple_of3A_437] : memref<1024x100000xf32, #tpu.memory_space<hbm>> -> memref<8x128xf32, #tpu.memory_space<hbm>>
    tpu.wait_dma2 semaphore(%arg8 : memref<!tpu.dma_semaphore, #tpu.memory_space<semaphore_mem>>) src(%dma_wait3A_769 : memref<8x128xf32, #tpu.memory_space<hbm>>) dst(%dma_wait3A_768 : memref<8x128xf32, #tpu.memory_space<vmem>>)
    %dma_wait3A_770 = arith.constant 192 : i32
    %dma_wait3A_771 = arith.constant 0 : i32
    %dma_wait3A_772 = tpu.memref_slice %arg6[%dma_wait3A_770, %dma_wait3A_771] : memref<256x128xf32, #tpu.memory_space<vmem>> -> memref<8x128xf32, #tpu.memory_space<vmem>>
    %dma_wait3A_773 = tpu.memref_slice %arg2[%multiple_of3A_458, %multiple_of3A_453] : memref<1024x100000xf32, #tpu.memory_space<hbm>> -> memref<8x128xf32, #tpu.memory_space<hbm>>
    %dma_wait3A_774 = arith.constant 192 : i32
    %dma_wait3A_775 = arith.constant 0 : i32
    %dma_wait3A_776 = tpu.memref_slice %arg6[%dma_wait3A_774, %dma_wait3A_775] : memref<256x128xf32, #tpu.memory_space<vmem>> -> memref<8x128xf32, #tpu.memory_space<vmem>>
    %dma_wait3A_777 = tpu.memref_slice %arg2[%multiple_of3A_458, %multiple_of3A_453] : memref<1024x100000xf32, #tpu.memory_space<hbm>> -> memref<8x128xf32, #tpu.memory_space<hbm>>
    tpu.wait_dma2 semaphore(%arg8 : memref<!tpu.dma_semaphore, #tpu.memory_space<semaphore_mem>>) src(%dma_wait3A_777 : memref<8x128xf32, #tpu.memory_space<hbm>>) dst(%dma_wait3A_776 : memref<8x128xf32, #tpu.memory_space<vmem>>)
    %dma_wait3A_778 = arith.constant 200 : i32
    %dma_wait3A_779 = arith.constant 0 : i32
    %dma_wait3A_780 = tpu.memref_slice %arg6[%dma_wait3A_778, %dma_wait3A_779] : memref<256x128xf32, #tpu.memory_space<vmem>> -> memref<8x128xf32, #tpu.memory_space<vmem>>
    %dma_wait3A_781 = tpu.memref_slice %arg2[%multiple_of3A_474, %multiple_of3A_469] : memref<1024x100000xf32, #tpu.memory_space<hbm>> -> memref<8x128xf32, #tpu.memory_space<hbm>>
    %dma_wait3A_782 = arith.constant 200 : i32
    %dma_wait3A_783 = arith.constant 0 : i32
    %dma_wait3A_784 = tpu.memref_slice %arg6[%dma_wait3A_782, %dma_wait3A_783] : memref<256x128xf32, #tpu.memory_space<vmem>> -> memref<8x128xf32, #tpu.memory_space<vmem>>
    %dma_wait3A_785 = tpu.memref_slice %arg2[%multiple_of3A_474, %multiple_of3A_469] : memref<1024x100000xf32, #tpu.memory_space<hbm>> -> memref<8x128xf32, #tpu.memory_space<hbm>>
    tpu.wait_dma2 semaphore(%arg8 : memref<!tpu.dma_semaphore, #tpu.memory_space<semaphore_mem>>) src(%dma_wait3A_785 : memref<8x128xf32, #tpu.memory_space<hbm>>) dst(%dma_wait3A_784 : memref<8x128xf32, #tpu.memory_space<vmem>>)
    %dma_wait3A_786 = arith.constant 208 : i32
    %dma_wait3A_787 = arith.constant 0 : i32
    %dma_wait3A_788 = tpu.memref_slice %arg6[%dma_wait3A_786, %dma_wait3A_787] : memref<256x128xf32, #tpu.memory_space<vmem>> -> memref<8x128xf32, #tpu.memory_space<vmem>>
    %dma_wait3A_789 = tpu.memref_slice %arg2[%multiple_of3A_490, %multiple_of3A_485] : memref<1024x100000xf32, #tpu.memory_space<hbm>> -> memref<8x128xf32, #tpu.memory_space<hbm>>
    %dma_wait3A_790 = arith.constant 208 : i32
    %dma_wait3A_791 = arith.constant 0 : i32
    %dma_wait3A_792 = tpu.memref_slice %arg6[%dma_wait3A_790, %dma_wait3A_791] : memref<256x128xf32, #tpu.memory_space<vmem>> -> memref<8x128xf32, #tpu.memory_space<vmem>>
    %dma_wait3A_793 = tpu.memref_slice %arg2[%multiple_of3A_490, %multiple_of3A_485] : memref<1024x100000xf32, #tpu.memory_space<hbm>> -> memref<8x128xf32, #tpu.memory_space<hbm>>
    tpu.wait_dma2 semaphore(%arg8 : memref<!tpu.dma_semaphore, #tpu.memory_space<semaphore_mem>>) src(%dma_wait3A_793 : memref<8x128xf32, #tpu.memory_space<hbm>>) dst(%dma_wait3A_792 : memref<8x128xf32, #tpu.memory_space<vmem>>)
    %dma_wait3A_794 = arith.constant 216 : i32
    %dma_wait3A_795 = arith.constant 0 : i32
    %dma_wait3A_796 = tpu.memref_slice %arg6[%dma_wait3A_794, %dma_wait3A_795] : memref<256x128xf32, #tpu.memory_space<vmem>> -> memref<8x128xf32, #tpu.memory_space<vmem>>
    %dma_wait3A_797 = tpu.memref_slice %arg2[%multiple_of3A_506, %multiple_of3A_501] : memref<1024x100000xf32, #tpu.memory_space<hbm>> -> memref<8x128xf32, #tpu.memory_space<hbm>>
    %dma_wait3A_798 = arith.constant 216 : i32
    %dma_wait3A_799 = arith.constant 0 : i32
    %dma_wait3A_800 = tpu.memref_slice %arg6[%dma_wait3A_798, %dma_wait3A_799] : memref<256x128xf32, #tpu.memory_space<vmem>> -> memref<8x128xf32, #tpu.memory_space<vmem>>
    %dma_wait3A_801 = tpu.memref_slice %arg2[%multiple_of3A_506, %multiple_of3A_501] : memref<1024x100000xf32, #tpu.memory_space<hbm>> -> memref<8x128xf32, #tpu.memory_space<hbm>>
    tpu.wait_dma2 semaphore(%arg8 : memref<!tpu.dma_semaphore, #tpu.memory_space<semaphore_mem>>) src(%dma_wait3A_801 : memref<8x128xf32, #tpu.memory_space<hbm>>) dst(%dma_wait3A_800 : memref<8x128xf32, #tpu.memory_space<vmem>>)
    %dma_wait3A_802 = arith.constant 224 : i32
    %dma_wait3A_803 = arith.constant 0 : i32
    %dma_wait3A_804 = tpu.memref_slice %arg6[%dma_wait3A_802, %dma_wait3A_803] : memref<256x128xf32, #tpu.memory_space<vmem>> -> memref<8x128xf32, #tpu.memory_space<vmem>>
    %dma_wait3A_805 = tpu.memref_slice %arg2[%multiple_of3A_522, %multiple_of3A_517] : memref<1024x100000xf32, #tpu.memory_space<hbm>> -> memref<8x128xf32, #tpu.memory_space<hbm>>
    %dma_wait3A_806 = arith.constant 224 : i32
    %dma_wait3A_807 = arith.constant 0 : i32
    %dma_wait3A_808 = tpu.memref_slice %arg6[%dma_wait3A_806, %dma_wait3A_807] : memref<256x128xf32, #tpu.memory_space<vmem>> -> memref<8x128xf32, #tpu.memory_space<vmem>>
    %dma_wait3A_809 = tpu.memref_slice %arg2[%multiple_of3A_522, %multiple_of3A_517] : memref<1024x100000xf32, #tpu.memory_space<hbm>> -> memref<8x128xf32, #tpu.memory_space<hbm>>
    tpu.wait_dma2 semaphore(%arg8 : memref<!tpu.dma_semaphore, #tpu.memory_space<semaphore_mem>>) src(%dma_wait3A_809 : memref<8x128xf32, #tpu.memory_space<hbm>>) dst(%dma_wait3A_808 : memref<8x128xf32, #tpu.memory_space<vmem>>)
    %dma_wait3A_810 = arith.constant 232 : i32
    %dma_wait3A_811 = arith.constant 0 : i32
    %dma_wait3A_812 = tpu.memref_slice %arg6[%dma_wait3A_810, %dma_wait3A_811] : memref<256x128xf32, #tpu.memory_space<vmem>> -> memref<8x128xf32, #tpu.memory_space<vmem>>
    %dma_wait3A_813 = tpu.memref_slice %arg2[%multiple_of3A_538, %multiple_of3A_533] : memref<1024x100000xf32, #tpu.memory_space<hbm>> -> memref<8x128xf32, #tpu.memory_space<hbm>>
    %dma_wait3A_814 = arith.constant 232 : i32
    %dma_wait3A_815 = arith.constant 0 : i32
    %dma_wait3A_816 = tpu.memref_slice %arg6[%dma_wait3A_814, %dma_wait3A_815] : memref<256x128xf32, #tpu.memory_space<vmem>> -> memref<8x128xf32, #tpu.memory_space<vmem>>
    %dma_wait3A_817 = tpu.memref_slice %arg2[%multiple_of3A_538, %multiple_of3A_533] : memref<1024x100000xf32, #tpu.memory_space<hbm>> -> memref<8x128xf32, #tpu.memory_space<hbm>>
    tpu.wait_dma2 semaphore(%arg8 : memref<!tpu.dma_semaphore, #tpu.memory_space<semaphore_mem>>) src(%dma_wait3A_817 : memref<8x128xf32, #tpu.memory_space<hbm>>) dst(%dma_wait3A_816 : memref<8x128xf32, #tpu.memory_space<vmem>>)
    %dma_wait3A_818 = arith.constant 240 : i32
    %dma_wait3A_819 = arith.constant 0 : i32
    %dma_wait3A_820 = tpu.memref_slice %arg6[%dma_wait3A_818, %dma_wait3A_819] : memref<256x128xf32, #tpu.memory_space<vmem>> -> memref<8x128xf32, #tpu.memory_space<vmem>>
    %dma_wait3A_821 = tpu.memref_slice %arg2[%multiple_of3A_554, %multiple_of3A_549] : memref<1024x100000xf32, #tpu.memory_space<hbm>> -> memref<8x128xf32, #tpu.memory_space<hbm>>
    %dma_wait3A_822 = arith.constant 240 : i32
    %dma_wait3A_823 = arith.constant 0 : i32
    %dma_wait3A_824 = tpu.memref_slice %arg6[%dma_wait3A_822, %dma_wait3A_823] : memref<256x128xf32, #tpu.memory_space<vmem>> -> memref<8x128xf32, #tpu.memory_space<vmem>>
    %dma_wait3A_825 = tpu.memref_slice %arg2[%multiple_of3A_554, %multiple_of3A_549] : memref<1024x100000xf32, #tpu.memory_space<hbm>> -> memref<8x128xf32, #tpu.memory_space<hbm>>
    tpu.wait_dma2 semaphore(%arg8 : memref<!tpu.dma_semaphore, #tpu.memory_space<semaphore_mem>>) src(%dma_wait3A_825 : memref<8x128xf32, #tpu.memory_space<hbm>>) dst(%dma_wait3A_824 : memref<8x128xf32, #tpu.memory_space<vmem>>)
    %dma_wait3A_826 = arith.constant 248 : i32
    %dma_wait3A_827 = arith.constant 0 : i32
    %dma_wait3A_828 = tpu.memref_slice %arg6[%dma_wait3A_826, %dma_wait3A_827] : memref<256x128xf32, #tpu.memory_space<vmem>> -> memref<8x128xf32, #tpu.memory_space<vmem>>
    %dma_wait3A_829 = tpu.memref_slice %arg2[%multiple_of3A_570, %multiple_of3A_565] : memref<1024x100000xf32, #tpu.memory_space<hbm>> -> memref<8x128xf32, #tpu.memory_space<hbm>>
    %dma_wait3A_830 = arith.constant 248 : i32
    %dma_wait3A_831 = arith.constant 0 : i32
    %dma_wait3A_832 = tpu.memref_slice %arg6[%dma_wait3A_830, %dma_wait3A_831] : memref<256x128xf32, #tpu.memory_space<vmem>> -> memref<8x128xf32, #tpu.memory_space<vmem>>
    %dma_wait3A_833 = tpu.memref_slice %arg2[%multiple_of3A_570, %multiple_of3A_565] : memref<1024x100000xf32, #tpu.memory_space<hbm>> -> memref<8x128xf32, #tpu.memory_space<hbm>>
    tpu.wait_dma2 semaphore(%arg8 : memref<!tpu.dma_semaphore, #tpu.memory_space<semaphore_mem>>) src(%dma_wait3A_833 : memref<8x128xf32, #tpu.memory_space<hbm>>) dst(%dma_wait3A_832 : memref<8x128xf32, #tpu.memory_space<vmem>>)
    %and3A_834 = arith.constant 112 : i32
    %and3A_835 = arith.andi %squeeze3A, %and3A_834 : i32
    %multiple_of3A_836 = tpu.assume_multiple %and3A_835, 16 : i32
    %get3A_837 = arith.constant 0 : i32
    %get3A_838 = arith.index_cast %get3A_837 : i32 to index
    %get3A_839 = arith.index_cast %multiple_of3A_836 : i32 to index
    %get3A_840 = tpu.vector_load %arg6[%get3A_838, %get3A_839] {strides = array<i32>} : memref<256x128xf32, #tpu.memory_space<vmem>>, vector<1x16xf32>,
    %get3A_841 = vector.shape_cast %get3A_840 : vector<1x16xf32> to vector<16xf32>
    %swap3A = arith.constant 0 : i32
    %swap3A_842 = arith.index_cast %swap3A : i32 to index
    %swap3A_843 = arith.constant 0 : index
    %swap3A_844 = tpu.vector_load %arg7[%swap3A_842, %swap3A_843] {strides = array<i32>} : memref<32x16xf32, #tpu.memory_space<vmem>>, vector<1x16xf32>,
    %swap3A_845 = vector.shape_cast %swap3A_844 : vector<1x16xf32> to vector<16xf32>
    %swap3A_846 = vector.shape_cast %get3A_841 : vector<16xf32> to vector<1x16xf32>
    tpu.vector_store %arg7[%swap3A_842, %swap3A_843], %swap3A_846 {strides = array<i32>} : memref<32x16xf32, #tpu.memory_space<vmem>>, vector<1x16xf32>,
    %and3A_847 = arith.constant 112 : i32
    %and3A_848 = arith.andi %squeeze3A_6, %and3A_847 : i32
    %multiple_of3A_849 = tpu.assume_multiple %and3A_848, 16 : i32
    %get3A_850 = arith.constant 9 : i32
    %get3A_851 = arith.index_cast %get3A_850 : i32 to index
    %get3A_852 = arith.index_cast %multiple_of3A_849 : i32 to index
    %get3A_853 = tpu.vector_load %arg6[%get3A_851, %get3A_852] {strides = array<i32>} : memref<256x128xf32, #tpu.memory_space<vmem>>, vector<1x16xf32>,
    %get3A_854 = vector.shape_cast %get3A_853 : vector<1x16xf32> to vector<16xf32>
    %swap3A_855 = arith.constant 1 : i32
    %swap3A_856 = arith.index_cast %swap3A_855 : i32 to index
    %swap3A_857 = arith.constant 0 : index
    %swap3A_858 = tpu.vector_load %arg7[%swap3A_856, %swap3A_857] {strides = array<i32>} : memref<32x16xf32, #tpu.memory_space<vmem>>, vector<1x16xf32>,
    %swap3A_859 = vector.shape_cast %swap3A_858 : vector<1x16xf32> to vector<16xf32>
    %swap3A_860 = vector.shape_cast %get3A_854 : vector<16xf32> to vector<1x16xf32>
    tpu.vector_store %arg7[%swap3A_856, %swap3A_857], %swap3A_860 {strides = array<i32>} : memref<32x16xf32, #tpu.memory_space<vmem>>, vector<1x16xf32>,
    %and3A_861 = arith.constant 112 : i32
    %and3A_862 = arith.andi %squeeze3A_8, %and3A_861 : i32
    %multiple_of3A_863 = tpu.assume_multiple %and3A_862, 16 : i32
    %get3A_864 = arith.constant 18 : i32
    %get3A_865 = arith.index_cast %get3A_864 : i32 to index
    %get3A_866 = arith.index_cast %multiple_of3A_863 : i32 to index
    %get3A_867 = tpu.vector_load %arg6[%get3A_865, %get3A_866] {strides = array<i32>} : memref<256x128xf32, #tpu.memory_space<vmem>>, vector<1x16xf32>,
    %get3A_868 = vector.shape_cast %get3A_867 : vector<1x16xf32> to vector<16xf32>
    %swap3A_869 = arith.constant 2 : i32
    %swap3A_870 = arith.index_cast %swap3A_869 : i32 to index
    %swap3A_871 = arith.constant 0 : index
    %swap3A_872 = tpu.vector_load %arg7[%swap3A_870, %swap3A_871] {strides = array<i32>} : memref<32x16xf32, #tpu.memory_space<vmem>>, vector<1x16xf32>,
    %swap3A_873 = vector.shape_cast %swap3A_872 : vector<1x16xf32> to vector<16xf32>
    %swap3A_874 = vector.shape_cast %get3A_868 : vector<16xf32> to vector<1x16xf32>
    tpu.vector_store %arg7[%swap3A_870, %swap3A_871], %swap3A_874 {strides = array<i32>} : memref<32x16xf32, #tpu.memory_space<vmem>>, vector<1x16xf32>,
    %and3A_875 = arith.constant 112 : i32
    %and3A_876 = arith.andi %squeeze3A_10, %and3A_875 : i32
    %multiple_of3A_877 = tpu.assume_multiple %and3A_876, 16 : i32
    %get3A_878 = arith.constant 27 : i32
    %get3A_879 = arith.index_cast %get3A_878 : i32 to index
    %get3A_880 = arith.index_cast %multiple_of3A_877 : i32 to index
    %get3A_881 = tpu.vector_load %arg6[%get3A_879, %get3A_880] {strides = array<i32>} : memref<256x128xf32, #tpu.memory_space<vmem>>, vector<1x16xf32>,
    %get3A_882 = vector.shape_cast %get3A_881 : vector<1x16xf32> to vector<16xf32>
    %swap3A_883 = arith.constant 3 : i32
    %swap3A_884 = arith.index_cast %swap3A_883 : i32 to index
    %swap3A_885 = arith.constant 0 : index
    %swap3A_886 = tpu.vector_load %arg7[%swap3A_884, %swap3A_885] {strides = array<i32>} : memref<32x16xf32, #tpu.memory_space<vmem>>, vector<1x16xf32>,
    %swap3A_887 = vector.shape_cast %swap3A_886 : vector<1x16xf32> to vector<16xf32>
    %swap3A_888 = vector.shape_cast %get3A_882 : vector<16xf32> to vector<1x16xf32>
    tpu.vector_store %arg7[%swap3A_884, %swap3A_885], %swap3A_888 {strides = array<i32>} : memref<32x16xf32, #tpu.memory_space<vmem>>, vector<1x16xf32>,
    %and3A_889 = arith.constant 112 : i32
    %and3A_890 = arith.andi %squeeze3A_12, %and3A_889 : i32
    %multiple_of3A_891 = tpu.assume_multiple %and3A_890, 16 : i32
    %get3A_892 = arith.constant 36 : i32
    %get3A_893 = arith.index_cast %get3A_892 : i32 to index
    %get3A_894 = arith.index_cast %multiple_of3A_891 : i32 to index
    %get3A_895 = tpu.vector_load %arg6[%get3A_893, %get3A_894] {strides = array<i32>} : memref<256x128xf32, #tpu.memory_space<vmem>>, vector<1x16xf32>,
    %get3A_896 = vector.shape_cast %get3A_895 : vector<1x16xf32> to vector<16xf32>
    %swap3A_897 = arith.constant 4 : i32
    %swap3A_898 = arith.index_cast %swap3A_897 : i32 to index
    %swap3A_899 = arith.constant 0 : index
    %swap3A_900 = tpu.vector_load %arg7[%swap3A_898, %swap3A_899] {strides = array<i32>} : memref<32x16xf32, #tpu.memory_space<vmem>>, vector<1x16xf32>,
    %swap3A_901 = vector.shape_cast %swap3A_900 : vector<1x16xf32> to vector<16xf32>
    %swap3A_902 = vector.shape_cast %get3A_896 : vector<16xf32> to vector<1x16xf32>
    tpu.vector_store %arg7[%swap3A_898, %swap3A_899], %swap3A_902 {strides = array<i32>} : memref<32x16xf32, #tpu.memory_space<vmem>>, vector<1x16xf32>,
    %and3A_903 = arith.constant 112 : i32
    %and3A_904 = arith.andi %squeeze3A_14, %and3A_903 : i32
    %multiple_of3A_905 = tpu.assume_multiple %and3A_904, 16 : i32
    %get3A_906 = arith.constant 45 : i32
    %get3A_907 = arith.index_cast %get3A_906 : i32 to index
    %get3A_908 = arith.index_cast %multiple_of3A_905 : i32 to index
    %get3A_909 = tpu.vector_load %arg6[%get3A_907, %get3A_908] {strides = array<i32>} : memref<256x128xf32, #tpu.memory_space<vmem>>, vector<1x16xf32>,
    %get3A_910 = vector.shape_cast %get3A_909 : vector<1x16xf32> to vector<16xf32>
    %swap3A_911 = arith.constant 5 : i32
    %swap3A_912 = arith.index_cast %swap3A_911 : i32 to index
    %swap3A_913 = arith.constant 0 : index
    %swap3A_914 = tpu.vector_load %arg7[%swap3A_912, %swap3A_913] {strides = array<i32>} : memref<32x16xf32, #tpu.memory_space<vmem>>, vector<1x16xf32>,
    %swap3A_915 = vector.shape_cast %swap3A_914 : vector<1x16xf32> to vector<16xf32>
    %swap3A_916 = vector.shape_cast %get3A_910 : vector<16xf32> to vector<1x16xf32>
    tpu.vector_store %arg7[%swap3A_912, %swap3A_913], %swap3A_916 {strides = array<i32>} : memref<32x16xf32, #tpu.memory_space<vmem>>, vector<1x16xf32>,
    %and3A_917 = arith.constant 112 : i32
    %and3A_918 = arith.andi %squeeze3A_16, %and3A_917 : i32
    %multiple_of3A_919 = tpu.assume_multiple %and3A_918, 16 : i32
    %get3A_920 = arith.constant 54 : i32
    %get3A_921 = arith.index_cast %get3A_920 : i32 to index
    %get3A_922 = arith.index_cast %multiple_of3A_919 : i32 to index
    %get3A_923 = tpu.vector_load %arg6[%get3A_921, %get3A_922] {strides = array<i32>} : memref<256x128xf32, #tpu.memory_space<vmem>>, vector<1x16xf32>,
    %get3A_924 = vector.shape_cast %get3A_923 : vector<1x16xf32> to vector<16xf32>
    %swap3A_925 = arith.constant 6 : i32
    %swap3A_926 = arith.index_cast %swap3A_925 : i32 to index
    %swap3A_927 = arith.constant 0 : index
    %swap3A_928 = tpu.vector_load %arg7[%swap3A_926, %swap3A_927] {strides = array<i32>} : memref<32x16xf32, #tpu.memory_space<vmem>>, vector<1x16xf32>,
    %swap3A_929 = vector.shape_cast %swap3A_928 : vector<1x16xf32> to vector<16xf32>
    %swap3A_930 = vector.shape_cast %get3A_924 : vector<16xf32> to vector<1x16xf32>
    tpu.vector_store %arg7[%swap3A_926, %swap3A_927], %swap3A_930 {strides = array<i32>} : memref<32x16xf32, #tpu.memory_space<vmem>>, vector<1x16xf32>,
    %and3A_931 = arith.constant 112 : i32
    %and3A_932 = arith.andi %squeeze3A_18, %and3A_931 : i32
    %multiple_of3A_933 = tpu.assume_multiple %and3A_932, 16 : i32
    %get3A_934 = arith.constant 63 : i32
    %get3A_935 = arith.index_cast %get3A_934 : i32 to index
    %get3A_936 = arith.index_cast %multiple_of3A_933 : i32 to index
    %get3A_937 = tpu.vector_load %arg6[%get3A_935, %get3A_936] {strides = array<i32>} : memref<256x128xf32, #tpu.memory_space<vmem>>, vector<1x16xf32>,
    %get3A_938 = vector.shape_cast %get3A_937 : vector<1x16xf32> to vector<16xf32>
    %swap3A_939 = arith.constant 7 : i32
    %swap3A_940 = arith.index_cast %swap3A_939 : i32 to index
    %swap3A_941 = arith.constant 0 : index
    %swap3A_942 = tpu.vector_load %arg7[%swap3A_940, %swap3A_941] {strides = array<i32>} : memref<32x16xf32, #tpu.memory_space<vmem>>, vector<1x16xf32>,
    %swap3A_943 = vector.shape_cast %swap3A_942 : vector<1x16xf32> to vector<16xf32>
    %swap3A_944 = vector.shape_cast %get3A_938 : vector<16xf32> to vector<1x16xf32>
    tpu.vector_store %arg7[%swap3A_940, %swap3A_941], %swap3A_944 {strides = array<i32>} : memref<32x16xf32, #tpu.memory_space<vmem>>, vector<1x16xf32>,
    %and3A_945 = arith.constant 112 : i32
    %and3A_946 = arith.andi %squeeze3A_20, %and3A_945 : i32
    %multiple_of3A_947 = tpu.assume_multiple %and3A_946, 16 : i32
    %get3A_948 = arith.constant 64 : i32
    %get3A_949 = arith.index_cast %get3A_948 : i32 to index
    %get3A_950 = arith.index_cast %multiple_of3A_947 : i32 to index
    %get3A_951 = tpu.vector_load %arg6[%get3A_949, %get3A_950] {strides = array<i32>} : memref<256x128xf32, #tpu.memory_space<vmem>>, vector<1x16xf32>,
    %get3A_952 = vector.shape_cast %get3A_951 : vector<1x16xf32> to vector<16xf32>
    %swap3A_953 = arith.constant 8 : i32
    %swap3A_954 = arith.index_cast %swap3A_953 : i32 to index
    %swap3A_955 = arith.constant 0 : index
    %swap3A_956 = tpu.vector_load %arg7[%swap3A_954, %swap3A_955] {strides = array<i32>} : memref<32x16xf32, #tpu.memory_space<vmem>>, vector<1x16xf32>,
    %swap3A_957 = vector.shape_cast %swap3A_956 : vector<1x16xf32> to vector<16xf32>
    %swap3A_958 = vector.shape_cast %get3A_952 : vector<16xf32> to vector<1x16xf32>
    tpu.vector_store %arg7[%swap3A_954, %swap3A_955], %swap3A_958 {strides = array<i32>} : memref<32x16xf32, #tpu.memory_space<vmem>>, vector<1x16xf32>,
    %and3A_959 = arith.constant 112 : i32
    %and3A_960 = arith.andi %squeeze3A_22, %and3A_959 : i32
    %multiple_of3A_961 = tpu.assume_multiple %and3A_960, 16 : i32
    %get3A_962 = arith.constant 73 : i32
    %get3A_963 = arith.index_cast %get3A_962 : i32 to index
    %get3A_964 = arith.index_cast %multiple_of3A_961 : i32 to index
    %get3A_965 = tpu.vector_load %arg6[%get3A_963, %get3A_964] {strides = array<i32>} : memref<256x128xf32, #tpu.memory_space<vmem>>, vector<1x16xf32>,
    %get3A_966 = vector.shape_cast %get3A_965 : vector<1x16xf32> to vector<16xf32>
    %swap3A_967 = arith.constant 9 : i32
    %swap3A_968 = arith.index_cast %swap3A_967 : i32 to index
    %swap3A_969 = arith.constant 0 : index
    %swap3A_970 = tpu.vector_load %arg7[%swap3A_968, %swap3A_969] {strides = array<i32>} : memref<32x16xf32, #tpu.memory_space<vmem>>, vector<1x16xf32>,
    %swap3A_971 = vector.shape_cast %swap3A_970 : vector<1x16xf32> to vector<16xf32>
    %swap3A_972 = vector.shape_cast %get3A_966 : vector<16xf32> to vector<1x16xf32>
    tpu.vector_store %arg7[%swap3A_968, %swap3A_969], %swap3A_972 {strides = array<i32>} : memref<32x16xf32, #tpu.memory_space<vmem>>, vector<1x16xf32>,
    %and3A_973 = arith.constant 112 : i32
    %and3A_974 = arith.andi %squeeze3A_24, %and3A_973 : i32
    %multiple_of3A_975 = tpu.assume_multiple %and3A_974, 16 : i32
    %get3A_976 = arith.constant 82 : i32
    %get3A_977 = arith.index_cast %get3A_976 : i32 to index
    %get3A_978 = arith.index_cast %multiple_of3A_975 : i32 to index
    %get3A_979 = tpu.vector_load %arg6[%get3A_977, %get3A_978] {strides = array<i32>} : memref<256x128xf32, #tpu.memory_space<vmem>>, vector<1x16xf32>,
    %get3A_980 = vector.shape_cast %get3A_979 : vector<1x16xf32> to vector<16xf32>
    %swap3A_981 = arith.constant 10 : i32
    %swap3A_982 = arith.index_cast %swap3A_981 : i32 to index
    %swap3A_983 = arith.constant 0 : index
    %swap3A_984 = tpu.vector_load %arg7[%swap3A_982, %swap3A_983] {strides = array<i32>} : memref<32x16xf32, #tpu.memory_space<vmem>>, vector<1x16xf32>,
    %swap3A_985 = vector.shape_cast %swap3A_984 : vector<1x16xf32> to vector<16xf32>
    %swap3A_986 = vector.shape_cast %get3A_980 : vector<16xf32> to vector<1x16xf32>
    tpu.vector_store %arg7[%swap3A_982, %swap3A_983], %swap3A_986 {strides = array<i32>} : memref<32x16xf32, #tpu.memory_space<vmem>>, vector<1x16xf32>,
    %and3A_987 = arith.constant 112 : i32
    %and3A_988 = arith.andi %squeeze3A_26, %and3A_987 : i32
    %multiple_of3A_989 = tpu.assume_multiple %and3A_988, 16 : i32
    %get3A_990 = arith.constant 91 : i32
    %get3A_991 = arith.index_cast %get3A_990 : i32 to index
    %get3A_992 = arith.index_cast %multiple_of3A_989 : i32 to index
    %get3A_993 = tpu.vector_load %arg6[%get3A_991, %get3A_992] {strides = array<i32>} : memref<256x128xf32, #tpu.memory_space<vmem>>, vector<1x16xf32>,
    %get3A_994 = vector.shape_cast %get3A_993 : vector<1x16xf32> to vector<16xf32>
    %swap3A_995 = arith.constant 11 : i32
    %swap3A_996 = arith.index_cast %swap3A_995 : i32 to index
    %swap3A_997 = arith.constant 0 : index
    %swap3A_998 = tpu.vector_load %arg7[%swap3A_996, %swap3A_997] {strides = array<i32>} : memref<32x16xf32, #tpu.memory_space<vmem>>, vector<1x16xf32>,
    %swap3A_999 = vector.shape_cast %swap3A_998 : vector<1x16xf32> to vector<16xf32>
    %swap3A_1000 = vector.shape_cast %get3A_994 : vector<16xf32> to vector<1x16xf32>
    tpu.vector_store %arg7[%swap3A_996, %swap3A_997], %swap3A_1000 {strides = array<i32>} : memref<32x16xf32, #tpu.memory_space<vmem>>, vector<1x16xf32>,
    %and3A_1001 = arith.constant 112 : i32
    %and3A_1002 = arith.andi %squeeze3A_28, %and3A_1001 : i32
    %multiple_of3A_1003 = tpu.assume_multiple %and3A_1002, 16 : i32
    %get3A_1004 = arith.constant 100 : i32
    %get3A_1005 = arith.index_cast %get3A_1004 : i32 to index
    %get3A_1006 = arith.index_cast %multiple_of3A_1003 : i32 to index
    %get3A_1007 = tpu.vector_load %arg6[%get3A_1005, %get3A_1006] {strides = array<i32>} : memref<256x128xf32, #tpu.memory_space<vmem>>, vector<1x16xf32>,
    %get3A_1008 = vector.shape_cast %get3A_1007 : vector<1x16xf32> to vector<16xf32>
    %swap3A_1009 = arith.constant 12 : i32
    %swap3A_1010 = arith.index_cast %swap3A_1009 : i32 to index
    %swap3A_1011 = arith.constant 0 : index
    %swap3A_1012 = tpu.vector_load %arg7[%swap3A_1010, %swap3A_1011] {strides = array<i32>} : memref<32x16xf32, #tpu.memory_space<vmem>>, vector<1x16xf32>,
    %swap3A_1013 = vector.shape_cast %swap3A_1012 : vector<1x16xf32> to vector<16xf32>
    %swap3A_1014 = vector.shape_cast %get3A_1008 : vector<16xf32> to vector<1x16xf32>
    tpu.vector_store %arg7[%swap3A_1010, %swap3A_1011], %swap3A_1014 {strides = array<i32>} : memref<32x16xf32, #tpu.memory_space<vmem>>, vector<1x16xf32>,
    %and3A_1015 = arith.constant 112 : i32
    %and3A_1016 = arith.andi %squeeze3A_30, %and3A_1015 : i32
    %multiple_of3A_1017 = tpu.assume_multiple %and3A_1016, 16 : i32
    %get3A_1018 = arith.constant 109 : i32
    %get3A_1019 = arith.index_cast %get3A_1018 : i32 to index
    %get3A_1020 = arith.index_cast %multiple_of3A_1017 : i32 to index
    %get3A_1021 = tpu.vector_load %arg6[%get3A_1019, %get3A_1020] {strides = array<i32>} : memref<256x128xf32, #tpu.memory_space<vmem>>, vector<1x16xf32>,
    %get3A_1022 = vector.shape_cast %get3A_1021 : vector<1x16xf32> to vector<16xf32>
    %swap3A_1023 = arith.constant 13 : i32
    %swap3A_1024 = arith.index_cast %swap3A_1023 : i32 to index
    %swap3A_1025 = arith.constant 0 : index
    %swap3A_1026 = tpu.vector_load %arg7[%swap3A_1024, %swap3A_1025] {strides = array<i32>} : memref<32x16xf32, #tpu.memory_space<vmem>>, vector<1x16xf32>,
    %swap3A_1027 = vector.shape_cast %swap3A_1026 : vector<1x16xf32> to vector<16xf32>
    %swap3A_1028 = vector.shape_cast %get3A_1022 : vector<16xf32> to vector<1x16xf32>
    tpu.vector_store %arg7[%swap3A_1024, %swap3A_1025], %swap3A_1028 {strides = array<i32>} : memref<32x16xf32, #tpu.memory_space<vmem>>, vector<1x16xf32>,
    %and3A_1029 = arith.constant 112 : i32
    %and3A_1030 = arith.andi %squeeze3A_32, %and3A_1029 : i32
    %multiple_of3A_1031 = tpu.assume_multiple %and3A_1030, 16 : i32
    %get3A_1032 = arith.constant 118 : i32
    %get3A_1033 = arith.index_cast %get3A_1032 : i32 to index
    %get3A_1034 = arith.index_cast %multiple_of3A_1031 : i32 to index
    %get3A_1035 = tpu.vector_load %arg6[%get3A_1033, %get3A_1034] {strides = array<i32>} : memref<256x128xf32, #tpu.memory_space<vmem>>, vector<1x16xf32>,
    %get3A_1036 = vector.shape_cast %get3A_1035 : vector<1x16xf32> to vector<16xf32>
    %swap3A_1037 = arith.constant 14 : i32
    %swap3A_1038 = arith.index_cast %swap3A_1037 : i32 to index
    %swap3A_1039 = arith.constant 0 : index
    %swap3A_1040 = tpu.vector_load %arg7[%swap3A_1038, %swap3A_1039] {strides = array<i32>} : memref<32x16xf32, #tpu.memory_space<vmem>>, vector<1x16xf32>,
    %swap3A_1041 = vector.shape_cast %swap3A_1040 : vector<1x16xf32> to vector<16xf32>
    %swap3A_1042 = vector.shape_cast %get3A_1036 : vector<16xf32> to vector<1x16xf32>
    tpu.vector_store %arg7[%swap3A_1038, %swap3A_1039], %swap3A_1042 {strides = array<i32>} : memref<32x16xf32, #tpu.memory_space<vmem>>, vector<1x16xf32>,
    %and3A_1043 = arith.constant 112 : i32
    %and3A_1044 = arith.andi %squeeze3A_34, %and3A_1043 : i32
    %multiple_of3A_1045 = tpu.assume_multiple %and3A_1044, 16 : i32
    %get3A_1046 = arith.constant 127 : i32
    %get3A_1047 = arith.index_cast %get3A_1046 : i32 to index
    %get3A_1048 = arith.index_cast %multiple_of3A_1045 : i32 to index
    %get3A_1049 = tpu.vector_load %arg6[%get3A_1047, %get3A_1048] {strides = array<i32>} : memref<256x128xf32, #tpu.memory_space<vmem>>, vector<1x16xf32>,
    %get3A_1050 = vector.shape_cast %get3A_1049 : vector<1x16xf32> to vector<16xf32>
    %swap3A_1051 = arith.constant 15 : i32
    %swap3A_1052 = arith.index_cast %swap3A_1051 : i32 to index
    %swap3A_1053 = arith.constant 0 : index
    %swap3A_1054 = tpu.vector_load %arg7[%swap3A_1052, %swap3A_1053] {strides = array<i32>} : memref<32x16xf32, #tpu.memory_space<vmem>>, vector<1x16xf32>,
    %swap3A_1055 = vector.shape_cast %swap3A_1054 : vector<1x16xf32> to vector<16xf32>
    %swap3A_1056 = vector.shape_cast %get3A_1050 : vector<16xf32> to vector<1x16xf32>
    tpu.vector_store %arg7[%swap3A_1052, %swap3A_1053], %swap3A_1056 {strides = array<i32>} : memref<32x16xf32, #tpu.memory_space<vmem>>, vector<1x16xf32>,
    %and3A_1057 = arith.constant 112 : i32
    %and3A_1058 = arith.andi %squeeze3A_39, %and3A_1057 : i32
    %multiple_of3A_1059 = tpu.assume_multiple %and3A_1058, 16 : i32
    %get3A_1060 = arith.constant 128 : i32
    %get3A_1061 = arith.index_cast %get3A_1060 : i32 to index
    %get3A_1062 = arith.index_cast %multiple_of3A_1059 : i32 to index
    %get3A_1063 = tpu.vector_load %arg6[%get3A_1061, %get3A_1062] {strides = array<i32>} : memref<256x128xf32, #tpu.memory_space<vmem>>, vector<1x16xf32>,
    %get3A_1064 = vector.shape_cast %get3A_1063 : vector<1x16xf32> to vector<16xf32>
    %swap3A_1065 = arith.constant 16 : i32
    %swap3A_1066 = arith.index_cast %swap3A_1065 : i32 to index
    %swap3A_1067 = arith.constant 0 : index
    %swap3A_1068 = tpu.vector_load %arg7[%swap3A_1066, %swap3A_1067] {strides = array<i32>} : memref<32x16xf32, #tpu.memory_space<vmem>>, vector<1x16xf32>,
    %swap3A_1069 = vector.shape_cast %swap3A_1068 : vector<1x16xf32> to vector<16xf32>
    %swap3A_1070 = vector.shape_cast %get3A_1064 : vector<16xf32> to vector<1x16xf32>
    tpu.vector_store %arg7[%swap3A_1066, %swap3A_1067], %swap3A_1070 {strides = array<i32>} : memref<32x16xf32, #tpu.memory_space<vmem>>, vector<1x16xf32>,
    %and3A_1071 = arith.constant 112 : i32
    %and3A_1072 = arith.andi %squeeze3A_41, %and3A_1071 : i32
    %multiple_of3A_1073 = tpu.assume_multiple %and3A_1072, 16 : i32
    %get3A_1074 = arith.constant 137 : i32
    %get3A_1075 = arith.index_cast %get3A_1074 : i32 to index
    %get3A_1076 = arith.index_cast %multiple_of3A_1073 : i32 to index
    %get3A_1077 = tpu.vector_load %arg6[%get3A_1075, %get3A_1076] {strides = array<i32>} : memref<256x128xf32, #tpu.memory_space<vmem>>, vector<1x16xf32>,
    %get3A_1078 = vector.shape_cast %get3A_1077 : vector<1x16xf32> to vector<16xf32>
    %swap3A_1079 = arith.constant 17 : i32
    %swap3A_1080 = arith.index_cast %swap3A_1079 : i32 to index
    %swap3A_1081 = arith.constant 0 : index
    %swap3A_1082 = tpu.vector_load %arg7[%swap3A_1080, %swap3A_1081] {strides = array<i32>} : memref<32x16xf32, #tpu.memory_space<vmem>>, vector<1x16xf32>,
    %swap3A_1083 = vector.shape_cast %swap3A_1082 : vector<1x16xf32> to vector<16xf32>
    %swap3A_1084 = vector.shape_cast %get3A_1078 : vector<16xf32> to vector<1x16xf32>
    tpu.vector_store %arg7[%swap3A_1080, %swap3A_1081], %swap3A_1084 {strides = array<i32>} : memref<32x16xf32, #tpu.memory_space<vmem>>, vector<1x16xf32>,
    %and3A_1085 = arith.constant 112 : i32
    %and3A_1086 = arith.andi %squeeze3A_43, %and3A_1085 : i32
    %multiple_of3A_1087 = tpu.assume_multiple %and3A_1086, 16 : i32
    %get3A_1088 = arith.constant 146 : i32
    %get3A_1089 = arith.index_cast %get3A_1088 : i32 to index
    %get3A_1090 = arith.index_cast %multiple_of3A_1087 : i32 to index
    %get3A_1091 = tpu.vector_load %arg6[%get3A_1089, %get3A_1090] {strides = array<i32>} : memref<256x128xf32, #tpu.memory_space<vmem>>, vector<1x16xf32>,
    %get3A_1092 = vector.shape_cast %get3A_1091 : vector<1x16xf32> to vector<16xf32>
    %swap3A_1093 = arith.constant 18 : i32
    %swap3A_1094 = arith.index_cast %swap3A_1093 : i32 to index
    %swap3A_1095 = arith.constant 0 : index
    %swap3A_1096 = tpu.vector_load %arg7[%swap3A_1094, %swap3A_1095] {strides = array<i32>} : memref<32x16xf32, #tpu.memory_space<vmem>>, vector<1x16xf32>,
    %swap3A_1097 = vector.shape_cast %swap3A_1096 : vector<1x16xf32> to vector<16xf32>
    %swap3A_1098 = vector.shape_cast %get3A_1092 : vector<16xf32> to vector<1x16xf32>
    tpu.vector_store %arg7[%swap3A_1094, %swap3A_1095], %swap3A_1098 {strides = array<i32>} : memref<32x16xf32, #tpu.memory_space<vmem>>, vector<1x16xf32>,
    %and3A_1099 = arith.constant 112 : i32
    %and3A_1100 = arith.andi %squeeze3A_45, %and3A_1099 : i32
    %multiple_of3A_1101 = tpu.assume_multiple %and3A_1100, 16 : i32
    %get3A_1102 = arith.constant 155 : i32
    %get3A_1103 = arith.index_cast %get3A_1102 : i32 to index
    %get3A_1104 = arith.index_cast %multiple_of3A_1101 : i32 to index
    %get3A_1105 = tpu.vector_load %arg6[%get3A_1103, %get3A_1104] {strides = array<i32>} : memref<256x128xf32, #tpu.memory_space<vmem>>, vector<1x16xf32>,
    %get3A_1106 = vector.shape_cast %get3A_1105 : vector<1x16xf32> to vector<16xf32>
    %swap3A_1107 = arith.constant 19 : i32
    %swap3A_1108 = arith.index_cast %swap3A_1107 : i32 to index
    %swap3A_1109 = arith.constant 0 : index
    %swap3A_1110 = tpu.vector_load %arg7[%swap3A_1108, %swap3A_1109] {strides = array<i32>} : memref<32x16xf32, #tpu.memory_space<vmem>>, vector<1x16xf32>,
    %swap3A_1111 = vector.shape_cast %swap3A_1110 : vector<1x16xf32> to vector<16xf32>
    %swap3A_1112 = vector.shape_cast %get3A_1106 : vector<16xf32> to vector<1x16xf32>
    tpu.vector_store %arg7[%swap3A_1108, %swap3A_1109], %swap3A_1112 {strides = array<i32>} : memref<32x16xf32, #tpu.memory_space<vmem>>, vector<1x16xf32>,
    %and3A_1113 = arith.constant 112 : i32
    %and3A_1114 = arith.andi %squeeze3A_47, %and3A_1113 : i32
    %multiple_of3A_1115 = tpu.assume_multiple %and3A_1114, 16 : i32
    %get3A_1116 = arith.constant 164 : i32
    %get3A_1117 = arith.index_cast %get3A_1116 : i32 to index
    %get3A_1118 = arith.index_cast %multiple_of3A_1115 : i32 to index
    %get3A_1119 = tpu.vector_load %arg6[%get3A_1117, %get3A_1118] {strides = array<i32>} : memref<256x128xf32, #tpu.memory_space<vmem>>, vector<1x16xf32>,
    %get3A_1120 = vector.shape_cast %get3A_1119 : vector<1x16xf32> to vector<16xf32>
    %swap3A_1121 = arith.constant 20 : i32
    %swap3A_1122 = arith.index_cast %swap3A_1121 : i32 to index
    %swap3A_1123 = arith.constant 0 : index
    %swap3A_1124 = tpu.vector_load %arg7[%swap3A_1122, %swap3A_1123] {strides = array<i32>} : memref<32x16xf32, #tpu.memory_space<vmem>>, vector<1x16xf32>,
    %swap3A_1125 = vector.shape_cast %swap3A_1124 : vector<1x16xf32> to vector<16xf32>
    %swap3A_1126 = vector.shape_cast %get3A_1120 : vector<16xf32> to vector<1x16xf32>
    tpu.vector_store %arg7[%swap3A_1122, %swap3A_1123], %swap3A_1126 {strides = array<i32>} : memref<32x16xf32, #tpu.memory_space<vmem>>, vector<1x16xf32>,
    %and3A_1127 = arith.constant 112 : i32
    %and3A_1128 = arith.andi %squeeze3A_49, %and3A_1127 : i32
    %multiple_of3A_1129 = tpu.assume_multiple %and3A_1128, 16 : i32
    %get3A_1130 = arith.constant 173 : i32
    %get3A_1131 = arith.index_cast %get3A_1130 : i32 to index
    %get3A_1132 = arith.index_cast %multiple_of3A_1129 : i32 to index
    %get3A_1133 = tpu.vector_load %arg6[%get3A_1131, %get3A_1132] {strides = array<i32>} : memref<256x128xf32, #tpu.memory_space<vmem>>, vector<1x16xf32>,
    %get3A_1134 = vector.shape_cast %get3A_1133 : vector<1x16xf32> to vector<16xf32>
    %swap3A_1135 = arith.constant 21 : i32
    %swap3A_1136 = arith.index_cast %swap3A_1135 : i32 to index
    %swap3A_1137 = arith.constant 0 : index
    %swap3A_1138 = tpu.vector_load %arg7[%swap3A_1136, %swap3A_1137] {strides = array<i32>} : memref<32x16xf32, #tpu.memory_space<vmem>>, vector<1x16xf32>,
    %swap3A_1139 = vector.shape_cast %swap3A_1138 : vector<1x16xf32> to vector<16xf32>
    %swap3A_1140 = vector.shape_cast %get3A_1134 : vector<16xf32> to vector<1x16xf32>
    tpu.vector_store %arg7[%swap3A_1136, %swap3A_1137], %swap3A_1140 {strides = array<i32>} : memref<32x16xf32, #tpu.memory_space<vmem>>, vector<1x16xf32>,
    %and3A_1141 = arith.constant 112 : i32
    %and3A_1142 = arith.andi %squeeze3A_51, %and3A_1141 : i32
    %multiple_of3A_1143 = tpu.assume_multiple %and3A_1142, 16 : i32
    %get3A_1144 = arith.constant 182 : i32
    %get3A_1145 = arith.index_cast %get3A_1144 : i32 to index
    %get3A_1146 = arith.index_cast %multiple_of3A_1143 : i32 to index
    %get3A_1147 = tpu.vector_load %arg6[%get3A_1145, %get3A_1146] {strides = array<i32>} : memref<256x128xf32, #tpu.memory_space<vmem>>, vector<1x16xf32>,
    %get3A_1148 = vector.shape_cast %get3A_1147 : vector<1x16xf32> to vector<16xf32>
    %swap3A_1149 = arith.constant 22 : i32
    %swap3A_1150 = arith.index_cast %swap3A_1149 : i32 to index
    %swap3A_1151 = arith.constant 0 : index
    %swap3A_1152 = tpu.vector_load %arg7[%swap3A_1150, %swap3A_1151] {strides = array<i32>} : memref<32x16xf32, #tpu.memory_space<vmem>>, vector<1x16xf32>,
    %swap3A_1153 = vector.shape_cast %swap3A_1152 : vector<1x16xf32> to vector<16xf32>
    %swap3A_1154 = vector.shape_cast %get3A_1148 : vector<16xf32> to vector<1x16xf32>
    tpu.vector_store %arg7[%swap3A_1150, %swap3A_1151], %swap3A_1154 {strides = array<i32>} : memref<32x16xf32, #tpu.memory_space<vmem>>, vector<1x16xf32>,
    %and3A_1155 = arith.constant 112 : i32
    %and3A_1156 = arith.andi %squeeze3A_53, %and3A_1155 : i32
    %multiple_of3A_1157 = tpu.assume_multiple %and3A_1156, 16 : i32
    %get3A_1158 = arith.constant 191 : i32
    %get3A_1159 = arith.index_cast %get3A_1158 : i32 to index
    %get3A_1160 = arith.index_cast %multiple_of3A_1157 : i32 to index
    %get3A_1161 = tpu.vector_load %arg6[%get3A_1159, %get3A_1160] {strides = array<i32>} : memref<256x128xf32, #tpu.memory_space<vmem>>, vector<1x16xf32>,
    %get3A_1162 = vector.shape_cast %get3A_1161 : vector<1x16xf32> to vector<16xf32>
    %swap3A_1163 = arith.constant 23 : i32
    %swap3A_1164 = arith.index_cast %swap3A_1163 : i32 to index
    %swap3A_1165 = arith.constant 0 : index
    %swap3A_1166 = tpu.vector_load %arg7[%swap3A_1164, %swap3A_1165] {strides = array<i32>} : memref<32x16xf32, #tpu.memory_space<vmem>>, vector<1x16xf32>,
    %swap3A_1167 = vector.shape_cast %swap3A_1166 : vector<1x16xf32> to vector<16xf32>
    %swap3A_1168 = vector.shape_cast %get3A_1162 : vector<16xf32> to vector<1x16xf32>
    tpu.vector_store %arg7[%swap3A_1164, %swap3A_1165], %swap3A_1168 {strides = array<i32>} : memref<32x16xf32, #tpu.memory_space<vmem>>, vector<1x16xf32>,
    %and3A_1169 = arith.constant 112 : i32
    %and3A_1170 = arith.andi %squeeze3A_55, %and3A_1169 : i32
    %multiple_of3A_1171 = tpu.assume_multiple %and3A_1170, 16 : i32
    %get3A_1172 = arith.constant 192 : i32
    %get3A_1173 = arith.index_cast %get3A_1172 : i32 to index
    %get3A_1174 = arith.index_cast %multiple_of3A_1171 : i32 to index
    %get3A_1175 = tpu.vector_load %arg6[%get3A_1173, %get3A_1174] {strides = array<i32>} : memref<256x128xf32, #tpu.memory_space<vmem>>, vector<1x16xf32>,
    %get3A_1176 = vector.shape_cast %get3A_1175 : vector<1x16xf32> to vector<16xf32>
    %swap3A_1177 = arith.constant 24 : i32
    %swap3A_1178 = arith.index_cast %swap3A_1177 : i32 to index
    %swap3A_1179 = arith.constant 0 : index
    %swap3A_1180 = tpu.vector_load %arg7[%swap3A_1178, %swap3A_1179] {strides = array<i32>} : memref<32x16xf32, #tpu.memory_space<vmem>>, vector<1x16xf32>,
    %swap3A_1181 = vector.shape_cast %swap3A_1180 : vector<1x16xf32> to vector<16xf32>
    %swap3A_1182 = vector.shape_cast %get3A_1176 : vector<16xf32> to vector<1x16xf32>
    tpu.vector_store %arg7[%swap3A_1178, %swap3A_1179], %swap3A_1182 {strides = array<i32>} : memref<32x16xf32, #tpu.memory_space<vmem>>, vector<1x16xf32>,
    %and3A_1183 = arith.constant 112 : i32
    %and3A_1184 = arith.andi %squeeze3A_57, %and3A_1183 : i32
    %multiple_of3A_1185 = tpu.assume_multiple %and3A_1184, 16 : i32
    %get3A_1186 = arith.constant 201 : i32
    %get3A_1187 = arith.index_cast %get3A_1186 : i32 to index
    %get3A_1188 = arith.index_cast %multiple_of3A_1185 : i32 to index
    %get3A_1189 = tpu.vector_load %arg6[%get3A_1187, %get3A_1188] {strides = array<i32>} : memref<256x128xf32, #tpu.memory_space<vmem>>, vector<1x16xf32>,
    %get3A_1190 = vector.shape_cast %get3A_1189 : vector<1x16xf32> to vector<16xf32>
    %swap3A_1191 = arith.constant 25 : i32
    %swap3A_1192 = arith.index_cast %swap3A_1191 : i32 to index
    %swap3A_1193 = arith.constant 0 : index
    %swap3A_1194 = tpu.vector_load %arg7[%swap3A_1192, %swap3A_1193] {strides = array<i32>} : memref<32x16xf32, #tpu.memory_space<vmem>>, vector<1x16xf32>,
    %swap3A_1195 = vector.shape_cast %swap3A_1194 : vector<1x16xf32> to vector<16xf32>
    %swap3A_1196 = vector.shape_cast %get3A_1190 : vector<16xf32> to vector<1x16xf32>
    tpu.vector_store %arg7[%swap3A_1192, %swap3A_1193], %swap3A_1196 {strides = array<i32>} : memref<32x16xf32, #tpu.memory_space<vmem>>, vector<1x16xf32>,
    %and3A_1197 = arith.constant 112 : i32
    %and3A_1198 = arith.andi %squeeze3A_59, %and3A_1197 : i32
    %multiple_of3A_1199 = tpu.assume_multiple %and3A_1198, 16 : i32
    %get3A_1200 = arith.constant 210 : i32
    %get3A_1201 = arith.index_cast %get3A_1200 : i32 to index
    %get3A_1202 = arith.index_cast %multiple_of3A_1199 : i32 to index
    %get3A_1203 = tpu.vector_load %arg6[%get3A_1201, %get3A_1202] {strides = array<i32>} : memref<256x128xf32, #tpu.memory_space<vmem>>, vector<1x16xf32>,
    %get3A_1204 = vector.shape_cast %get3A_1203 : vector<1x16xf32> to vector<16xf32>
    %swap3A_1205 = arith.constant 26 : i32
    %swap3A_1206 = arith.index_cast %swap3A_1205 : i32 to index
    %swap3A_1207 = arith.constant 0 : index
    %swap3A_1208 = tpu.vector_load %arg7[%swap3A_1206, %swap3A_1207] {strides = array<i32>} : memref<32x16xf32, #tpu.memory_space<vmem>>, vector<1x16xf32>,
    %swap3A_1209 = vector.shape_cast %swap3A_1208 : vector<1x16xf32> to vector<16xf32>
    %swap3A_1210 = vector.shape_cast %get3A_1204 : vector<16xf32> to vector<1x16xf32>
    tpu.vector_store %arg7[%swap3A_1206, %swap3A_1207], %swap3A_1210 {strides = array<i32>} : memref<32x16xf32, #tpu.memory_space<vmem>>, vector<1x16xf32>,
    %and3A_1211 = arith.constant 112 : i32
    %and3A_1212 = arith.andi %squeeze3A_61, %and3A_1211 : i32
    %multiple_of3A_1213 = tpu.assume_multiple %and3A_1212, 16 : i32
    %get3A_1214 = arith.constant 219 : i32
    %get3A_1215 = arith.index_cast %get3A_1214 : i32 to index
    %get3A_1216 = arith.index_cast %multiple_of3A_1213 : i32 to index
    %get3A_1217 = tpu.vector_load %arg6[%get3A_1215, %get3A_1216] {strides = array<i32>} : memref<256x128xf32, #tpu.memory_space<vmem>>, vector<1x16xf32>,
    %get3A_1218 = vector.shape_cast %get3A_1217 : vector<1x16xf32> to vector<16xf32>
    %swap3A_1219 = arith.constant 27 : i32
    %swap3A_1220 = arith.index_cast %swap3A_1219 : i32 to index
    %swap3A_1221 = arith.constant 0 : index
    %swap3A_1222 = tpu.vector_load %arg7[%swap3A_1220, %swap3A_1221] {strides = array<i32>} : memref<32x16xf32, #tpu.memory_space<vmem>>, vector<1x16xf32>,
    %swap3A_1223 = vector.shape_cast %swap3A_1222 : vector<1x16xf32> to vector<16xf32>
    %swap3A_1224 = vector.shape_cast %get3A_1218 : vector<16xf32> to vector<1x16xf32>
    tpu.vector_store %arg7[%swap3A_1220, %swap3A_1221], %swap3A_1224 {strides = array<i32>} : memref<32x16xf32, #tpu.memory_space<vmem>>, vector<1x16xf32>,
    %and3A_1225 = arith.constant 112 : i32
    %and3A_1226 = arith.andi %squeeze3A_63, %and3A_1225 : i32
    %multiple_of3A_1227 = tpu.assume_multiple %and3A_1226, 16 : i32
    %get3A_1228 = arith.constant 228 : i32
    %get3A_1229 = arith.index_cast %get3A_1228 : i32 to index
    %get3A_1230 = arith.index_cast %multiple_of3A_1227 : i32 to index
    %get3A_1231 = tpu.vector_load %arg6[%get3A_1229, %get3A_1230] {strides = array<i32>} : memref<256x128xf32, #tpu.memory_space<vmem>>, vector<1x16xf32>,
    %get3A_1232 = vector.shape_cast %get3A_1231 : vector<1x16xf32> to vector<16xf32>
    %swap3A_1233 = arith.constant 28 : i32
    %swap3A_1234 = arith.index_cast %swap3A_1233 : i32 to index
    %swap3A_1235 = arith.constant 0 : index
    %swap3A_1236 = tpu.vector_load %arg7[%swap3A_1234, %swap3A_1235] {strides = array<i32>} : memref<32x16xf32, #tpu.memory_space<vmem>>, vector<1x16xf32>,
    %swap3A_1237 = vector.shape_cast %swap3A_1236 : vector<1x16xf32> to vector<16xf32>
    %swap3A_1238 = vector.shape_cast %get3A_1232 : vector<16xf32> to vector<1x16xf32>
    tpu.vector_store %arg7[%swap3A_1234, %swap3A_1235], %swap3A_1238 {strides = array<i32>} : memref<32x16xf32, #tpu.memory_space<vmem>>, vector<1x16xf32>,
    %and3A_1239 = arith.constant 112 : i32
    %and3A_1240 = arith.andi %squeeze3A_65, %and3A_1239 : i32
    %multiple_of3A_1241 = tpu.assume_multiple %and3A_1240, 16 : i32
    %get3A_1242 = arith.constant 237 : i32
    %get3A_1243 = arith.index_cast %get3A_1242 : i32 to index
    %get3A_1244 = arith.index_cast %multiple_of3A_1241 : i32 to index
    %get3A_1245 = tpu.vector_load %arg6[%get3A_1243, %get3A_1244] {strides = array<i32>} : memref<256x128xf32, #tpu.memory_space<vmem>>, vector<1x16xf32>,
    %get3A_1246 = vector.shape_cast %get3A_1245 : vector<1x16xf32> to vector<16xf32>
    %swap3A_1247 = arith.constant 29 : i32
    %swap3A_1248 = arith.index_cast %swap3A_1247 : i32 to index
    %swap3A_1249 = arith.constant 0 : index
    %swap3A_1250 = tpu.vector_load %arg7[%swap3A_1248, %swap3A_1249] {strides = array<i32>} : memref<32x16xf32, #tpu.memory_space<vmem>>, vector<1x16xf32>,
    %swap3A_1251 = vector.shape_cast %swap3A_1250 : vector<1x16xf32> to vector<16xf32>
    %swap3A_1252 = vector.shape_cast %get3A_1246 : vector<16xf32> to vector<1x16xf32>
    tpu.vector_store %arg7[%swap3A_1248, %swap3A_1249], %swap3A_1252 {strides = array<i32>} : memref<32x16xf32, #tpu.memory_space<vmem>>, vector<1x16xf32>,
    %and3A_1253 = arith.constant 112 : i32
    %and3A_1254 = arith.andi %squeeze3A_67, %and3A_1253 : i32
    %multiple_of3A_1255 = tpu.assume_multiple %and3A_1254, 16 : i32
    %get3A_1256 = arith.constant 246 : i32
    %get3A_1257 = arith.index_cast %get3A_1256 : i32 to index
    %get3A_1258 = arith.index_cast %multiple_of3A_1255 : i32 to index
    %get3A_1259 = tpu.vector_load %arg6[%get3A_1257, %get3A_1258] {strides = array<i32>} : memref<256x128xf32, #tpu.memory_space<vmem>>, vector<1x16xf32>,
    %get3A_1260 = vector.shape_cast %get3A_1259 : vector<1x16xf32> to vector<16xf32>
    %swap3A_1261 = arith.constant 30 : i32
    %swap3A_1262 = arith.index_cast %swap3A_1261 : i32 to index
    %swap3A_1263 = arith.constant 0 : index
    %swap3A_1264 = tpu.vector_load %arg7[%swap3A_1262, %swap3A_1263] {strides = array<i32>} : memref<32x16xf32, #tpu.memory_space<vmem>>, vector<1x16xf32>,
    %swap3A_1265 = vector.shape_cast %swap3A_1264 : vector<1x16xf32> to vector<16xf32>
    %swap3A_1266 = vector.shape_cast %get3A_1260 : vector<16xf32> to vector<1x16xf32>
    tpu.vector_store %arg7[%swap3A_1262, %swap3A_1263], %swap3A_1266 {strides = array<i32>} : memref<32x16xf32, #tpu.memory_space<vmem>>, vector<1x16xf32>,
    %and3A_1267 = arith.constant 112 : i32
    %and3A_1268 = arith.andi %squeeze3A_69, %and3A_1267 : i32
    %multiple_of3A_1269 = tpu.assume_multiple %and3A_1268, 16 : i32
    %get3A_1270 = arith.constant 255 : i32
    %get3A_1271 = arith.index_cast %get3A_1270 : i32 to index
    %get3A_1272 = arith.index_cast %multiple_of3A_1269 : i32 to index
    %get3A_1273 = tpu.vector_load %arg6[%get3A_1271, %get3A_1272] {strides = array<i32>} : memref<256x128xf32, #tpu.memory_space<vmem>>, vector<1x16xf32>,
    %get3A_1274 = vector.shape_cast %get3A_1273 : vector<1x16xf32> to vector<16xf32>
    %swap3A_1275 = arith.constant 31 : i32
    %swap3A_1276 = arith.index_cast %swap3A_1275 : i32 to index
    %swap3A_1277 = arith.constant 0 : index
    %swap3A_1278 = tpu.vector_load %arg7[%swap3A_1276, %swap3A_1277] {strides = array<i32>} : memref<32x16xf32, #tpu.memory_space<vmem>>, vector<1x16xf32>,
    %swap3A_1279 = vector.shape_cast %swap3A_1278 : vector<1x16xf32> to vector<16xf32>
    %swap3A_1280 = vector.shape_cast %get3A_1274 : vector<16xf32> to vector<1x16xf32>
    tpu.vector_store %arg7[%swap3A_1276, %swap3A_1277], %swap3A_1280 {strides = array<i32>} : memref<32x16xf32, #tpu.memory_space<vmem>>, vector<1x16xf32>,
    "tpu.region"() ({
      %run_scoped3A = tpu.sem_alloc : memref<!tpu.dma_semaphore, #tpu.memory_space<semaphore_mem>>
      %dma_start3A_1281 = arith.constant 0 : i32
      %dma_start3A_1282 = tpu.memref_slice %arg4[%mul3A_2, %dma_start3A_1281] : memref<1024x16xf32, #tpu.memory_space<hbm>> -> memref<32x16xf32, #tpu.memory_space<hbm>>
      %dma_start3A_1283 = arith.constant 0 : i32
      %dma_start3A_1284 = tpu.memref_slice %arg4[%mul3A_2, %dma_start3A_1283] : memref<1024x16xf32, #tpu.memory_space<hbm>> -> memref<32x16xf32, #tpu.memory_space<hbm>>
      tpu.enqueue_dma source(%arg7 : memref<32x16xf32, #tpu.memory_space<vmem>>) target(%dma_start3A_1284 : memref<32x16xf32, #tpu.memory_space<hbm>>) target_semaphore(%run_scoped3A : memref<!tpu.dma_semaphore, #tpu.memory_space<semaphore_mem>>)
      %dma_wait3A_1285 = arith.constant 0 : i32
      %dma_wait3A_1286 = tpu.memref_slice %arg4[%mul3A_2, %dma_wait3A_1285] : memref<1024x16xf32, #tpu.memory_space<hbm>> -> memref<32x16xf32, #tpu.memory_space<hbm>>
      %dma_wait3A_1287 = arith.constant 0 : i32
      %dma_wait3A_1288 = tpu.memref_slice %arg4[%mul3A_2, %dma_wait3A_1287] : memref<1024x16xf32, #tpu.memory_space<hbm>> -> memref<32x16xf32, #tpu.memory_space<hbm>>
      tpu.wait_dma2 semaphore(%run_scoped3A : memref<!tpu.dma_semaphore, #tpu.memory_space<semaphore_mem>>) src(%arg7 : memref<32x16xf32, #tpu.memory_space<vmem>>) dst(%dma_wait3A_1288 : memref<32x16xf32, #tpu.memory_space<hbm>>)
      tpu.yield
    }) : () -> ()
    return
  }
}

module attributes {stable_mosaic.version = 14 : i64} {
  func.func @_lse_body(%arg0: i32, %arg1: memref<32x100096xf32, #tpu.memory_space<vmem>>, %arg2: memref<32x1xf32, #tpu.memory_space<vmem>>) attributes {dimension_semantics = [#tpu.dimension_semantics<arbitrary>], iteration_bounds = array<i64: 32>, scalar_prefetch = 0 : i64, scratch_operands = 0 : i64, tpu.core_type = #tpu.core_type<tc>, window_params = [{transform_indices = @transform_0, window_bounds = array<i64: 32, 100096>}, {transform_indices = @transform_1, window_bounds = array<i64: 32, 1>}]} {
    %broadcast_in_dim3A = arith.constant 0xFF800000 : f32
    %broadcast_in_dim3A_0 = vector.broadcast %broadcast_in_dim3A : f32 to vector<32x128xf32>
    %scan3A = arith.constant 0 : i32
    %scan3A_1 = arith.constant 24 : i32
    %scan3A_2 = arith.addi %scan3A, %scan3A_1 : i32
    %scan3A_3 = arith.constant 1 : i32
    %scan3A_4:8 = scf.for %scan3A_283 = %scan3A to %scan3A_2 step %scan3A_3 iter_args(%scan3A_284 = %broadcast_in_dim3A_0, %scan3A_285 = %broadcast_in_dim3A_0, %scan3A_286 = %broadcast_in_dim3A_0, %scan3A_287 = %broadcast_in_dim3A_0, %scan3A_288 = %broadcast_in_dim3A_0, %scan3A_289 = %broadcast_in_dim3A_0, %scan3A_290 = %broadcast_in_dim3A_0, %scan3A_291 = %broadcast_in_dim3A_0) -> (vector<32x128xf32>, vector<32x128xf32>, vector<32x128xf32>, vector<32x128xf32>, vector<32x128xf32>, vector<32x128xf32>, vector<32x128xf32>, vector<32x128xf32>)  : i32 {
      %mul3A_292 = arith.constant 4096 : i32
      %mul3A_293 = arith.muli %scan3A_283, %mul3A_292 : i32
      %multiple_of3A_294 = tpu.assume_multiple %mul3A_293, 4096 : i32
      %add3A_295 = arith.constant 0 : i32
      %add3A_296 = arith.addi %multiple_of3A_294, %add3A_295 : i32
      %get3A_297 = arith.constant 0 : index
      %get3A_298 = arith.index_cast %add3A_296 : i32 to index
      %get3A_299 = vector.load %arg1[%get3A_297, %get3A_298] : memref<32x100096xf32, #tpu.memory_space<vmem>>, vector<32x128xf32>
      %add3A_300 = arith.constant 128 : i32
      %add3A_301 = arith.addi %multiple_of3A_294, %add3A_300 : i32
      %get3A_302 = arith.constant 0 : index
      %get3A_303 = arith.index_cast %add3A_301 : i32 to index
      %get3A_304 = vector.load %arg1[%get3A_302, %get3A_303] : memref<32x100096xf32, #tpu.memory_space<vmem>>, vector<32x128xf32>
      %add3A_305 = arith.constant 256 : i32
      %add3A_306 = arith.addi %multiple_of3A_294, %add3A_305 : i32
      %get3A_307 = arith.constant 0 : index
      %get3A_308 = arith.index_cast %add3A_306 : i32 to index
      %get3A_309 = vector.load %arg1[%get3A_307, %get3A_308] : memref<32x100096xf32, #tpu.memory_space<vmem>>, vector<32x128xf32>
      %add3A_310 = arith.constant 384 : i32
      %add3A_311 = arith.addi %multiple_of3A_294, %add3A_310 : i32
      %get3A_312 = arith.constant 0 : index
      %get3A_313 = arith.index_cast %add3A_311 : i32 to index
      %get3A_314 = vector.load %arg1[%get3A_312, %get3A_313] : memref<32x100096xf32, #tpu.memory_space<vmem>>, vector<32x128xf32>
      %add3A_315 = arith.constant 512 : i32
      %add3A_316 = arith.addi %multiple_of3A_294, %add3A_315 : i32
      %get3A_317 = arith.constant 0 : index
      %get3A_318 = arith.index_cast %add3A_316 : i32 to index
      %get3A_319 = vector.load %arg1[%get3A_317, %get3A_318] : memref<32x100096xf32, #tpu.memory_space<vmem>>, vector<32x128xf32>
      %add3A_320 = arith.constant 640 : i32
      %add3A_321 = arith.addi %multiple_of3A_294, %add3A_320 : i32
      %get3A_322 = arith.constant 0 : index
      %get3A_323 = arith.index_cast %add3A_321 : i32 to index
      %get3A_324 = vector.load %arg1[%get3A_322, %get3A_323] : memref<32x100096xf32, #tpu.memory_space<vmem>>, vector<32x128xf32>
      %add3A_325 = arith.constant 768 : i32
      %add3A_326 = arith.addi %multiple_of3A_294, %add3A_325 : i32
      %get3A_327 = arith.constant 0 : index
      %get3A_328 = arith.index_cast %add3A_326 : i32 to index
      %get3A_329 = vector.load %arg1[%get3A_327, %get3A_328] : memref<32x100096xf32, #tpu.memory_space<vmem>>, vector<32x128xf32>
      %add3A_330 = arith.constant 896 : i32
      %add3A_331 = arith.addi %multiple_of3A_294, %add3A_330 : i32
      %get3A_332 = arith.constant 0 : index
      %get3A_333 = arith.index_cast %add3A_331 : i32 to index
      %get3A_334 = vector.load %arg1[%get3A_332, %get3A_333] : memref<32x100096xf32, #tpu.memory_space<vmem>>, vector<32x128xf32>
      %add3A_335 = arith.constant 1024 : i32
      %add3A_336 = arith.addi %multiple_of3A_294, %add3A_335 : i32
      %get3A_337 = arith.constant 0 : index
      %get3A_338 = arith.index_cast %add3A_336 : i32 to index
      %get3A_339 = vector.load %arg1[%get3A_337, %get3A_338] : memref<32x100096xf32, #tpu.memory_space<vmem>>, vector<32x128xf32>
      %add3A_340 = arith.constant 1152 : i32
      %add3A_341 = arith.addi %multiple_of3A_294, %add3A_340 : i32
      %get3A_342 = arith.constant 0 : index
      %get3A_343 = arith.index_cast %add3A_341 : i32 to index
      %get3A_344 = vector.load %arg1[%get3A_342, %get3A_343] : memref<32x100096xf32, #tpu.memory_space<vmem>>, vector<32x128xf32>
      %add3A_345 = arith.constant 1280 : i32
      %add3A_346 = arith.addi %multiple_of3A_294, %add3A_345 : i32
      %get3A_347 = arith.constant 0 : index
      %get3A_348 = arith.index_cast %add3A_346 : i32 to index
      %get3A_349 = vector.load %arg1[%get3A_347, %get3A_348] : memref<32x100096xf32, #tpu.memory_space<vmem>>, vector<32x128xf32>
      %add3A_350 = arith.constant 1408 : i32
      %add3A_351 = arith.addi %multiple_of3A_294, %add3A_350 : i32
      %get3A_352 = arith.constant 0 : index
      %get3A_353 = arith.index_cast %add3A_351 : i32 to index
      %get3A_354 = vector.load %arg1[%get3A_352, %get3A_353] : memref<32x100096xf32, #tpu.memory_space<vmem>>, vector<32x128xf32>
      %add3A_355 = arith.constant 1536 : i32
      %add3A_356 = arith.addi %multiple_of3A_294, %add3A_355 : i32
      %get3A_357 = arith.constant 0 : index
      %get3A_358 = arith.index_cast %add3A_356 : i32 to index
      %get3A_359 = vector.load %arg1[%get3A_357, %get3A_358] : memref<32x100096xf32, #tpu.memory_space<vmem>>, vector<32x128xf32>
      %add3A_360 = arith.constant 1664 : i32
      %add3A_361 = arith.addi %multiple_of3A_294, %add3A_360 : i32
      %get3A_362 = arith.constant 0 : index
      %get3A_363 = arith.index_cast %add3A_361 : i32 to index
      %get3A_364 = vector.load %arg1[%get3A_362, %get3A_363] : memref<32x100096xf32, #tpu.memory_space<vmem>>, vector<32x128xf32>
      %add3A_365 = arith.constant 1792 : i32
      %add3A_366 = arith.addi %multiple_of3A_294, %add3A_365 : i32
      %get3A_367 = arith.constant 0 : index
      %get3A_368 = arith.index_cast %add3A_366 : i32 to index
      %get3A_369 = vector.load %arg1[%get3A_367, %get3A_368] : memref<32x100096xf32, #tpu.memory_space<vmem>>, vector<32x128xf32>
      %add3A_370 = arith.constant 1920 : i32
      %add3A_371 = arith.addi %multiple_of3A_294, %add3A_370 : i32
      %get3A_372 = arith.constant 0 : index
      %get3A_373 = arith.index_cast %add3A_371 : i32 to index
      %get3A_374 = vector.load %arg1[%get3A_372, %get3A_373] : memref<32x100096xf32, #tpu.memory_space<vmem>>, vector<32x128xf32>
      %add3A_375 = arith.constant 2048 : i32
      %add3A_376 = arith.addi %multiple_of3A_294, %add3A_375 : i32
      %get3A_377 = arith.constant 0 : index
      %get3A_378 = arith.index_cast %add3A_376 : i32 to index
      %get3A_379 = vector.load %arg1[%get3A_377, %get3A_378] : memref<32x100096xf32, #tpu.memory_space<vmem>>, vector<32x128xf32>
      %add3A_380 = arith.constant 2176 : i32
      %add3A_381 = arith.addi %multiple_of3A_294, %add3A_380 : i32
      %get3A_382 = arith.constant 0 : index
      %get3A_383 = arith.index_cast %add3A_381 : i32 to index
      %get3A_384 = vector.load %arg1[%get3A_382, %get3A_383] : memref<32x100096xf32, #tpu.memory_space<vmem>>, vector<32x128xf32>
      %add3A_385 = arith.constant 2304 : i32
      %add3A_386 = arith.addi %multiple_of3A_294, %add3A_385 : i32
      %get3A_387 = arith.constant 0 : index
      %get3A_388 = arith.index_cast %add3A_386 : i32 to index
      %get3A_389 = vector.load %arg1[%get3A_387, %get3A_388] : memref<32x100096xf32, #tpu.memory_space<vmem>>, vector<32x128xf32>
      %add3A_390 = arith.constant 2432 : i32
      %add3A_391 = arith.addi %multiple_of3A_294, %add3A_390 : i32
      %get3A_392 = arith.constant 0 : index
      %get3A_393 = arith.index_cast %add3A_391 : i32 to index
      %get3A_394 = vector.load %arg1[%get3A_392, %get3A_393] : memref<32x100096xf32, #tpu.memory_space<vmem>>, vector<32x128xf32>
      %add3A_395 = arith.constant 2560 : i32
      %add3A_396 = arith.addi %multiple_of3A_294, %add3A_395 : i32
      %get3A_397 = arith.constant 0 : index
      %get3A_398 = arith.index_cast %add3A_396 : i32 to index
      %get3A_399 = vector.load %arg1[%get3A_397, %get3A_398] : memref<32x100096xf32, #tpu.memory_space<vmem>>, vector<32x128xf32>
      %add3A_400 = arith.constant 2688 : i32
      %add3A_401 = arith.addi %multiple_of3A_294, %add3A_400 : i32
      %get3A_402 = arith.constant 0 : index
      %get3A_403 = arith.index_cast %add3A_401 : i32 to index
      %get3A_404 = vector.load %arg1[%get3A_402, %get3A_403] : memref<32x100096xf32, #tpu.memory_space<vmem>>, vector<32x128xf32>
      %add3A_405 = arith.constant 2816 : i32
      %add3A_406 = arith.addi %multiple_of3A_294, %add3A_405 : i32
      %get3A_407 = arith.constant 0 : index
      %get3A_408 = arith.index_cast %add3A_406 : i32 to index
      %get3A_409 = vector.load %arg1[%get3A_407, %get3A_408] : memref<32x100096xf32, #tpu.memory_space<vmem>>, vector<32x128xf32>
      %add3A_410 = arith.constant 2944 : i32
      %add3A_411 = arith.addi %multiple_of3A_294, %add3A_410 : i32
      %get3A_412 = arith.constant 0 : index
      %get3A_413 = arith.index_cast %add3A_411 : i32 to index
      %get3A_414 = vector.load %arg1[%get3A_412, %get3A_413] : memref<32x100096xf32, #tpu.memory_space<vmem>>, vector<32x128xf32>
      %add3A_415 = arith.constant 3072 : i32
      %add3A_416 = arith.addi %multiple_of3A_294, %add3A_415 : i32
      %get3A_417 = arith.constant 0 : index
      %get3A_418 = arith.index_cast %add3A_416 : i32 to index
      %get3A_419 = vector.load %arg1[%get3A_417, %get3A_418] : memref<32x100096xf32, #tpu.memory_space<vmem>>, vector<32x128xf32>
      %add3A_420 = arith.constant 3200 : i32
      %add3A_421 = arith.addi %multiple_of3A_294, %add3A_420 : i32
      %get3A_422 = arith.constant 0 : index
      %get3A_423 = arith.index_cast %add3A_421 : i32 to index
      %get3A_424 = vector.load %arg1[%get3A_422, %get3A_423] : memref<32x100096xf32, #tpu.memory_space<vmem>>, vector<32x128xf32>
      %add3A_425 = arith.constant 3328 : i32
      %add3A_426 = arith.addi %multiple_of3A_294, %add3A_425 : i32
      %get3A_427 = arith.constant 0 : index
      %get3A_428 = arith.index_cast %add3A_426 : i32 to index
      %get3A_429 = vector.load %arg1[%get3A_427, %get3A_428] : memref<32x100096xf32, #tpu.memory_space<vmem>>, vector<32x128xf32>
      %add3A_430 = arith.constant 3456 : i32
      %add3A_431 = arith.addi %multiple_of3A_294, %add3A_430 : i32
      %get3A_432 = arith.constant 0 : index
      %get3A_433 = arith.index_cast %add3A_431 : i32 to index
      %get3A_434 = vector.load %arg1[%get3A_432, %get3A_433] : memref<32x100096xf32, #tpu.memory_space<vmem>>, vector<32x128xf32>
      %add3A_435 = arith.constant 3584 : i32
      %add3A_436 = arith.addi %multiple_of3A_294, %add3A_435 : i32
      %get3A_437 = arith.constant 0 : index
      %get3A_438 = arith.index_cast %add3A_436 : i32 to index
      %get3A_439 = vector.load %arg1[%get3A_437, %get3A_438] : memref<32x100096xf32, #tpu.memory_space<vmem>>, vector<32x128xf32>
      %add3A_440 = arith.constant 3712 : i32
      %add3A_441 = arith.addi %multiple_of3A_294, %add3A_440 : i32
      %get3A_442 = arith.constant 0 : index
      %get3A_443 = arith.index_cast %add3A_441 : i32 to index
      %get3A_444 = vector.load %arg1[%get3A_442, %get3A_443] : memref<32x100096xf32, #tpu.memory_space<vmem>>, vector<32x128xf32>
      %add3A_445 = arith.constant 3840 : i32
      %add3A_446 = arith.addi %multiple_of3A_294, %add3A_445 : i32
      %get3A_447 = arith.constant 0 : index
      %get3A_448 = arith.index_cast %add3A_446 : i32 to index
      %get3A_449 = vector.load %arg1[%get3A_447, %get3A_448] : memref<32x100096xf32, #tpu.memory_space<vmem>>, vector<32x128xf32>
      %add3A_450 = arith.constant 3968 : i32
      %add3A_451 = arith.addi %multiple_of3A_294, %add3A_450 : i32
      %get3A_452 = arith.constant 0 : index
      %get3A_453 = arith.index_cast %add3A_451 : i32 to index
      %get3A_454 = vector.load %arg1[%get3A_452, %get3A_453] : memref<32x100096xf32, #tpu.memory_space<vmem>>, vector<32x128xf32>
      %max3A_455 = arith.maximumf %scan3A_284, %get3A_299 : vector<32x128xf32>
      %max3A_456 = arith.maximumf %scan3A_285, %get3A_304 : vector<32x128xf32>
      %max3A_457 = arith.maximumf %scan3A_286, %get3A_309 : vector<32x128xf32>
      %max3A_458 = arith.maximumf %scan3A_287, %get3A_314 : vector<32x128xf32>
      %max3A_459 = arith.maximumf %scan3A_288, %get3A_319 : vector<32x128xf32>
      %max3A_460 = arith.maximumf %scan3A_289, %get3A_324 : vector<32x128xf32>
      %max3A_461 = arith.maximumf %scan3A_290, %get3A_329 : vector<32x128xf32>
      %max3A_462 = arith.maximumf %scan3A_291, %get3A_334 : vector<32x128xf32>
      %max3A_463 = arith.maximumf %max3A_455, %get3A_339 : vector<32x128xf32>
      %max3A_464 = arith.maximumf %max3A_456, %get3A_344 : vector<32x128xf32>
      %max3A_465 = arith.maximumf %max3A_457, %get3A_349 : vector<32x128xf32>
      %max3A_466 = arith.maximumf %max3A_458, %get3A_354 : vector<32x128xf32>
      %max3A_467 = arith.maximumf %max3A_459, %get3A_359 : vector<32x128xf32>
      %max3A_468 = arith.maximumf %max3A_460, %get3A_364 : vector<32x128xf32>
      %max3A_469 = arith.maximumf %max3A_461, %get3A_369 : vector<32x128xf32>
      %max3A_470 = arith.maximumf %max3A_462, %get3A_374 : vector<32x128xf32>
      %max3A_471 = arith.maximumf %max3A_463, %get3A_379 : vector<32x128xf32>
      %max3A_472 = arith.maximumf %max3A_464, %get3A_384 : vector<32x128xf32>
      %max3A_473 = arith.maximumf %max3A_465, %get3A_389 : vector<32x128xf32>
      %max3A_474 = arith.maximumf %max3A_466, %get3A_394 : vector<32x128xf32>
      %max3A_475 = arith.maximumf %max3A_467, %get3A_399 : vector<32x128xf32>
      %max3A_476 = arith.maximumf %max3A_468, %get3A_404 : vector<32x128xf32>
      %max3A_477 = arith.maximumf %max3A_469, %get3A_409 : vector<32x128xf32>
      %max3A_478 = arith.maximumf %max3A_470, %get3A_414 : vector<32x128xf32>
      %max3A_479 = arith.maximumf %max3A_471, %get3A_419 : vector<32x128xf32>
      %max3A_480 = arith.maximumf %max3A_472, %get3A_424 : vector<32x128xf32>
      %max3A_481 = arith.maximumf %max3A_473, %get3A_429 : vector<32x128xf32>
      %max3A_482 = arith.maximumf %max3A_474, %get3A_434 : vector<32x128xf32>
      %max3A_483 = arith.maximumf %max3A_475, %get3A_439 : vector<32x128xf32>
      %max3A_484 = arith.maximumf %max3A_476, %get3A_444 : vector<32x128xf32>
      %max3A_485 = arith.maximumf %max3A_477, %get3A_449 : vector<32x128xf32>
      %max3A_486 = arith.maximumf %max3A_478, %get3A_454 : vector<32x128xf32>
      scf.yield %max3A_479, %max3A_480, %max3A_481, %max3A_482, %max3A_483, %max3A_484, %max3A_485, %max3A_486 : vector<32x128xf32>, vector<32x128xf32>, vector<32x128xf32>, vector<32x128xf32>, vector<32x128xf32>, vector<32x128xf32>, vector<32x128xf32>, vector<32x128xf32>
    }
    %scan3A_5 = arith.constant 24 : i32
    %multiple_of3A = arith.constant 98304 : i32
    %multiple_of3A_6 = tpu.assume_multiple %multiple_of3A, 128 : i32
    %get3A = arith.constant 0 : index
    %get3A_7 = arith.index_cast %multiple_of3A_6 : i32 to index
    %get3A_8 = vector.load %arg1[%get3A, %get3A_7] : memref<32x100096xf32, #tpu.memory_space<vmem>>, vector<32x128xf32>
    %multiple_of3A_9 = arith.constant 98432 : i32
    %multiple_of3A_10 = tpu.assume_multiple %multiple_of3A_9, 128 : i32
    %get3A_11 = arith.constant 0 : index
    %get3A_12 = arith.index_cast %multiple_of3A_10 : i32 to index
    %get3A_13 = vector.load %arg1[%get3A_11, %get3A_12] : memref<32x100096xf32, #tpu.memory_space<vmem>>, vector<32x128xf32>
    %multiple_of3A_14 = arith.constant 98560 : i32
    %multiple_of3A_15 = tpu.assume_multiple %multiple_of3A_14, 128 : i32
    %get3A_16 = arith.constant 0 : index
    %get3A_17 = arith.index_cast %multiple_of3A_15 : i32 to index
    %get3A_18 = vector.load %arg1[%get3A_16, %get3A_17] : memref<32x100096xf32, #tpu.memory_space<vmem>>, vector<32x128xf32>
    %multiple_of3A_19 = arith.constant 98688 : i32
    %multiple_of3A_20 = tpu.assume_multiple %multiple_of3A_19, 128 : i32
    %get3A_21 = arith.constant 0 : index
    %get3A_22 = arith.index_cast %multiple_of3A_20 : i32 to index
    %get3A_23 = vector.load %arg1[%get3A_21, %get3A_22] : memref<32x100096xf32, #tpu.memory_space<vmem>>, vector<32x128xf32>
    %multiple_of3A_24 = arith.constant 98816 : i32
    %multiple_of3A_25 = tpu.assume_multiple %multiple_of3A_24, 128 : i32
    %get3A_26 = arith.constant 0 : index
    %get3A_27 = arith.index_cast %multiple_of3A_25 : i32 to index
    %get3A_28 = vector.load %arg1[%get3A_26, %get3A_27] : memref<32x100096xf32, #tpu.memory_space<vmem>>, vector<32x128xf32>
    %multiple_of3A_29 = arith.constant 98944 : i32
    %multiple_of3A_30 = tpu.assume_multiple %multiple_of3A_29, 128 : i32
    %get3A_31 = arith.constant 0 : index
    %get3A_32 = arith.index_cast %multiple_of3A_30 : i32 to index
    %get3A_33 = vector.load %arg1[%get3A_31, %get3A_32] : memref<32x100096xf32, #tpu.memory_space<vmem>>, vector<32x128xf32>
    %multiple_of3A_34 = arith.constant 99072 : i32
    %multiple_of3A_35 = tpu.assume_multiple %multiple_of3A_34, 128 : i32
    %get3A_36 = arith.constant 0 : index
    %get3A_37 = arith.index_cast %multiple_of3A_35 : i32 to index
    %get3A_38 = vector.load %arg1[%get3A_36, %get3A_37] : memref<32x100096xf32, #tpu.memory_space<vmem>>, vector<32x128xf32>
    %multiple_of3A_39 = arith.constant 99200 : i32
    %multiple_of3A_40 = tpu.assume_multiple %multiple_of3A_39, 128 : i32
    %get3A_41 = arith.constant 0 : index
    %get3A_42 = arith.index_cast %multiple_of3A_40 : i32 to index
    %get3A_43 = vector.load %arg1[%get3A_41, %get3A_42] : memref<32x100096xf32, #tpu.memory_space<vmem>>, vector<32x128xf32>
    %multiple_of3A_44 = arith.constant 99328 : i32
    %multiple_of3A_45 = tpu.assume_multiple %multiple_of3A_44, 128 : i32
    %get3A_46 = arith.constant 0 : index
    %get3A_47 = arith.index_cast %multiple_of3A_45 : i32 to index
    %get3A_48 = vector.load %arg1[%get3A_46, %get3A_47] : memref<32x100096xf32, #tpu.memory_space<vmem>>, vector<32x128xf32>
    %multiple_of3A_49 = arith.constant 99456 : i32
    %multiple_of3A_50 = tpu.assume_multiple %multiple_of3A_49, 128 : i32
    %get3A_51 = arith.constant 0 : index
    %get3A_52 = arith.index_cast %multiple_of3A_50 : i32 to index
    %get3A_53 = vector.load %arg1[%get3A_51, %get3A_52] : memref<32x100096xf32, #tpu.memory_space<vmem>>, vector<32x128xf32>
    %multiple_of3A_54 = arith.constant 99584 : i32
    %multiple_of3A_55 = tpu.assume_multiple %multiple_of3A_54, 128 : i32
    %get3A_56 = arith.constant 0 : index
    %get3A_57 = arith.index_cast %multiple_of3A_55 : i32 to index
    %get3A_58 = vector.load %arg1[%get3A_56, %get3A_57] : memref<32x100096xf32, #tpu.memory_space<vmem>>, vector<32x128xf32>
    %multiple_of3A_59 = arith.constant 99712 : i32
    %multiple_of3A_60 = tpu.assume_multiple %multiple_of3A_59, 128 : i32
    %get3A_61 = arith.constant 0 : index
    %get3A_62 = arith.index_cast %multiple_of3A_60 : i32 to index
    %get3A_63 = vector.load %arg1[%get3A_61, %get3A_62] : memref<32x100096xf32, #tpu.memory_space<vmem>>, vector<32x128xf32>
    %multiple_of3A_64 = arith.constant 99840 : i32
    %multiple_of3A_65 = tpu.assume_multiple %multiple_of3A_64, 128 : i32
    %get3A_66 = arith.constant 0 : index
    %get3A_67 = arith.index_cast %multiple_of3A_65 : i32 to index
    %get3A_68 = vector.load %arg1[%get3A_66, %get3A_67] : memref<32x100096xf32, #tpu.memory_space<vmem>>, vector<32x128xf32>
    %iota3A = tpu.iota {dimensions = array<i32: 1>} : vector<32x128xi32>
    %lt3A = arith.constant 32 : i32
    %lt3A_69 = vector.broadcast %lt3A : i32 to vector<32x128xi32>
    %lt3A_70 = arith.cmpi slt, %iota3A, %lt3A_69 : vector<32x128xi32>
    %multiple_of3A_71 = arith.constant 99968 : i32
    %multiple_of3A_72 = tpu.assume_multiple %multiple_of3A_71, 128 : i32
    %get3A_73 = arith.constant 0 : index
    %get3A_74 = arith.index_cast %multiple_of3A_72 : i32 to index
    %get3A_75 = vector.load %arg1[%get3A_73, %get3A_74] : memref<32x100096xf32, #tpu.memory_space<vmem>>, vector<32x128xf32>
    %jit3A = arith.constant 0xFF800000 : f32
    %broadcast_in_dim3A_76 = vector.broadcast %jit3A : f32 to vector<32x128xf32>
    %select_n3A = arith.select %lt3A_70, %get3A_75, %broadcast_in_dim3A_76 : vector<32x128xi1>, vector<32x128xf32>
    %max3A = arith.maximumf %scan3A_4#0, %scan3A_4#1 : vector<32x128xf32>
    %max3A_77 = arith.maximumf %scan3A_4#2, %scan3A_4#3 : vector<32x128xf32>
    %max3A_78 = arith.maximumf %scan3A_4#4, %scan3A_4#5 : vector<32x128xf32>
    %max3A_79 = arith.maximumf %scan3A_4#6, %scan3A_4#7 : vector<32x128xf32>
    %max3A_80 = arith.maximumf %get3A_8, %get3A_13 : vector<32x128xf32>
    %max3A_81 = arith.maximumf %get3A_18, %get3A_23 : vector<32x128xf32>
    %max3A_82 = arith.maximumf %get3A_28, %get3A_33 : vector<32x128xf32>
    %max3A_83 = arith.maximumf %get3A_38, %get3A_43 : vector<32x128xf32>
    %max3A_84 = arith.maximumf %get3A_48, %get3A_53 : vector<32x128xf32>
    %max3A_85 = arith.maximumf %get3A_58, %get3A_63 : vector<32x128xf32>
    %max3A_86 = arith.maximumf %get3A_68, %select_n3A : vector<32x128xf32>
    %max3A_87 = arith.maximumf %max3A, %max3A_77 : vector<32x128xf32>
    %max3A_88 = arith.maximumf %max3A_78, %max3A_79 : vector<32x128xf32>
    %max3A_89 = arith.maximumf %max3A_80, %max3A_81 : vector<32x128xf32>
    %max3A_90 = arith.maximumf %max3A_82, %max3A_83 : vector<32x128xf32>
    %max3A_91 = arith.maximumf %max3A_84, %max3A_85 : vector<32x128xf32>
    %max3A_92 = arith.maximumf %max3A_87, %max3A_88 : vector<32x128xf32>
    %max3A_93 = arith.maximumf %max3A_89, %max3A_90 : vector<32x128xf32>
    %max3A_94 = arith.maximumf %max3A_91, %max3A_86 : vector<32x128xf32>
    %max3A_95 = arith.maximumf %max3A_92, %max3A_93 : vector<32x128xf32>
    %max3A_96 = arith.maximumf %max3A_95, %max3A_94 : vector<32x128xf32>
    %mul3A = arith.constant 1.44269502 : f32
    %mul3A_97 = vector.broadcast %mul3A : f32 to vector<32x128xf32>
    %mul3A_98 = arith.mulf %max3A_96, %mul3A_97 : vector<32x128xf32>
    %broadcast_in_dim3A_99 = arith.constant 0.000000e+00 : f32
    %broadcast_in_dim3A_100 = vector.broadcast %broadcast_in_dim3A_99 : f32 to vector<32x128xf32>
    %scan3A_101 = arith.constant 1.44269502 : f32
    %scan3A_102 = arith.constant 0 : i32
    %scan3A_103 = arith.constant 24 : i32
    %scan3A_104 = arith.addi %scan3A_102, %scan3A_103 : i32
    %scan3A_105 = arith.constant 1 : i32
    %scan3A_106:8 = scf.for %scan3A_283 = %scan3A_102 to %scan3A_104 step %scan3A_105 iter_args(%scan3A_284 = %broadcast_in_dim3A_100, %scan3A_285 = %broadcast_in_dim3A_100, %scan3A_286 = %broadcast_in_dim3A_100, %scan3A_287 = %broadcast_in_dim3A_100, %scan3A_288 = %broadcast_in_dim3A_100, %scan3A_289 = %broadcast_in_dim3A_100, %scan3A_290 = %broadcast_in_dim3A_100, %scan3A_291 = %broadcast_in_dim3A_100) -> (vector<32x128xf32>, vector<32x128xf32>, vector<32x128xf32>, vector<32x128xf32>, vector<32x128xf32>, vector<32x128xf32>, vector<32x128xf32>, vector<32x128xf32>)  : i32 {
      %mul3A_292 = arith.constant 4096 : i32
      %mul3A_293 = arith.muli %scan3A_283, %mul3A_292 : i32
      %multiple_of3A_294 = tpu.assume_multiple %mul3A_293, 4096 : i32
      %add3A_295 = arith.constant 0 : i32
      %add3A_296 = arith.addi %multiple_of3A_294, %add3A_295 : i32
      %get3A_297 = arith.constant 0 : index
      %get3A_298 = arith.index_cast %add3A_296 : i32 to index
      %get3A_299 = vector.load %arg1[%get3A_297, %get3A_298] : memref<32x100096xf32, #tpu.memory_space<vmem>>, vector<32x128xf32>
      %add3A_300 = arith.constant 128 : i32
      %add3A_301 = arith.addi %multiple_of3A_294, %add3A_300 : i32
      %get3A_302 = arith.constant 0 : index
      %get3A_303 = arith.index_cast %add3A_301 : i32 to index
      %get3A_304 = vector.load %arg1[%get3A_302, %get3A_303] : memref<32x100096xf32, #tpu.memory_space<vmem>>, vector<32x128xf32>
      %add3A_305 = arith.constant 256 : i32
      %add3A_306 = arith.addi %multiple_of3A_294, %add3A_305 : i32
      %get3A_307 = arith.constant 0 : index
      %get3A_308 = arith.index_cast %add3A_306 : i32 to index
      %get3A_309 = vector.load %arg1[%get3A_307, %get3A_308] : memref<32x100096xf32, #tpu.memory_space<vmem>>, vector<32x128xf32>
      %add3A_310 = arith.constant 384 : i32
      %add3A_311 = arith.addi %multiple_of3A_294, %add3A_310 : i32
      %get3A_312 = arith.constant 0 : index
      %get3A_313 = arith.index_cast %add3A_311 : i32 to index
      %get3A_314 = vector.load %arg1[%get3A_312, %get3A_313] : memref<32x100096xf32, #tpu.memory_space<vmem>>, vector<32x128xf32>
      %add3A_315 = arith.constant 512 : i32
      %add3A_316 = arith.addi %multiple_of3A_294, %add3A_315 : i32
      %get3A_317 = arith.constant 0 : index
      %get3A_318 = arith.index_cast %add3A_316 : i32 to index
      %get3A_319 = vector.load %arg1[%get3A_317, %get3A_318] : memref<32x100096xf32, #tpu.memory_space<vmem>>, vector<32x128xf32>
      %add3A_320 = arith.constant 640 : i32
      %add3A_321 = arith.addi %multiple_of3A_294, %add3A_320 : i32
      %get3A_322 = arith.constant 0 : index
      %get3A_323 = arith.index_cast %add3A_321 : i32 to index
      %get3A_324 = vector.load %arg1[%get3A_322, %get3A_323] : memref<32x100096xf32, #tpu.memory_space<vmem>>, vector<32x128xf32>
      %add3A_325 = arith.constant 768 : i32
      %add3A_326 = arith.addi %multiple_of3A_294, %add3A_325 : i32
      %get3A_327 = arith.constant 0 : index
      %get3A_328 = arith.index_cast %add3A_326 : i32 to index
      %get3A_329 = vector.load %arg1[%get3A_327, %get3A_328] : memref<32x100096xf32, #tpu.memory_space<vmem>>, vector<32x128xf32>
      %add3A_330 = arith.constant 896 : i32
      %add3A_331 = arith.addi %multiple_of3A_294, %add3A_330 : i32
      %get3A_332 = arith.constant 0 : index
      %get3A_333 = arith.index_cast %add3A_331 : i32 to index
      %get3A_334 = vector.load %arg1[%get3A_332, %get3A_333] : memref<32x100096xf32, #tpu.memory_space<vmem>>, vector<32x128xf32>
      %add3A_335 = arith.constant 1024 : i32
      %add3A_336 = arith.addi %multiple_of3A_294, %add3A_335 : i32
      %get3A_337 = arith.constant 0 : index
      %get3A_338 = arith.index_cast %add3A_336 : i32 to index
      %get3A_339 = vector.load %arg1[%get3A_337, %get3A_338] : memref<32x100096xf32, #tpu.memory_space<vmem>>, vector<32x128xf32>
      %add3A_340 = arith.constant 1152 : i32
      %add3A_341 = arith.addi %multiple_of3A_294, %add3A_340 : i32
      %get3A_342 = arith.constant 0 : index
      %get3A_343 = arith.index_cast %add3A_341 : i32 to index
      %get3A_344 = vector.load %arg1[%get3A_342, %get3A_343] : memref<32x100096xf32, #tpu.memory_space<vmem>>, vector<32x128xf32>
      %add3A_345 = arith.constant 1280 : i32
      %add3A_346 = arith.addi %multiple_of3A_294, %add3A_345 : i32
      %get3A_347 = arith.constant 0 : index
      %get3A_348 = arith.index_cast %add3A_346 : i32 to index
      %get3A_349 = vector.load %arg1[%get3A_347, %get3A_348] : memref<32x100096xf32, #tpu.memory_space<vmem>>, vector<32x128xf32>
      %add3A_350 = arith.constant 1408 : i32
      %add3A_351 = arith.addi %multiple_of3A_294, %add3A_350 : i32
      %get3A_352 = arith.constant 0 : index
      %get3A_353 = arith.index_cast %add3A_351 : i32 to index
      %get3A_354 = vector.load %arg1[%get3A_352, %get3A_353] : memref<32x100096xf32, #tpu.memory_space<vmem>>, vector<32x128xf32>
      %add3A_355 = arith.constant 1536 : i32
      %add3A_356 = arith.addi %multiple_of3A_294, %add3A_355 : i32
      %get3A_357 = arith.constant 0 : index
      %get3A_358 = arith.index_cast %add3A_356 : i32 to index
      %get3A_359 = vector.load %arg1[%get3A_357, %get3A_358] : memref<32x100096xf32, #tpu.memory_space<vmem>>, vector<32x128xf32>
      %add3A_360 = arith.constant 1664 : i32
      %add3A_361 = arith.addi %multiple_of3A_294, %add3A_360 : i32
      %get3A_362 = arith.constant 0 : index
      %get3A_363 = arith.index_cast %add3A_361 : i32 to index
      %get3A_364 = vector.load %arg1[%get3A_362, %get3A_363] : memref<32x100096xf32, #tpu.memory_space<vmem>>, vector<32x128xf32>
      %add3A_365 = arith.constant 1792 : i32
      %add3A_366 = arith.addi %multiple_of3A_294, %add3A_365 : i32
      %get3A_367 = arith.constant 0 : index
      %get3A_368 = arith.index_cast %add3A_366 : i32 to index
      %get3A_369 = vector.load %arg1[%get3A_367, %get3A_368] : memref<32x100096xf32, #tpu.memory_space<vmem>>, vector<32x128xf32>
      %add3A_370 = arith.constant 1920 : i32
      %add3A_371 = arith.addi %multiple_of3A_294, %add3A_370 : i32
      %get3A_372 = arith.constant 0 : index
      %get3A_373 = arith.index_cast %add3A_371 : i32 to index
      %get3A_374 = vector.load %arg1[%get3A_372, %get3A_373] : memref<32x100096xf32, #tpu.memory_space<vmem>>, vector<32x128xf32>
      %add3A_375 = arith.constant 2048 : i32
      %add3A_376 = arith.addi %multiple_of3A_294, %add3A_375 : i32
      %get3A_377 = arith.constant 0 : index
      %get3A_378 = arith.index_cast %add3A_376 : i32 to index
      %get3A_379 = vector.load %arg1[%get3A_377, %get3A_378] : memref<32x100096xf32, #tpu.memory_space<vmem>>, vector<32x128xf32>
      %add3A_380 = arith.constant 2176 : i32
      %add3A_381 = arith.addi %multiple_of3A_294, %add3A_380 : i32
      %get3A_382 = arith.constant 0 : index
      %get3A_383 = arith.index_cast %add3A_381 : i32 to index
      %get3A_384 = vector.load %arg1[%get3A_382, %get3A_383] : memref<32x100096xf32, #tpu.memory_space<vmem>>, vector<32x128xf32>
      %add3A_385 = arith.constant 2304 : i32
      %add3A_386 = arith.addi %multiple_of3A_294, %add3A_385 : i32
      %get3A_387 = arith.constant 0 : index
      %get3A_388 = arith.index_cast %add3A_386 : i32 to index
      %get3A_389 = vector.load %arg1[%get3A_387, %get3A_388] : memref<32x100096xf32, #tpu.memory_space<vmem>>, vector<32x128xf32>
      %add3A_390 = arith.constant 2432 : i32
      %add3A_391 = arith.addi %multiple_of3A_294, %add3A_390 : i32
      %get3A_392 = arith.constant 0 : index
      %get3A_393 = arith.index_cast %add3A_391 : i32 to index
      %get3A_394 = vector.load %arg1[%get3A_392, %get3A_393] : memref<32x100096xf32, #tpu.memory_space<vmem>>, vector<32x128xf32>
      %add3A_395 = arith.constant 2560 : i32
      %add3A_396 = arith.addi %multiple_of3A_294, %add3A_395 : i32
      %get3A_397 = arith.constant 0 : index
      %get3A_398 = arith.index_cast %add3A_396 : i32 to index
      %get3A_399 = vector.load %arg1[%get3A_397, %get3A_398] : memref<32x100096xf32, #tpu.memory_space<vmem>>, vector<32x128xf32>
      %add3A_400 = arith.constant 2688 : i32
      %add3A_401 = arith.addi %multiple_of3A_294, %add3A_400 : i32
      %get3A_402 = arith.constant 0 : index
      %get3A_403 = arith.index_cast %add3A_401 : i32 to index
      %get3A_404 = vector.load %arg1[%get3A_402, %get3A_403] : memref<32x100096xf32, #tpu.memory_space<vmem>>, vector<32x128xf32>
      %add3A_405 = arith.constant 2816 : i32
      %add3A_406 = arith.addi %multiple_of3A_294, %add3A_405 : i32
      %get3A_407 = arith.constant 0 : index
      %get3A_408 = arith.index_cast %add3A_406 : i32 to index
      %get3A_409 = vector.load %arg1[%get3A_407, %get3A_408] : memref<32x100096xf32, #tpu.memory_space<vmem>>, vector<32x128xf32>
      %add3A_410 = arith.constant 2944 : i32
      %add3A_411 = arith.addi %multiple_of3A_294, %add3A_410 : i32
      %get3A_412 = arith.constant 0 : index
      %get3A_413 = arith.index_cast %add3A_411 : i32 to index
      %get3A_414 = vector.load %arg1[%get3A_412, %get3A_413] : memref<32x100096xf32, #tpu.memory_space<vmem>>, vector<32x128xf32>
      %add3A_415 = arith.constant 3072 : i32
      %add3A_416 = arith.addi %multiple_of3A_294, %add3A_415 : i32
      %get3A_417 = arith.constant 0 : index
      %get3A_418 = arith.index_cast %add3A_416 : i32 to index
      %get3A_419 = vector.load %arg1[%get3A_417, %get3A_418] : memref<32x100096xf32, #tpu.memory_space<vmem>>, vector<32x128xf32>
      %add3A_420 = arith.constant 3200 : i32
      %add3A_421 = arith.addi %multiple_of3A_294, %add3A_420 : i32
      %get3A_422 = arith.constant 0 : index
      %get3A_423 = arith.index_cast %add3A_421 : i32 to index
      %get3A_424 = vector.load %arg1[%get3A_422, %get3A_423] : memref<32x100096xf32, #tpu.memory_space<vmem>>, vector<32x128xf32>
      %add3A_425 = arith.constant 3328 : i32
      %add3A_426 = arith.addi %multiple_of3A_294, %add3A_425 : i32
      %get3A_427 = arith.constant 0 : index
      %get3A_428 = arith.index_cast %add3A_426 : i32 to index
      %get3A_429 = vector.load %arg1[%get3A_427, %get3A_428] : memref<32x100096xf32, #tpu.memory_space<vmem>>, vector<32x128xf32>
      %add3A_430 = arith.constant 3456 : i32
      %add3A_431 = arith.addi %multiple_of3A_294, %add3A_430 : i32
      %get3A_432 = arith.constant 0 : index
      %get3A_433 = arith.index_cast %add3A_431 : i32 to index
      %get3A_434 = vector.load %arg1[%get3A_432, %get3A_433] : memref<32x100096xf32, #tpu.memory_space<vmem>>, vector<32x128xf32>
      %add3A_435 = arith.constant 3584 : i32
      %add3A_436 = arith.addi %multiple_of3A_294, %add3A_435 : i32
      %get3A_437 = arith.constant 0 : index
      %get3A_438 = arith.index_cast %add3A_436 : i32 to index
      %get3A_439 = vector.load %arg1[%get3A_437, %get3A_438] : memref<32x100096xf32, #tpu.memory_space<vmem>>, vector<32x128xf32>
      %add3A_440 = arith.constant 3712 : i32
      %add3A_441 = arith.addi %multiple_of3A_294, %add3A_440 : i32
      %get3A_442 = arith.constant 0 : index
      %get3A_443 = arith.index_cast %add3A_441 : i32 to index
      %get3A_444 = vector.load %arg1[%get3A_442, %get3A_443] : memref<32x100096xf32, #tpu.memory_space<vmem>>, vector<32x128xf32>
      %add3A_445 = arith.constant 3840 : i32
      %add3A_446 = arith.addi %multiple_of3A_294, %add3A_445 : i32
      %get3A_447 = arith.constant 0 : index
      %get3A_448 = arith.index_cast %add3A_446 : i32 to index
      %get3A_449 = vector.load %arg1[%get3A_447, %get3A_448] : memref<32x100096xf32, #tpu.memory_space<vmem>>, vector<32x128xf32>
      %add3A_450 = arith.constant 3968 : i32
      %add3A_451 = arith.addi %multiple_of3A_294, %add3A_450 : i32
      %get3A_452 = arith.constant 0 : index
      %get3A_453 = arith.index_cast %add3A_451 : i32 to index
      %get3A_454 = vector.load %arg1[%get3A_452, %get3A_453] : memref<32x100096xf32, #tpu.memory_space<vmem>>, vector<32x128xf32>
      %mul3A_455 = vector.broadcast %scan3A_101 : f32 to vector<32x128xf32>
      %mul3A_456 = arith.mulf %get3A_299, %mul3A_455 : vector<32x128xf32>
      %sub3A_457 = arith.subf %mul3A_456, %mul3A_98 : vector<32x128xf32>
      %exp23A_458 = math.exp2 %sub3A_457 : vector<32x128xf32>
      %add3A_459 = arith.addf %scan3A_284, %exp23A_458 : vector<32x128xf32>
      %mul3A_460 = vector.broadcast %scan3A_101 : f32 to vector<32x128xf32>
      %mul3A_461 = arith.mulf %get3A_304, %mul3A_460 : vector<32x128xf32>
      %sub3A_462 = arith.subf %mul3A_461, %mul3A_98 : vector<32x128xf32>
      %exp23A_463 = math.exp2 %sub3A_462 : vector<32x128xf32>
      %add3A_464 = arith.addf %scan3A_285, %exp23A_463 : vector<32x128xf32>
      %mul3A_465 = vector.broadcast %scan3A_101 : f32 to vector<32x128xf32>
      %mul3A_466 = arith.mulf %get3A_309, %mul3A_465 : vector<32x128xf32>
      %sub3A_467 = arith.subf %mul3A_466, %mul3A_98 : vector<32x128xf32>
      %exp23A_468 = math.exp2 %sub3A_467 : vector<32x128xf32>
      %add3A_469 = arith.addf %scan3A_286, %exp23A_468 : vector<32x128xf32>
      %mul3A_470 = vector.broadcast %scan3A_101 : f32 to vector<32x128xf32>
      %mul3A_471 = arith.mulf %get3A_314, %mul3A_470 : vector<32x128xf32>
      %sub3A_472 = arith.subf %mul3A_471, %mul3A_98 : vector<32x128xf32>
      %exp23A_473 = math.exp2 %sub3A_472 : vector<32x128xf32>
      %add3A_474 = arith.addf %scan3A_287, %exp23A_473 : vector<32x128xf32>
      %mul3A_475 = vector.broadcast %scan3A_101 : f32 to vector<32x128xf32>
      %mul3A_476 = arith.mulf %get3A_319, %mul3A_475 : vector<32x128xf32>
      %sub3A_477 = arith.subf %mul3A_476, %mul3A_98 : vector<32x128xf32>
      %exp23A_478 = math.exp2 %sub3A_477 : vector<32x128xf32>
      %add3A_479 = arith.addf %scan3A_288, %exp23A_478 : vector<32x128xf32>
      %mul3A_480 = vector.broadcast %scan3A_101 : f32 to vector<32x128xf32>
      %mul3A_481 = arith.mulf %get3A_324, %mul3A_480 : vector<32x128xf32>
      %sub3A_482 = arith.subf %mul3A_481, %mul3A_98 : vector<32x128xf32>
      %exp23A_483 = math.exp2 %sub3A_482 : vector<32x128xf32>
      %add3A_484 = arith.addf %scan3A_289, %exp23A_483 : vector<32x128xf32>
      %mul3A_485 = vector.broadcast %scan3A_101 : f32 to vector<32x128xf32>
      %mul3A_486 = arith.mulf %get3A_329, %mul3A_485 : vector<32x128xf32>
      %sub3A_487 = arith.subf %mul3A_486, %mul3A_98 : vector<32x128xf32>
      %exp23A_488 = math.exp2 %sub3A_487 : vector<32x128xf32>
      %add3A_489 = arith.addf %scan3A_290, %exp23A_488 : vector<32x128xf32>
      %mul3A_490 = vector.broadcast %scan3A_101 : f32 to vector<32x128xf32>
      %mul3A_491 = arith.mulf %get3A_334, %mul3A_490 : vector<32x128xf32>
      %sub3A_492 = arith.subf %mul3A_491, %mul3A_98 : vector<32x128xf32>
      %exp23A_493 = math.exp2 %sub3A_492 : vector<32x128xf32>
      %add3A_494 = arith.addf %scan3A_291, %exp23A_493 : vector<32x128xf32>
      %mul3A_495 = vector.broadcast %scan3A_101 : f32 to vector<32x128xf32>
      %mul3A_496 = arith.mulf %get3A_339, %mul3A_495 : vector<32x128xf32>
      %sub3A_497 = arith.subf %mul3A_496, %mul3A_98 : vector<32x128xf32>
      %exp23A_498 = math.exp2 %sub3A_497 : vector<32x128xf32>
      %add3A_499 = arith.addf %add3A_459, %exp23A_498 : vector<32x128xf32>
      %mul3A_500 = vector.broadcast %scan3A_101 : f32 to vector<32x128xf32>
      %mul3A_501 = arith.mulf %get3A_344, %mul3A_500 : vector<32x128xf32>
      %sub3A_502 = arith.subf %mul3A_501, %mul3A_98 : vector<32x128xf32>
      %exp23A_503 = math.exp2 %sub3A_502 : vector<32x128xf32>
      %add3A_504 = arith.addf %add3A_464, %exp23A_503 : vector<32x128xf32>
      %mul3A_505 = vector.broadcast %scan3A_101 : f32 to vector<32x128xf32>
      %mul3A_506 = arith.mulf %get3A_349, %mul3A_505 : vector<32x128xf32>
      %sub3A_507 = arith.subf %mul3A_506, %mul3A_98 : vector<32x128xf32>
      %exp23A_508 = math.exp2 %sub3A_507 : vector<32x128xf32>
      %add3A_509 = arith.addf %add3A_469, %exp23A_508 : vector<32x128xf32>
      %mul3A_510 = vector.broadcast %scan3A_101 : f32 to vector<32x128xf32>
      %mul3A_511 = arith.mulf %get3A_354, %mul3A_510 : vector<32x128xf32>
      %sub3A_512 = arith.subf %mul3A_511, %mul3A_98 : vector<32x128xf32>
      %exp23A_513 = math.exp2 %sub3A_512 : vector<32x128xf32>
      %add3A_514 = arith.addf %add3A_474, %exp23A_513 : vector<32x128xf32>
      %mul3A_515 = vector.broadcast %scan3A_101 : f32 to vector<32x128xf32>
      %mul3A_516 = arith.mulf %get3A_359, %mul3A_515 : vector<32x128xf32>
      %sub3A_517 = arith.subf %mul3A_516, %mul3A_98 : vector<32x128xf32>
      %exp23A_518 = math.exp2 %sub3A_517 : vector<32x128xf32>
      %add3A_519 = arith.addf %add3A_479, %exp23A_518 : vector<32x128xf32>
      %mul3A_520 = vector.broadcast %scan3A_101 : f32 to vector<32x128xf32>
      %mul3A_521 = arith.mulf %get3A_364, %mul3A_520 : vector<32x128xf32>
      %sub3A_522 = arith.subf %mul3A_521, %mul3A_98 : vector<32x128xf32>
      %exp23A_523 = math.exp2 %sub3A_522 : vector<32x128xf32>
      %add3A_524 = arith.addf %add3A_484, %exp23A_523 : vector<32x128xf32>
      %mul3A_525 = vector.broadcast %scan3A_101 : f32 to vector<32x128xf32>
      %mul3A_526 = arith.mulf %get3A_369, %mul3A_525 : vector<32x128xf32>
      %sub3A_527 = arith.subf %mul3A_526, %mul3A_98 : vector<32x128xf32>
      %exp23A_528 = math.exp2 %sub3A_527 : vector<32x128xf32>
      %add3A_529 = arith.addf %add3A_489, %exp23A_528 : vector<32x128xf32>
      %mul3A_530 = vector.broadcast %scan3A_101 : f32 to vector<32x128xf32>
      %mul3A_531 = arith.mulf %get3A_374, %mul3A_530 : vector<32x128xf32>
      %sub3A_532 = arith.subf %mul3A_531, %mul3A_98 : vector<32x128xf32>
      %exp23A_533 = math.exp2 %sub3A_532 : vector<32x128xf32>
      %add3A_534 = arith.addf %add3A_494, %exp23A_533 : vector<32x128xf32>
      %mul3A_535 = vector.broadcast %scan3A_101 : f32 to vector<32x128xf32>
      %mul3A_536 = arith.mulf %get3A_379, %mul3A_535 : vector<32x128xf32>
      %sub3A_537 = arith.subf %mul3A_536, %mul3A_98 : vector<32x128xf32>
      %exp23A_538 = math.exp2 %sub3A_537 : vector<32x128xf32>
      %add3A_539 = arith.addf %add3A_499, %exp23A_538 : vector<32x128xf32>
      %mul3A_540 = vector.broadcast %scan3A_101 : f32 to vector<32x128xf32>
      %mul3A_541 = arith.mulf %get3A_384, %mul3A_540 : vector<32x128xf32>
      %sub3A_542 = arith.subf %mul3A_541, %mul3A_98 : vector<32x128xf32>
      %exp23A_543 = math.exp2 %sub3A_542 : vector<32x128xf32>
      %add3A_544 = arith.addf %add3A_504, %exp23A_543 : vector<32x128xf32>
      %mul3A_545 = vector.broadcast %scan3A_101 : f32 to vector<32x128xf32>
      %mul3A_546 = arith.mulf %get3A_389, %mul3A_545 : vector<32x128xf32>
      %sub3A_547 = arith.subf %mul3A_546, %mul3A_98 : vector<32x128xf32>
      %exp23A_548 = math.exp2 %sub3A_547 : vector<32x128xf32>
      %add3A_549 = arith.addf %add3A_509, %exp23A_548 : vector<32x128xf32>
      %mul3A_550 = vector.broadcast %scan3A_101 : f32 to vector<32x128xf32>
      %mul3A_551 = arith.mulf %get3A_394, %mul3A_550 : vector<32x128xf32>
      %sub3A_552 = arith.subf %mul3A_551, %mul3A_98 : vector<32x128xf32>
      %exp23A_553 = math.exp2 %sub3A_552 : vector<32x128xf32>
      %add3A_554 = arith.addf %add3A_514, %exp23A_553 : vector<32x128xf32>
      %mul3A_555 = vector.broadcast %scan3A_101 : f32 to vector<32x128xf32>
      %mul3A_556 = arith.mulf %get3A_399, %mul3A_555 : vector<32x128xf32>
      %sub3A_557 = arith.subf %mul3A_556, %mul3A_98 : vector<32x128xf32>
      %exp23A_558 = math.exp2 %sub3A_557 : vector<32x128xf32>
      %add3A_559 = arith.addf %add3A_519, %exp23A_558 : vector<32x128xf32>
      %mul3A_560 = vector.broadcast %scan3A_101 : f32 to vector<32x128xf32>
      %mul3A_561 = arith.mulf %get3A_404, %mul3A_560 : vector<32x128xf32>
      %sub3A_562 = arith.subf %mul3A_561, %mul3A_98 : vector<32x128xf32>
      %exp23A_563 = math.exp2 %sub3A_562 : vector<32x128xf32>
      %add3A_564 = arith.addf %add3A_524, %exp23A_563 : vector<32x128xf32>
      %mul3A_565 = vector.broadcast %scan3A_101 : f32 to vector<32x128xf32>
      %mul3A_566 = arith.mulf %get3A_409, %mul3A_565 : vector<32x128xf32>
      %sub3A_567 = arith.subf %mul3A_566, %mul3A_98 : vector<32x128xf32>
      %exp23A_568 = math.exp2 %sub3A_567 : vector<32x128xf32>
      %add3A_569 = arith.addf %add3A_529, %exp23A_568 : vector<32x128xf32>
      %mul3A_570 = vector.broadcast %scan3A_101 : f32 to vector<32x128xf32>
      %mul3A_571 = arith.mulf %get3A_414, %mul3A_570 : vector<32x128xf32>
      %sub3A_572 = arith.subf %mul3A_571, %mul3A_98 : vector<32x128xf32>
      %exp23A_573 = math.exp2 %sub3A_572 : vector<32x128xf32>
      %add3A_574 = arith.addf %add3A_534, %exp23A_573 : vector<32x128xf32>
      %mul3A_575 = vector.broadcast %scan3A_101 : f32 to vector<32x128xf32>
      %mul3A_576 = arith.mulf %get3A_419, %mul3A_575 : vector<32x128xf32>
      %sub3A_577 = arith.subf %mul3A_576, %mul3A_98 : vector<32x128xf32>
      %exp23A_578 = math.exp2 %sub3A_577 : vector<32x128xf32>
      %add3A_579 = arith.addf %add3A_539, %exp23A_578 : vector<32x128xf32>
      %mul3A_580 = vector.broadcast %scan3A_101 : f32 to vector<32x128xf32>
      %mul3A_581 = arith.mulf %get3A_424, %mul3A_580 : vector<32x128xf32>
      %sub3A_582 = arith.subf %mul3A_581, %mul3A_98 : vector<32x128xf32>
      %exp23A_583 = math.exp2 %sub3A_582 : vector<32x128xf32>
      %add3A_584 = arith.addf %add3A_544, %exp23A_583 : vector<32x128xf32>
      %mul3A_585 = vector.broadcast %scan3A_101 : f32 to vector<32x128xf32>
      %mul3A_586 = arith.mulf %get3A_429, %mul3A_585 : vector<32x128xf32>
      %sub3A_587 = arith.subf %mul3A_586, %mul3A_98 : vector<32x128xf32>
      %exp23A_588 = math.exp2 %sub3A_587 : vector<32x128xf32>
      %add3A_589 = arith.addf %add3A_549, %exp23A_588 : vector<32x128xf32>
      %mul3A_590 = vector.broadcast %scan3A_101 : f32 to vector<32x128xf32>
      %mul3A_591 = arith.mulf %get3A_434, %mul3A_590 : vector<32x128xf32>
      %sub3A_592 = arith.subf %mul3A_591, %mul3A_98 : vector<32x128xf32>
      %exp23A_593 = math.exp2 %sub3A_592 : vector<32x128xf32>
      %add3A_594 = arith.addf %add3A_554, %exp23A_593 : vector<32x128xf32>
      %mul3A_595 = vector.broadcast %scan3A_101 : f32 to vector<32x128xf32>
      %mul3A_596 = arith.mulf %get3A_439, %mul3A_595 : vector<32x128xf32>
      %sub3A_597 = arith.subf %mul3A_596, %mul3A_98 : vector<32x128xf32>
      %exp23A_598 = math.exp2 %sub3A_597 : vector<32x128xf32>
      %add3A_599 = arith.addf %add3A_559, %exp23A_598 : vector<32x128xf32>
      %mul3A_600 = vector.broadcast %scan3A_101 : f32 to vector<32x128xf32>
      %mul3A_601 = arith.mulf %get3A_444, %mul3A_600 : vector<32x128xf32>
      %sub3A_602 = arith.subf %mul3A_601, %mul3A_98 : vector<32x128xf32>
      %exp23A_603 = math.exp2 %sub3A_602 : vector<32x128xf32>
      %add3A_604 = arith.addf %add3A_564, %exp23A_603 : vector<32x128xf32>
      %mul3A_605 = vector.broadcast %scan3A_101 : f32 to vector<32x128xf32>
      %mul3A_606 = arith.mulf %get3A_449, %mul3A_605 : vector<32x128xf32>
      %sub3A_607 = arith.subf %mul3A_606, %mul3A_98 : vector<32x128xf32>
      %exp23A_608 = math.exp2 %sub3A_607 : vector<32x128xf32>
      %add3A_609 = arith.addf %add3A_569, %exp23A_608 : vector<32x128xf32>
      %mul3A_610 = vector.broadcast %scan3A_101 : f32 to vector<32x128xf32>
      %mul3A_611 = arith.mulf %get3A_454, %mul3A_610 : vector<32x128xf32>
      %sub3A_612 = arith.subf %mul3A_611, %mul3A_98 : vector<32x128xf32>
      %exp23A_613 = math.exp2 %sub3A_612 : vector<32x128xf32>
      %add3A_614 = arith.addf %add3A_574, %exp23A_613 : vector<32x128xf32>
      scf.yield %add3A_579, %add3A_584, %add3A_589, %add3A_594, %add3A_599, %add3A_604, %add3A_609, %add3A_614 : vector<32x128xf32>, vector<32x128xf32>, vector<32x128xf32>, vector<32x128xf32>, vector<32x128xf32>, vector<32x128xf32>, vector<32x128xf32>, vector<32x128xf32>
    }
    %scan3A_107 = arith.constant 24 : i32
    %multiple_of3A_108 = arith.constant 98304 : i32
    %multiple_of3A_109 = tpu.assume_multiple %multiple_of3A_108, 128 : i32
    %get3A_110 = arith.constant 0 : index
    %get3A_111 = arith.index_cast %multiple_of3A_109 : i32 to index
    %get3A_112 = vector.load %arg1[%get3A_110, %get3A_111] : memref<32x100096xf32, #tpu.memory_space<vmem>>, vector<32x128xf32>
    %multiple_of3A_113 = arith.constant 98432 : i32
    %multiple_of3A_114 = tpu.assume_multiple %multiple_of3A_113, 128 : i32
    %get3A_115 = arith.constant 0 : index
    %get3A_116 = arith.index_cast %multiple_of3A_114 : i32 to index
    %get3A_117 = vector.load %arg1[%get3A_115, %get3A_116] : memref<32x100096xf32, #tpu.memory_space<vmem>>, vector<32x128xf32>
    %multiple_of3A_118 = arith.constant 98560 : i32
    %multiple_of3A_119 = tpu.assume_multiple %multiple_of3A_118, 128 : i32
    %get3A_120 = arith.constant 0 : index
    %get3A_121 = arith.index_cast %multiple_of3A_119 : i32 to index
    %get3A_122 = vector.load %arg1[%get3A_120, %get3A_121] : memref<32x100096xf32, #tpu.memory_space<vmem>>, vector<32x128xf32>
    %multiple_of3A_123 = arith.constant 98688 : i32
    %multiple_of3A_124 = tpu.assume_multiple %multiple_of3A_123, 128 : i32
    %get3A_125 = arith.constant 0 : index
    %get3A_126 = arith.index_cast %multiple_of3A_124 : i32 to index
    %get3A_127 = vector.load %arg1[%get3A_125, %get3A_126] : memref<32x100096xf32, #tpu.memory_space<vmem>>, vector<32x128xf32>
    %multiple_of3A_128 = arith.constant 98816 : i32
    %multiple_of3A_129 = tpu.assume_multiple %multiple_of3A_128, 128 : i32
    %get3A_130 = arith.constant 0 : index
    %get3A_131 = arith.index_cast %multiple_of3A_129 : i32 to index
    %get3A_132 = vector.load %arg1[%get3A_130, %get3A_131] : memref<32x100096xf32, #tpu.memory_space<vmem>>, vector<32x128xf32>
    %multiple_of3A_133 = arith.constant 98944 : i32
    %multiple_of3A_134 = tpu.assume_multiple %multiple_of3A_133, 128 : i32
    %get3A_135 = arith.constant 0 : index
    %get3A_136 = arith.index_cast %multiple_of3A_134 : i32 to index
    %get3A_137 = vector.load %arg1[%get3A_135, %get3A_136] : memref<32x100096xf32, #tpu.memory_space<vmem>>, vector<32x128xf32>
    %multiple_of3A_138 = arith.constant 99072 : i32
    %multiple_of3A_139 = tpu.assume_multiple %multiple_of3A_138, 128 : i32
    %get3A_140 = arith.constant 0 : index
    %get3A_141 = arith.index_cast %multiple_of3A_139 : i32 to index
    %get3A_142 = vector.load %arg1[%get3A_140, %get3A_141] : memref<32x100096xf32, #tpu.memory_space<vmem>>, vector<32x128xf32>
    %multiple_of3A_143 = arith.constant 99200 : i32
    %multiple_of3A_144 = tpu.assume_multiple %multiple_of3A_143, 128 : i32
    %get3A_145 = arith.constant 0 : index
    %get3A_146 = arith.index_cast %multiple_of3A_144 : i32 to index
    %get3A_147 = vector.load %arg1[%get3A_145, %get3A_146] : memref<32x100096xf32, #tpu.memory_space<vmem>>, vector<32x128xf32>
    %multiple_of3A_148 = arith.constant 99328 : i32
    %multiple_of3A_149 = tpu.assume_multiple %multiple_of3A_148, 128 : i32
    %get3A_150 = arith.constant 0 : index
    %get3A_151 = arith.index_cast %multiple_of3A_149 : i32 to index
    %get3A_152 = vector.load %arg1[%get3A_150, %get3A_151] : memref<32x100096xf32, #tpu.memory_space<vmem>>, vector<32x128xf32>
    %multiple_of3A_153 = arith.constant 99456 : i32
    %multiple_of3A_154 = tpu.assume_multiple %multiple_of3A_153, 128 : i32
    %get3A_155 = arith.constant 0 : index
    %get3A_156 = arith.index_cast %multiple_of3A_154 : i32 to index
    %get3A_157 = vector.load %arg1[%get3A_155, %get3A_156] : memref<32x100096xf32, #tpu.memory_space<vmem>>, vector<32x128xf32>
    %multiple_of3A_158 = arith.constant 99584 : i32
    %multiple_of3A_159 = tpu.assume_multiple %multiple_of3A_158, 128 : i32
    %get3A_160 = arith.constant 0 : index
    %get3A_161 = arith.index_cast %multiple_of3A_159 : i32 to index
    %get3A_162 = vector.load %arg1[%get3A_160, %get3A_161] : memref<32x100096xf32, #tpu.memory_space<vmem>>, vector<32x128xf32>
    %multiple_of3A_163 = arith.constant 99712 : i32
    %multiple_of3A_164 = tpu.assume_multiple %multiple_of3A_163, 128 : i32
    %get3A_165 = arith.constant 0 : index
    %get3A_166 = arith.index_cast %multiple_of3A_164 : i32 to index
    %get3A_167 = vector.load %arg1[%get3A_165, %get3A_166] : memref<32x100096xf32, #tpu.memory_space<vmem>>, vector<32x128xf32>
    %multiple_of3A_168 = arith.constant 99840 : i32
    %multiple_of3A_169 = tpu.assume_multiple %multiple_of3A_168, 128 : i32
    %get3A_170 = arith.constant 0 : index
    %get3A_171 = arith.index_cast %multiple_of3A_169 : i32 to index
    %get3A_172 = vector.load %arg1[%get3A_170, %get3A_171] : memref<32x100096xf32, #tpu.memory_space<vmem>>, vector<32x128xf32>
    %iota3A_173 = tpu.iota {dimensions = array<i32: 1>} : vector<32x128xi32>
    %lt3A_174 = arith.constant 32 : i32
    %lt3A_175 = vector.broadcast %lt3A_174 : i32 to vector<32x128xi32>
    %lt3A_176 = arith.cmpi slt, %iota3A_173, %lt3A_175 : vector<32x128xi32>
    %multiple_of3A_177 = arith.constant 99968 : i32
    %multiple_of3A_178 = tpu.assume_multiple %multiple_of3A_177, 128 : i32
    %get3A_179 = arith.constant 0 : index
    %get3A_180 = arith.index_cast %multiple_of3A_178 : i32 to index
    %get3A_181 = vector.load %arg1[%get3A_179, %get3A_180] : memref<32x100096xf32, #tpu.memory_space<vmem>>, vector<32x128xf32>
    %jit3A_182 = arith.constant 0xFF800000 : f32
    %broadcast_in_dim3A_183 = vector.broadcast %jit3A_182 : f32 to vector<32x128xf32>
    %select_n3A_184 = arith.select %lt3A_176, %get3A_181, %broadcast_in_dim3A_183 : vector<32x128xi1>, vector<32x128xf32>
    %mul3A_185 = arith.constant 1.44269502 : f32
    %mul3A_186 = vector.broadcast %mul3A_185 : f32 to vector<32x128xf32>
    %mul3A_187 = arith.mulf %get3A_112, %mul3A_186 : vector<32x128xf32>
    %sub3A = arith.subf %mul3A_187, %mul3A_98 : vector<32x128xf32>
    %exp23A = math.exp2 %sub3A : vector<32x128xf32>
    %mul3A_188 = arith.constant 1.44269502 : f32
    %mul3A_189 = vector.broadcast %mul3A_188 : f32 to vector<32x128xf32>
    %mul3A_190 = arith.mulf %get3A_117, %mul3A_189 : vector<32x128xf32>
    %sub3A_191 = arith.subf %mul3A_190, %mul3A_98 : vector<32x128xf32>
    %exp23A_192 = math.exp2 %sub3A_191 : vector<32x128xf32>
    %mul3A_193 = arith.constant 1.44269502 : f32
    %mul3A_194 = vector.broadcast %mul3A_193 : f32 to vector<32x128xf32>
    %mul3A_195 = arith.mulf %get3A_122, %mul3A_194 : vector<32x128xf32>
    %sub3A_196 = arith.subf %mul3A_195, %mul3A_98 : vector<32x128xf32>
    %exp23A_197 = math.exp2 %sub3A_196 : vector<32x128xf32>
    %mul3A_198 = arith.constant 1.44269502 : f32
    %mul3A_199 = vector.broadcast %mul3A_198 : f32 to vector<32x128xf32>
    %mul3A_200 = arith.mulf %get3A_127, %mul3A_199 : vector<32x128xf32>
    %sub3A_201 = arith.subf %mul3A_200, %mul3A_98 : vector<32x128xf32>
    %exp23A_202 = math.exp2 %sub3A_201 : vector<32x128xf32>
    %mul3A_203 = arith.constant 1.44269502 : f32
    %mul3A_204 = vector.broadcast %mul3A_203 : f32 to vector<32x128xf32>
    %mul3A_205 = arith.mulf %get3A_132, %mul3A_204 : vector<32x128xf32>
    %sub3A_206 = arith.subf %mul3A_205, %mul3A_98 : vector<32x128xf32>
    %exp23A_207 = math.exp2 %sub3A_206 : vector<32x128xf32>
    %mul3A_208 = arith.constant 1.44269502 : f32
    %mul3A_209 = vector.broadcast %mul3A_208 : f32 to vector<32x128xf32>
    %mul3A_210 = arith.mulf %get3A_137, %mul3A_209 : vector<32x128xf32>
    %sub3A_211 = arith.subf %mul3A_210, %mul3A_98 : vector<32x128xf32>
    %exp23A_212 = math.exp2 %sub3A_211 : vector<32x128xf32>
    %mul3A_213 = arith.constant 1.44269502 : f32
    %mul3A_214 = vector.broadcast %mul3A_213 : f32 to vector<32x128xf32>
    %mul3A_215 = arith.mulf %get3A_142, %mul3A_214 : vector<32x128xf32>
    %sub3A_216 = arith.subf %mul3A_215, %mul3A_98 : vector<32x128xf32>
    %exp23A_217 = math.exp2 %sub3A_216 : vector<32x128xf32>
    %mul3A_218 = arith.constant 1.44269502 : f32
    %mul3A_219 = vector.broadcast %mul3A_218 : f32 to vector<32x128xf32>
    %mul3A_220 = arith.mulf %get3A_147, %mul3A_219 : vector<32x128xf32>
    %sub3A_221 = arith.subf %mul3A_220, %mul3A_98 : vector<32x128xf32>
    %exp23A_222 = math.exp2 %sub3A_221 : vector<32x128xf32>
    %mul3A_223 = arith.constant 1.44269502 : f32
    %mul3A_224 = vector.broadcast %mul3A_223 : f32 to vector<32x128xf32>
    %mul3A_225 = arith.mulf %get3A_152, %mul3A_224 : vector<32x128xf32>
    %sub3A_226 = arith.subf %mul3A_225, %mul3A_98 : vector<32x128xf32>
    %exp23A_227 = math.exp2 %sub3A_226 : vector<32x128xf32>
    %mul3A_228 = arith.constant 1.44269502 : f32
    %mul3A_229 = vector.broadcast %mul3A_228 : f32 to vector<32x128xf32>
    %mul3A_230 = arith.mulf %get3A_157, %mul3A_229 : vector<32x128xf32>
    %sub3A_231 = arith.subf %mul3A_230, %mul3A_98 : vector<32x128xf32>
    %exp23A_232 = math.exp2 %sub3A_231 : vector<32x128xf32>
    %mul3A_233 = arith.constant 1.44269502 : f32
    %mul3A_234 = vector.broadcast %mul3A_233 : f32 to vector<32x128xf32>
    %mul3A_235 = arith.mulf %get3A_162, %mul3A_234 : vector<32x128xf32>
    %sub3A_236 = arith.subf %mul3A_235, %mul3A_98 : vector<32x128xf32>
    %exp23A_237 = math.exp2 %sub3A_236 : vector<32x128xf32>
    %mul3A_238 = arith.constant 1.44269502 : f32
    %mul3A_239 = vector.broadcast %mul3A_238 : f32 to vector<32x128xf32>
    %mul3A_240 = arith.mulf %get3A_167, %mul3A_239 : vector<32x128xf32>
    %sub3A_241 = arith.subf %mul3A_240, %mul3A_98 : vector<32x128xf32>
    %exp23A_242 = math.exp2 %sub3A_241 : vector<32x128xf32>
    %mul3A_243 = arith.constant 1.44269502 : f32
    %mul3A_244 = vector.broadcast %mul3A_243 : f32 to vector<32x128xf32>
    %mul3A_245 = arith.mulf %get3A_172, %mul3A_244 : vector<32x128xf32>
    %sub3A_246 = arith.subf %mul3A_245, %mul3A_98 : vector<32x128xf32>
    %exp23A_247 = math.exp2 %sub3A_246 : vector<32x128xf32>
    %mul3A_248 = arith.constant 1.44269502 : f32
    %mul3A_249 = vector.broadcast %mul3A_248 : f32 to vector<32x128xf32>
    %mul3A_250 = arith.mulf %select_n3A_184, %mul3A_249 : vector<32x128xf32>
    %sub3A_251 = arith.subf %mul3A_250, %mul3A_98 : vector<32x128xf32>
    %exp23A_252 = math.exp2 %sub3A_251 : vector<32x128xf32>
    %add3A = arith.addf %exp23A, %exp23A_192 : vector<32x128xf32>
    %add3A_253 = arith.addf %exp23A_197, %exp23A_202 : vector<32x128xf32>
    %add3A_254 = arith.addf %exp23A_207, %exp23A_212 : vector<32x128xf32>
    %add3A_255 = arith.addf %exp23A_217, %exp23A_222 : vector<32x128xf32>
    %add3A_256 = arith.addf %exp23A_227, %exp23A_232 : vector<32x128xf32>
    %add3A_257 = arith.addf %exp23A_237, %exp23A_242 : vector<32x128xf32>
    %add3A_258 = arith.addf %exp23A_247, %exp23A_252 : vector<32x128xf32>
    %add3A_259 = arith.addf %scan3A_106#0, %scan3A_106#1 : vector<32x128xf32>
    %add3A_260 = arith.addf %scan3A_106#2, %scan3A_106#3 : vector<32x128xf32>
    %add3A_261 = arith.addf %scan3A_106#4, %scan3A_106#5 : vector<32x128xf32>
    %add3A_262 = arith.addf %scan3A_106#6, %scan3A_106#7 : vector<32x128xf32>
    %add3A_263 = arith.addf %add3A, %add3A_253 : vector<32x128xf32>
    %add3A_264 = arith.addf %add3A_254, %add3A_255 : vector<32x128xf32>
    %add3A_265 = arith.addf %add3A_256, %add3A_257 : vector<32x128xf32>
    %add3A_266 = arith.addf %add3A_258, %add3A_259 : vector<32x128xf32>
    %add3A_267 = arith.addf %add3A_260, %add3A_261 : vector<32x128xf32>
    %add3A_268 = arith.addf %add3A_263, %add3A_264 : vector<32x128xf32>
    %add3A_269 = arith.addf %add3A_265, %add3A_266 : vector<32x128xf32>
    %add3A_270 = arith.addf %add3A_267, %add3A_262 : vector<32x128xf32>
    %add3A_271 = arith.addf %add3A_268, %add3A_269 : vector<32x128xf32>
    %add3A_272 = arith.addf %add3A_271, %add3A_270 : vector<32x128xf32>
    %reduce_max3A = arith.constant dense<0xFF800000> : vector<32xf32>
    %reduce_max3A_273 = vector.multi_reduction <maximumf>, %max3A_96, %reduce_max3A [1] : vector<32x128xf32> to vector<32xf32>
    %broadcast_in_dim3A_274 = vector.shape_cast %reduce_max3A_273 : vector<32xf32> to vector<32x1xf32>
    %sub3A_275 = vector.broadcast %broadcast_in_dim3A_274 : vector<32x1xf32> to vector<32x128xf32>
    %sub3A_276 = arith.subf %max3A_96, %sub3A_275 : vector<32x128xf32>
    %exp3A = math.exp %sub3A_276 : vector<32x128xf32>
    %mul3A_277 = arith.mulf %add3A_272, %exp3A : vector<32x128xf32>
    %reduce_sum3A = arith.constant dense<0.000000e+00> : vector<32xf32>
    %reduce_sum3A_278 = vector.multi_reduction <add>, %mul3A_277, %reduce_sum3A [1] : vector<32x128xf32> to vector<32xf32>
    %broadcast_in_dim3A_279 = vector.shape_cast %reduce_sum3A_278 : vector<32xf32> to vector<32x1xf32>
    %log3A = math.log %broadcast_in_dim3A_279 : vector<32x1xf32>
    %add3A_280 = arith.addf %broadcast_in_dim3A_274, %log3A : vector<32x1xf32>
    %swap3A = arith.constant 0 : index
    %swap3A_281 = arith.constant 0 : index
    %swap3A_282 = vector.load %arg2[%swap3A, %swap3A_281] : memref<32x1xf32, #tpu.memory_space<vmem>>, vector<32x1xf32>
    tpu.vector_store %arg2[%swap3A, %swap3A_281], %add3A_280 {strides = array<i32>} : memref<32x1xf32, #tpu.memory_space<vmem>>, vector<32x1xf32>,
    return
  }
  func.func @transform_0(%arg0: i32) -> (i32, i32) {
    %c0_i32 = arith.constant 0 : i32
    %c0_i32_0 = arith.constant 0 : i32
    return %arg0, %c0_i32 : i32, i32
  }
  func.func @transform_1(%arg0: i32) -> (i32, i32) {
    %c0_i32 = arith.constant 0 : i32
    %c0_i32_0 = arith.constant 0 : i32
    return %arg0, %c0_i32 : i32, i32
  }
}

module attributes {stable_mosaic.version = 14 : i64} {
  func.func @_topk_body(%arg0: memref<1024x1xf32, #tpu.memory_space<vmem>>, %arg1: memref<1x1024xf32, #tpu.memory_space<vmem>>, %arg2: memref<1024x16xf32, #tpu.memory_space<vmem>>, %arg3: memref<16x1024xf32, #tpu.memory_space<vmem>>, %arg4: memref<1024x1xi32, #tpu.memory_space<vmem>>, %arg5: memref<1x1024xi32, #tpu.memory_space<vmem>>, %arg6: memref<1x1xf32, #tpu.memory_space<vmem>>) attributes {dimension_semantics = [], scalar_prefetch = 0 : i64, scratch_operands = 0 : i64, tpu.core_type = #tpu.core_type<tc>} {
    %get3A = arith.constant 0 : index
    %get3A_0 = arith.constant 0 : index
    %get3A_1 = vector.load %arg4[%get3A, %get3A_0] : memref<1024x1xi32, #tpu.memory_space<vmem>>, vector<1024x1xi32>
    %and3A = arith.constant 15 : i32
    %and3A_2 = vector.broadcast %and3A : i32 to vector<1024x1xi32>
    %and3A_3 = arith.andi %get3A_1, %and3A_2 : vector<1024x1xi32>
    %iota3A = tpu.iota {dimensions = array<i32: 1>} : vector<1024x16xi32>
    %eq3A = vector.broadcast %and3A_3 : vector<1024x1xi32> to vector<1024x16xi32>
    %eq3A_4 = arith.cmpi eq, %iota3A, %eq3A : vector<1024x16xi32>
    %get3A_5 = arith.constant 0 : index
    %get3A_6 = arith.constant 0 : index
    %get3A_7 = vector.load %arg2[%get3A_5, %get3A_6] : memref<1024x16xf32, #tpu.memory_space<vmem>>, vector<1024x16xf32>
    %jit3A = arith.constant 0.000000e+00 : f32
    %broadcast_in_dim3A = vector.broadcast %jit3A : f32 to vector<1024x16xf32>
    %select_n3A = arith.select %eq3A_4, %get3A_7, %broadcast_in_dim3A : vector<1024x16xi1>, vector<1024x16xf32>
    %reduce_sum3A = arith.constant dense<0.000000e+00> : vector<1024xf32>
    %reduce_sum3A_8 = vector.multi_reduction <add>, %select_n3A, %reduce_sum3A [1] : vector<1024x16xf32> to vector<1024xf32>
    %broadcast_in_dim3A_9 = vector.shape_cast %reduce_sum3A_8 : vector<1024xf32> to vector<1024x1xf32>
    %get3A_10 = arith.constant 0 : index
    %get3A_11 = arith.constant 0 : index
    %get3A_12 = vector.load %arg5[%get3A_10, %get3A_11] : memref<1x1024xi32, #tpu.memory_space<vmem>>, vector<1x1024xi32>
    %and3A_13 = arith.constant 15 : i32
    %and3A_14 = vector.broadcast %and3A_13 : i32 to vector<1x1024xi32>
    %and3A_15 = arith.andi %get3A_12, %and3A_14 : vector<1x1024xi32>
    %iota3A_16 = tpu.iota {dimensions = array<i32: 0>} : vector<16x1024xi32>
    %eq3A_17 = vector.broadcast %and3A_15 : vector<1x1024xi32> to vector<16x1024xi32>
    %eq3A_18 = arith.cmpi eq, %iota3A_16, %eq3A_17 : vector<16x1024xi32>
    %get3A_19 = arith.constant 0 : index
    %get3A_20 = arith.constant 0 : index
    %get3A_21 = vector.load %arg3[%get3A_19, %get3A_20] : memref<16x1024xf32, #tpu.memory_space<vmem>>, vector<16x1024xf32>
    %jit3A_22 = arith.constant 0.000000e+00 : f32
    %broadcast_in_dim3A_23 = vector.broadcast %jit3A_22 : f32 to vector<16x1024xf32>
    %select_n3A_24 = arith.select %eq3A_18, %get3A_21, %broadcast_in_dim3A_23 : vector<16x1024xi1>, vector<16x1024xf32>
    %reduce_sum3A_25 = arith.constant dense<0.000000e+00> : vector<1024xf32>
    %reduce_sum3A_26 = vector.multi_reduction <add>, %select_n3A_24, %reduce_sum3A_25 [0] : vector<16x1024xf32> to vector<1024xf32>
    %broadcast_in_dim3A_27 = vector.shape_cast %reduce_sum3A_26 : vector<1024xf32> to vector<1x1024xf32>
    %get3A_28 = arith.constant 0 : index
    %get3A_29 = arith.constant 0 : index
    %get3A_30 = vector.load %arg0[%get3A_28, %get3A_29] : memref<1024x1xf32, #tpu.memory_space<vmem>>, vector<1024x1xf32>
    %sub3A = arith.subf %get3A_30, %broadcast_in_dim3A_9 : vector<1024x1xf32>
    %get3A_31 = arith.constant 0 : index
    %get3A_32 = arith.constant 0 : index
    %get3A_33 = vector.load %arg1[%get3A_31, %get3A_32] : memref<1x1024xf32, #tpu.memory_space<vmem>>, vector<1x1024xf32>
    %sub3A_34 = arith.subf %get3A_33, %broadcast_in_dim3A_27 : vector<1x1024xf32>
    %gt3A = vector.broadcast %sub3A_34 : vector<1x1024xf32> to vector<1024x1024xf32>
    %gt3A_35 = vector.broadcast %sub3A : vector<1024x1xf32> to vector<1024x1024xf32>
    %gt3A_36 = arith.cmpf ogt, %gt3A, %gt3A_35 : vector<1024x1024xf32>
    %convert_element_type3A = arith.extui %gt3A_36 : vector<1024x1024xi1> to vector<1024x1024xi32>
    %convert_element_type3A_37 = arith.sitofp %convert_element_type3A : vector<1024x1024xi32> to vector<1024x1024xf32>
    %eq3A_38 = vector.broadcast %sub3A_34 : vector<1x1024xf32> to vector<1024x1024xf32>
    %eq3A_39 = vector.broadcast %sub3A : vector<1024x1xf32> to vector<1024x1024xf32>
    %eq3A_40 = arith.cmpf oeq, %eq3A_38, %eq3A_39 : vector<1024x1024xf32>
    %convert_element_type3A_41 = arith.extui %eq3A_40 : vector<1024x1024xi1> to vector<1024x1024xi32>
    %convert_element_type3A_42 = arith.sitofp %convert_element_type3A_41 : vector<1024x1024xi32> to vector<1024x1024xf32>
    %reduce_sum3A_43 = arith.constant dense<0.000000e+00> : vector<1024xf32>
    %reduce_sum3A_44 = vector.multi_reduction <add>, %convert_element_type3A_37, %reduce_sum3A_43 [1] : vector<1024x1024xf32> to vector<1024xf32>
    %broadcast_in_dim3A_45 = vector.shape_cast %reduce_sum3A_44 : vector<1024xf32> to vector<1024x1xf32>
    %reduce_sum3A_46 = arith.constant dense<0.000000e+00> : vector<1024xf32>
    %reduce_sum3A_47 = vector.multi_reduction <add>, %convert_element_type3A_42, %reduce_sum3A_46 [1] : vector<1024x1024xf32> to vector<1024xf32>
    %broadcast_in_dim3A_48 = vector.shape_cast %reduce_sum3A_47 : vector<1024xf32> to vector<1024x1xf32>
    %sub3A_49 = arith.constant 6.140000e+02 : f32
    %sub3A_50 = vector.broadcast %sub3A_49 : f32 to vector<1024x1xf32>
    %sub3A_51 = arith.subf %sub3A_50, %broadcast_in_dim3A_45 : vector<1024x1xf32>
    %jit3A_52 = arith.constant 0.000000e+00 : f32
    %max3A = vector.broadcast %jit3A_52 : f32 to vector<1024x1xf32>
    %max3A_53 = arith.maximumf %max3A, %sub3A_51 : vector<1024x1xf32>
    %min3A = arith.minimumf %broadcast_in_dim3A_48, %max3A_53 : vector<1024x1xf32>
    %div3A = arith.divf %min3A, %broadcast_in_dim3A_48 : vector<1024x1xf32>
    %mul3A = arith.mulf %sub3A, %div3A : vector<1024x1xf32>
    %reduce_sum3A_54 = vector.shape_cast %mul3A : vector<1024x1xf32> to vector<1x1024x1xf32>
    %reduce_sum3A_55 = arith.constant dense<0.000000e+00> : vector<1xf32>
    %reduce_sum3A_56 = vector.multi_reduction <add>, %reduce_sum3A_54, %reduce_sum3A_55 [1, 2] : vector<1x1024x1xf32> to vector<1xf32>
    %reduce_sum3A_57 = vector.shape_cast %reduce_sum3A_56 : vector<1xf32> to vector<1x1x1xf32>
    %reduce_sum3A_58 = vector.extract %reduce_sum3A_57[0, 0, 0] : f32 from vector<1x1x1xf32>
    %broadcast_in_dim3A_59 = vector.broadcast %reduce_sum3A_58 : f32 to vector<1x1xf32>
    %div3A_60 = arith.constant 6.140000e+02 : f32
    %div3A_61 = vector.broadcast %div3A_60 : f32 to vector<1x1xf32>
    %div3A_62 = arith.divf %broadcast_in_dim3A_59, %div3A_61 : vector<1x1xf32>
    %swap3A = arith.constant 0 : index
    %swap3A_63 = arith.constant 0 : index
    %swap3A_64 = vector.load %arg6[%swap3A, %swap3A_63] : memref<1x1xf32, #tpu.memory_space<vmem>>, vector<1x1xf32>
    tpu.vector_store %arg6[%swap3A, %swap3A_63], %div3A_62 {strides = array<i32>} : memref<1x1xf32, #tpu.memory_space<vmem>>, vector<1x1xf32>,
    return
  }
}

</mosaic_0001>

<sc_bundles>
// kernel: kernel.5.cloned.1.call-start
scs
__scs_entry_jumppad:
0x0: {  	(pc) =	sbr.rel $0x88, $3  }
0x1: {  	(tag) =	ssettag $0x0;
	lr =	simm.s32 $0x1  }
0x2: {  	[smem:$0x3F9F] =	sst lr;
	_ =	strace $0xD0000000  }
0x3: {  	_ = 	snop  }
0x4: {  	_ = 	snop  }
0x5: {  	_ = 	snop  }
0x6: {  	_ = 	snop  }
0x7: {  	_ = 	snop  }
__scs_overlays_trampoline_lowered:
0x8: {  	[smem:$0x3FAE] =	sst s0  }
0x9: {  	[smem:$0x3FAF] =	sst s1  }
0xa: {  	[smem:$0x3FB0] =	sst s2  }
0xb: {  	[smem:$0x3FB1] =	sst s3  }
0xc: {  	[smem:$0x3FB2] =	sst s4  }
0xd: {  	[smem:$0x3FB3] =	sst s5  }
0xe: {  	[smem:$0x3FB4] =	sst s6  }
0xf: {  	[smem:$0x3FB5] =	sst s7  }
0x10: {  	[smem:$0x3FB6] =	sst s8  }
0x11: {  	[smem:$0x3FB7] =	sst s9;
	s0 =	simm.s32 @!p0 $0x0  }
0x12: {  	s1 =	sld [smem:$0x3F9D];
	s0 =	simm.s32 @p0 $0x1  }
0x13: {  	[smem:$0x3FB8] =	sst s0;
	s0 =	simm.s32 @!p1 $0x0  }
0x14: {  	s2 =	sld [smem:$0x3F9C];
	s0 =	simm.s32 @p1 $0x1  }
0x15: {  	[smem:$0x3FB9] =	sst s0;
	s0 =	simm.s32 @!p2 $0x0  }
0x16: {  	s3 =	sld [smem:$0x3FDB];
	s0 =	simm.s32 @p2 $0x1  }
0x17: {  	s4 =	simm.s32 $0x1BF5;
	[smem:$0x3FBB] =	sst s0  }
0x18: {  	s0 =	sld [smem:$0x3F9E];
	_ =	swait.ge [sflag:s4], $0x0  }
0x19: {  	s7 =	sld [smem:$0x3F9F]  }
0x1a: {  	s8 =	sadd.s32 $0xFFFFE003, lr  }
0x1b: {  	s9 =	sadd.s32 $0xFFFFFEF7, lr;
	s5 =	simm.s32 $0xFFFFFFFF;
	p2 =	slt.u32 s8, $0xFFFFF086  }
0x1c: {  	p1 =	slt.u32 s9, $0xF7A;
	s5 =	simm.s32 @!p2 $0x0  }
0x1d: {  	s5 =	simm.s32 @p1 $0x1;
	p0 =	seq.s32 s7, s2  }
0x1e: {  	s7 =	smul.u32 @!p0 $0xF7A, s2;
	p2 =	seq.s32 @!p0 s5, $0x0  }
0x1f: {  	s9 =	smul.u32 $0xF7A, s1;
	s8 =	simm.s32 @!p0 $0x1BF5;
	p2 =	por !p2, p0  }
0x20: {  	[sflag:s8] =	ssyncset.s32 @!p0 $0xFFFFF086;
	s6 =	sadd.s32 @!p0 s3, s7;
	s7 =	simm.s32 @!p0 $0x108  }
0x21: {  	s3 =	sadd.s32 s3, s9;
	s6 =	sadd.s32 @!p0 $0x88, s6;
	s7 =	simm.s32 @p2 $0x1082  }
0x22: {  	[simem:s7], [sflag:s8] =	dma.local @!p0 [hbm:s6], $0xF7A  }
0x23: {  	s9 =	sor.u32 $0xD0000000, s2;
	s6 =	simm.s32 $0x108;
	_ =	swait.ge @!p0 [sflag:s8], $0x0  }
0x24: {  	s3 =	sadd.s32 $0x88, s3;
	s6 =	simm.s32 @!p1 $0x1082;
	[sflag:s4] =	ssyncset.s32 $0xFFFFF086  }
0x25: {  	[simem:s6], [sflag:s4] =	dma.local [hbm:s3], $0xF7A  }
0x26: {  	[smem:$0x3F9F] =	sst s1;
	(tag) =	ssettag s2;
	_ =	strace s9  }
0x27: {  	s1 =	sld [smem:$0x3FAF]  }
0x28: {  	s2 =	sld [smem:$0x3FB0]  }
0x29: {  	s4 =	sld [smem:$0x3FB2]  }
0x2a: {  	p0 =	seq.s32 s5, $0x0;
	s5 =	sld [smem:$0x3FB3]  }
0x2b: {  	s6 =	sld [smem:$0x3FB4]  }
0x2c: {  	s7 =	sld [smem:$0x3FB5]  }
0x2d: {  	s3 =	simm.s32 $0x108;
	s8 =	sld [smem:$0x3FB6]  }
0x2e: {  	s3 =	simm.s32 @!p0 $0x1082;
	s9 =	sld [smem:$0x3FB7]  }
0x2f: {  	lr =	sadd.s32 s0, s3;
	s0 =	sld [smem:$0x3FAE]  }
0x30: {  	s3 =	sld [smem:$0x3FB1]  }
0x31: {  	[smem:$0x3FBA] =	sst s10  }
0x32: {  	s10 =	sld [smem:$0x3FB8];
	_ =	sdelay $0x3  }
0x33: {  	p0 =	seq.s32 s10, $0x1;
	s10 =	sld [smem:$0x3FBA];
	_ =	sdelay $0x3  }
0x34: {  	[smem:$0x3FBA] =	sst s10  }
0x35: {  	s10 =	sld [smem:$0x3FB9];
	_ =	sdelay $0x3  }
0x36: {  	p1 =	seq.s32 s10, $0x1;
	s10 =	sld [smem:$0x3FBA];
	_ =	sdelay $0x3  }
0x37: {  	[smem:$0x3FBA] =	sst s10  }
0x38: {  	s10 =	sld [smem:$0x3FBB]  }
0x39: {  	_ = 	snop;
	(pc) =	sbr.ind lr, $3  }
0x3a: {  	_ = 	snop  }
0x3b: {  	_ = 	snop  }
0x3c: {  	p2 =	seq.s32 s10, $0x1;
	s10 =	sld [smem:$0x3FBA]  }
0x3d: {  	_ =	shalt  }
0x3e: {  	_ =	shalt  }
0x3f: {  	_ =	shalt  }
0x40: {  	_ =	shalt  }
0x41: {  	_ =	shalt  }
0x42: {  	_ =	shalt  }
0x43: {  	_ =	shalt  }
0x44: {  	_ =	shalt  }
0x45: {  	_ =	shalt  }
0x46: {  	_ =	shalt  }
0x47: {  	_ =	shalt  }
0x48: {  	_ =	shalt  }
0x49: {  	_ =	shalt  }
0x4a: {  	_ =	shalt  }
0x4b: {  	_ =	shalt  }
0x4c: {  	_ =	shalt  }
0x4d: {  	_ =	shalt  }
0x4e: {  	_ =	shalt  }
0x4f: {  	_ =	shalt  }
0x50: {  	_ =	shalt  }
0x51: {  	_ =	shalt  }
0x52: {  	_ =	shalt  }
0x53: {  	_ =	shalt  }
0x54: {  	_ =	shalt  }
0x55: {  	_ =	shalt  }
0x56: {  	_ =	shalt  }
0x57: {  	_ =	shalt  }
0x58: {  	_ =	shalt  }
0x59: {  	_ =	shalt  }
0x5a: {  	_ =	shalt  }
0x5b: {  	_ =	shalt  }
0x5c: {  	_ =	shalt  }
0x5d: {  	_ =	shalt  }
0x5e: {  	_ =	shalt  }
0x5f: {  	_ =	shalt  }
0x60: {  	_ =	shalt  }
0x61: {  	_ =	shalt  }
0x62: {  	_ =	shalt  }
0x63: {  	_ =	shalt  }
0x64: {  	_ =	shalt  }
0x65: {  	_ =	shalt  }
0x66: {  	_ =	shalt  }
0x67: {  	_ =	shalt  }
0x68: {  	_ =	shalt  }
0x69: {  	_ =	shalt  }
0x6a: {  	_ =	shalt  }
0x6b: {  	_ =	shalt  }
0x6c: {  	_ =	shalt  }
0x6d: {  	_ =	shalt  }
0x6e: {  	_ =	shalt  }
0x6f: {  	_ =	shalt  }
0x70: {  	_ =	shalt  }
0x71: {  	_ =	shalt  }
0x72: {  	_ =	shalt  }
0x73: {  	_ =	shalt  }
0x74: {  	_ =	shalt  }
0x75: {  	_ =	shalt  }
0x76: {  	_ =	shalt  }
0x77: {  	_ =	shalt  }
0x78: {  	_ =	shalt  }
0x79: {  	_ =	shalt  }
0x7a: {  	_ =	shalt  }
0x7b: {  	_ =	shalt  }
0x7c: {  	_ =	shalt  }
0x7d: {  	_ =	shalt  }
0x7e: {  	_ =	shalt  }
0x7f: {  	_ =	shalt  }
0x80: {  	_ =	shalt  }
0x81: {  	_ =	shalt  }
0x82: {  	_ =	shalt  }
0x83: {  	_ =	shalt  }
0x84: {  	_ =	shalt  }
0x85: {  	_ =	shalt  }
0x86: {  	_ =	shalt  }
0x87: {  	_ =	shalt  }
.Lfunc_end0:
.L_simem_size_0:
called_computation_lowered:
.L_overlay_start_0:
0x88: {  	s2 =	sld [smem:$0x3FD9]  }
0x89: {  	s3 =	sld [smem:$0x3FFE];
	_ =	sdelay $0x1  }
0x8a: {  	s1 =	srdreg.scid  }
0x8b: {  	s0 =	sand.u32 $0x1, s1  }
0x8c: {  	s17 =	sshll.u32 s0, $0xA;
	s2 =	sadd.s32 s3, s2  }
0x8d: {  	s2 =	sadd.s32 s2, s17  }
0x8e: {  	[smem:$0x3FC6] =	sst s2  }
0x8f: {  	_ = 	snop  }
0x90: {  	s2 =	sld [smem:$0x3FC8];
	(tm) =	ssettm $0x1  }
0x91: {  	s18 =	sld [smem:$0x3FFB];
	_ =	sdelay $0x3  }
0x92: {  	_ =	strace s18  }
0x93: {  	s3 =	sld [smem:$0x3FFC];
	_ =	sdelay $0x3  }
0x94: {  	_ =	strace s3  }
0x95: {  	s3 =	sld [smem:$0x3FFD];
	_ =	sdelay $0x3  }
0x96: {  	_ =	strace s3  }
0x97: {  	_ =	strace $0x8FFFFFFF  }
0x98: {  	s19 =	sld [smem:$0x3FDB];
	_ =	sdelay $0x1  }
0x99: {  	s4 =	simm.s32 $_scs_section_size  }
0x9a: {  	s5 =	simm.s32 $_size__tile_overlayer_lowered;
	s6 =	simm.s32 $_tile_overlayer_lowered  }
0x9b: {  	s22 =	simm.s32 $0x1BFF;
	s21 =	sshll.u32 s6, $0x1;
	s3 =	sadd.s32 s4, s19  }
0x9c: {  	s7 =	simm.s32 $0x0;
	s20 =	sshll.u32 s5, $0x1;
	s5 =	sadd.s32 s21, s3  }
0x9d: {  	[timem:s7], [sflag:s22] =	dma.local [hbm:s5], s20  }
0x9e: {  	_ =	swait.ge [sflag:s22], s20  }
0x9f: {  	s4 =	ssub.s32 $0x0, s20;
	[sflag:s22] =	ssyncset.done $0x0  }
0xa0: {  	[sflag:s22] =	ssyncadd.s32 s4;
	_ =	sdelay $0x1  }
0xa1: {  	s23 =	simm.s32 $0x1B8B  }
0xa2: {  	_ =	swait.ge [sflag:s23], $0x1  }
0xa3: {  	[sflag:s23] =	ssyncset.done $0x0  }
0xa4: {  	s25 =	simm.s32 $0x1B8E;
	s24 =	sld [smem:$0x3FFE];
	[sflag:s23] =	ssyncadd.s32 $0xFFFFFFFF  }
0xa5: {  	s26 =	simm.s32 $execute0_lowered;
	[smem:$0x3FD2] =	sst s25  }
0xa6: {  	s5 =	sshll.u32 s26, $0x1;
	_ =	strace $0x80000046;
	[dreg:$0x1] =	wrdreg $0xFFFFFFFF  }
0xa7: {  	s28 =	simm.s32 $_size_execute0_lowered;
	s3 =	sadd.s32 s3, s5;
	[dreg:$0x0] =	wrdreg $0x0  }
0xa8: {  	s5 =	sshll.u32 s28, $0x1;
	[dreg:$0x2] =	wrdreg s3  }
0xa9: {  	[dreg:$0x3] =	wrdreg s5  }
0xaa: {  	[dreg:$0x4] =	wrdreg $0xC0  }
0xab: {  	_ =	task [dreg:s7], $0x5FFFF  }
0xac: {  	[dreg:$0x1] =	wrdreg $0xFFFFFFFF  }
0xad: {  	[dreg:$0x0] =	wrdreg $0x60  }
0xae: {  	[dreg:$0x2] =	wrdreg s24  }
0xaf: {  	[dreg:$0x3] =	wrdreg s2  }
0xb0: {  	[dreg:$0x4] =	wrdreg $0x9  }
0xb1: {  	_ =	task.clear_ibuf [dreg:s7], $0x5FFFF;
	_ =	strace $0x90000046  }
0xb2: {  	s29 =	simm.s32 $0x9;
	_ =	strace $0x80000048  }
0xb3: {  	_ =	swait.ge [sflag:s29], $0x1  }
0xb4: {  	[sflag:s29] =	ssyncadd.s32 $0xFFFFFFFF  }
0xb5: {  	_ =	strace $0x90000048  }
0xb6: {  	_ =	sfence  }
0xb7: {  	s30 =	sld [smem:$0x0];
	_ =	sdelay $0x2  }
0xb8: {  	s31 =	sshll.u32 s1, $0xD;
	s1 =	sshrl.u32 s1, $0x2  }
0xb9: {  	s3 =	sand.u32 $0x4000, s31;
	s1 =	sadd.s32 s1, s30  }
0xba: {  	s0 =	sor.u32 s3, s0;
	s1 =	sshll.u32 s1, $0x11  }
0xbb: {  	s0 =	sor.u32 s1, s0  }
0xbc: {  	s0 =	sadd.s32 $0x8F2B, s0  }
0xbd: {  	[sflag:s0] =	ssyncadd.remote.s32 $0x1  }
0xbe: {  	_ =	sfence.sel $0xFFFF  }
0xbf: {  	[dreg:$0x0] =	wrdreg $0xFFFFFFFF;
	(pc) =	sbr.abs _section_cstart, $3  }
0xc0: {  	[dreg:$0x1] =	wrdreg $0xFFFFFFFF  }
0xc1: {  	_ =	task.clear_ibuf [dreg:s7], $0x2FFFF;
	_ =	strace $0x9FFFFFFF  }
0xc2: {  	(tm) =	ssettm $0x7FFFFFFF  }
0xc3: {  	_ =	shalt  }
tec
execute0_lowered:
.L_overlay_start_1:
0x0: {  	(tag) =	ssettag $0x1  }
0x1: {  	s1 =	rddreg [dreg:$0x0];
	s2 =	stileid.u32  }
0x2: {  	s3 =	rddreg [dreg:$0x1];
	s4 =	sshll.u32 s2, $0x6;
	s2 =	simm.s32 $0x0  }
0x3: {  	s23 =	simm.s32 $0x80;
	[smem:$0x7FF] =	sst s2  }
0x4: {  	s24 =	simm.s32 $0x480;
	_ =	strace $0x80000047;
	[dreg:$0x5] =	wrdreg s23  }
0x5: {  	s25 =	simm.s32 $0x880;
	[dreg:$0x6] =	wrdreg s24  }
0x6: {  	s26 =	simm.s32 $0xC80;
	[dreg:$0x7] =	wrdreg s25  }
0x7: {  	s28 =	simm.s32 $0x1080;
	[dreg:$0x8] =	wrdreg s26  }
0x8: {  	s29 =	simm.s32 $0x1480;
	[dreg:$0x9] =	wrdreg s28  }
0x9: {  	s30 =	simm.s32 $0x1880;
	[dreg:$0xa] =	wrdreg s29  }
0xa: {  	s31 =	simm.s32 $0x1C80;
	[dreg:$0xb] =	wrdreg s30  }
0xb: {  	s6 =	simm.s32 $0x2480;
	[dreg:$0xc] =	wrdreg s31  }
0xc: {  	s7 =	simm.s32 $0x2880;
	[dreg:$0xe] =	wrdreg s6  }
0xd: {  	s8 =	simm.s32 $0x2C80;
	[dreg:$0xf] =	wrdreg s7  }
0xe: {  	s9 =	simm.s32 $0x3080;
	[dreg:$0x10] =	wrdreg s8  }
0xf: {  	s10 =	simm.s32 $0x3480;
	[dreg:$0x11] =	wrdreg s9  }
0x10: {  	s11 =	simm.s32 $0x3880;
	[dreg:$0x12] =	wrdreg s10  }
0x11: {  	s12 =	simm.s32 $0x3C80;
	[dreg:$0x13] =	wrdreg s11  }
0x12: {  	s13 =	simm.s32 $0x4080;
	[dreg:$0x14] =	wrdreg s12  }
0x13: {  	s14 =	simm.s32 $0x4480;
	[dreg:$0x15] =	wrdreg s13  }
0x14: {  	s15 =	simm.s32 $0x4880;
	[dreg:$0x16] =	wrdreg s14  }
0x15: {  	s16 =	simm.s32 $0x4C80;
	[dreg:$0x17] =	wrdreg s15  }
0x16: {  	s17 =	simm.s32 $0x5080;
	[dreg:$0x18] =	wrdreg s16  }
0x17: {  	s18 =	simm.s32 $0x5480;
	[dreg:$0x19] =	wrdreg s17  }
0x18: {  	s19 =	simm.s32 $0x5880;
	[dreg:$0x1a] =	wrdreg s18  }
0x19: {  	s20 =	simm.s32 $0x5C80;
	[dreg:$0x1b] =	wrdreg s19  }
0x1a: {  	s0 =	srdreg.scid;
	s21 =	simm.s32 $0x6080;
	[dreg:$0x1c] =	wrdreg s20  }
0x1b: {  	s0 =	sand.u32 $0x1, s0;
	[dreg:$0x1d] =	wrdreg s21;
	s24 =	simm.s32 $0x6880  }
0x1c: {  	s5 =	sshll.u32 s0, $0x5;
	s25 =	simm.s32 $0x6C80;
	[dreg:$0x1f] =	wrdreg s24  }
0x1d: {  	s0 =	ssub.s32 $0x2, s0;
	s26 =	simm.s32 $0x7080;
	[smem:$0x7F8] =	sst s25  }
0x1e: {  	s4 =	sor.u32 s5, s4;
	s28 =	simm.s32 $0x7480;
	[smem:$0x7F9] =	sst s26  }
0x1f: {  	s23 =	sshrl.u32 s0, $0x1;
	s29 =	simm.s32 $0x7880;
	[smem:$0x7FA] =	sst s28  }
0x20: {  	s30 =	simm.s32 $0x7C80;
	s31 =	simm.s32 $0x8080;
	[smem:$0x7FB] =	sst s29  }
0x21: {  	s10 =	simm.s32 $0x1;
	s5 =	sshll.u32 s4, $0x4;
	[smem:$0x7FC] =	sst s30  }
0x22: {  	s4 =	sshrl.u32 s4, $0x3;
	s0 =	ssub.s32 s0, s23;
	[smem:$0x7FD] =	sst s31  }
0x23: {  	s5 =	sadd.s32 s5, s1;
	s3 =	sadd.s32 s3, s4;
	s4 =	smul.u32 $0xC3800, s4  }
0x24: {  	s21 =	smax.u32 s0, $0x1;
	[dreg:$0x3] =	wrdreg s3;
	s22 =	sadd.s32 $0xC38400, s5  }
0x25: {  	s5 =	simm.s32 $0x2080;
	s3 =	sadd.s32 $0x400, s1;
	[dreg:$0x4] =	wrdreg s22  }
0x26: {  	[dreg:$0xd] =	wrdreg s5;
	s22 =	simm.s32 $0x6480;
	s5 =	sadd.s32 $0xC3800, s4  }
0x27: {  	s6 =	sadd.s32 $0x187000, s4;
	s7 =	sadd.s32 $0x24A800, s4;
	[dreg:$0x1e] =	wrdreg s22  }
.LBB2_1:
0x28: {  	s0 =	rddreg [dreg:$0x3];
	s13 =	simm.s32 $0x2  }
0x29: {  	[tilespmem:s2], [sflag:$0x2] =	stream.linear.gather [hbm4b:s0+s2], $0x20, $0x38;
	[tilespmem:$0x9080] =	vst v63  }
0x2a: {  	_ =	swait.ge [sflag:s13], $0x20  }
0x2b: {  	[sflag:s13] =	ssyncset.done $0x0  }
0x2c: {  	[sflag:s13] =	ssyncadd.s32 $0xFFFFFFE0  }
0x2d: {  	v1 =	vld [tilespmem:$0x0];
	_ =	sdelay $0x4  }
0x2e: {  	(v2sf) =	vpush v1, $0x0;
	_ =	sdelay $0x3  }
0x2f: {  	(v2sf) =	vpush v1, $0x1;
	_ =	sdelay $0x4  }
0x30: {  	(v2sf) =	vpush v1, $0x2;
	_ =	sdelay $0x5  }
0x31: {  	s14 =	spop (v2sf)  }
0x32: {  	s0 =	sshll.u32 s14, $0x3  }
0x33: {  	(v2sf) =	vpush v1, $0x3;
	s0 =	sand.u32 $0x7FFFFC00, s0  }
0x34: {  	s0 =	sadd.s32 s4, s0  }
0x35: {  	s8 =	spop (v2sf);
	s0 =	sshrl.u32 s0, $0x3  }
0x36: {  	s1 =	rddreg [dreg:$0x5];
	s15 =	sshll.u32 s8, $0x3;
	s0 =	sadd.s32 s3, s0  }
0x37: {  	v0 =	vld [tilespmem:$0x10];
	(v2sf) =	vpush v1, $0x4;
	[tilespmem:s1], [sflag:$0x1] =	stream.linear.gather [hbm4b:s0+s2], $0x400, $0x38  }
0x38: {  	s0 =	sand.u32 $0x7FFFFC00, s15  }
0x39: {  	s0 =	sadd.s32 s4, s0  }
0x3a: {  	s17 =	spop (v2sf);
	s0 =	sshrl.u32 s0, $0x3  }
0x3b: {  	s16 =	rddreg [dreg:$0x6];
	s18 =	sshll.u32 s17, $0x3;
	s0 =	sadd.s32 s3, s0  }
0x3c: {  	(v2sf) =	vpush v1, $0x5;
	[tilespmem:s16], [sflag:$0x1] =	stream.linear.gather [hbm4b:s0+s2], $0x400, $0x38;
	[tilespmem:$0x9080] =	vst v63  }
0x3d: {  	s0 =	sand.u32 $0x7FFFFC00, s18  }
0x3e: {  	s0 =	sadd.s32 s4, s0  }
0x3f: {  	s0 =	sshrl.u32 s0, $0x3  }
0x40: {  	s19 =	rddreg [dreg:$0x7];
	s0 =	sadd.s32 s3, s0  }
0x41: {  	[tilespmem:s19], [sflag:$0x1] =	stream.linear.gather [hbm4b:s0+s2], $0x400, $0x38;
	[tilespmem:$0x9080] =	vst v63  }
0x42: {  	s20 =	spop (v2sf)  }
0x43: {  	s22 =	sshll.u32 s20, $0x3  }
0x44: {  	(v2sf) =	vpush v1, $0x6;
	s0 =	sand.u32 $0x7FFFFC00, s22  }
0x45: {  	s0 =	sadd.s32 s4, s0  }
0x46: {  	s24 =	spop (v2sf);
	s0 =	sshrl.u32 s0, $0x3  }
0x47: {  	s23 =	rddreg [dreg:$0x8];
	s25 =	sshll.u32 s24, $0x3;
	s0 =	sadd.s32 s3, s0  }
0x48: {  	(v2sf) =	vpush v1, $0x7;
	[tilespmem:s23], [sflag:$0x1] =	stream.linear.gather [hbm4b:s0+s2], $0x400, $0x38;
	[tilespmem:$0x9080] =	vst v63  }
0x49: {  	s0 =	sand.u32 $0x7FFFFC00, s25  }
0x4a: {  	s0 =	sadd.s32 s4, s0  }
0x4b: {  	s28 =	spop (v2sf);
	s0 =	sshrl.u32 s0, $0x3  }
0x4c: {  	s26 =	rddreg [dreg:$0x9];
	s29 =	sshll.u32 s28, $0x3;
	s0 =	sadd.s32 s3, s0  }
0x4d: {  	(v2sf) =	vpush v1, $0x8;
	[tilespmem:s26], [sflag:$0x1] =	stream.linear.gather [hbm4b:s0+s2], $0x400, $0x38;
	[tilespmem:$0x9080] =	vst v63  }
0x4e: {  	s0 =	sand.u32 $0x7FFFFC00, s29  }
0x4f: {  	s0 =	sadd.s32 s4, s0  }
0x50: {  	s0 =	sshrl.u32 s0, $0x3  }
0x51: {  	s30 =	rddreg [dreg:$0xa];
	s0 =	sadd.s32 s3, s0  }
0x52: {  	[tilespmem:s30], [sflag:$0x1] =	stream.linear.gather [hbm4b:s0+s2], $0x400, $0x38;
	[tilespmem:$0x9080] =	vst v63  }
0x53: {  	s31 =	spop (v2sf)  }
0x54: {  	s9 =	sshll.u32 s31, $0x3  }
0x55: {  	(v2sf) =	vpush v1, $0x9;
	s0 =	sand.u32 $0x7FFFFC00, s9  }
0x56: {  	s0 =	sadd.s32 s4, s0  }
0x57: {  	s12 =	spop (v2sf);
	s0 =	sshrl.u32 s0, $0x3  }
0x58: {  	s11 =	rddreg [dreg:$0xb];
	s13 =	sshll.u32 s12, $0x3;
	s0 =	sadd.s32 s3, s0  }
0x59: {  	(v2sf) =	vpush v1, $0xA;
	[tilespmem:s11], [sflag:$0x1] =	stream.linear.gather [hbm4b:s0+s2], $0x400, $0x38;
	[tilespmem:$0x9080] =	vst v63  }
0x5a: {  	s0 =	sand.u32 $0x7FFFFC00, s13  }
0x5b: {  	s0 =	sadd.s32 s4, s0  }
0x5c: {  	[smem:$0x7ED] =	sst s14;
	s15 =	spop (v2sf);
	s0 =	sshrl.u32 s0, $0x3  }
0x5d: {  	s14 =	rddreg [dreg:$0xc];
	s16 =	sshll.u32 s15, $0x3;
	s0 =	sadd.s32 s3, s0  }
0x5e: {  	(v2sf) =	vpush v1, $0xB;
	[tilespmem:s14], [sflag:$0x1] =	stream.linear.gather [hbm4b:s0+s2], $0x400, $0x38;
	[tilespmem:$0x9080] =	vst v63  }
0x5f: {  	s0 =	sand.u32 $0x7FFFFC00, s16  }
0x60: {  	s0 =	sadd.s32 s5, s0  }
0x61: {  	[smem:$0x7EF] =	sst s17;
	s0 =	sshrl.u32 s0, $0x3  }
0x62: {  	s17 =	rddreg [dreg:$0xd];
	s0 =	sadd.s32 s3, s0  }
0x63: {  	[tilespmem:s17], [sflag:$0x1] =	stream.linear.gather [hbm4b:s0+s2], $0x400, $0x38;
	[tilespmem:$0x9080] =	vst v63  }
0x64: {  	s18 =	spop (v2sf)  }
0x65: {  	s19 =	sshll.u32 s18, $0x3  }
0x66: {  	(v2sf) =	vpush v1, $0xC;
	s0 =	sand.u32 $0x7FFFFC00, s19  }
0x67: {  	s0 =	sadd.s32 s5, s0  }
0x68: {  	[smem:$0x7F0] =	sst s20;
	s22 =	spop (v2sf);
	s0 =	sshrl.u32 s0, $0x3  }
0x69: {  	s20 =	rddreg [dreg:$0xe];
	s23 =	sshll.u32 s22, $0x3;
	s0 =	sadd.s32 s3, s0  }
0x6a: {  	(v2sf) =	vpush v1, $0xD;
	[tilespmem:s20], [sflag:$0x1] =	stream.linear.gather [hbm4b:s0+s2], $0x400, $0x38;
	[tilespmem:$0x9080] =	vst v63  }
0x6b: {  	s0 =	sand.u32 $0x7FFFFC00, s23  }
0x6c: {  	[smem:$0x7F1] =	sst s24;
	s0 =	sadd.s32 s5, s0  }
0x6d: {  	[smem:$0x7F7] =	sst s22;
	s22 =	spop (v2sf);
	s0 =	sshrl.u32 s0, $0x3  }
0x6e: {  	s24 =	rddreg [dreg:$0xf];
	s25 =	sshll.u32 s22, $0x3;
	s0 =	sadd.s32 s3, s0  }
0x6f: {  	(v2sf) =	vpush v1, $0xE;
	[tilespmem:s24], [sflag:$0x1] =	stream.linear.gather [hbm4b:s0+s2], $0x400, $0x38;
	[tilespmem:$0x9080] =	vst v63  }
0x70: {  	s0 =	sand.u32 $0x7FFFFC00, s25  }
0x71: {  	s0 =	sadd.s32 s5, s0  }
0x72: {  	s0 =	sshrl.u32 s0, $0x3  }
0x73: {  	s26 =	rddreg [dreg:$0x10];
	s0 =	sadd.s32 s3, s0  }
0x74: {  	[tilespmem:s26], [sflag:$0x1] =	stream.linear.gather [hbm4b:s0+s2], $0x400, $0x38;
	[tilespmem:$0x9080] =	vst v63  }
0x75: {  	s23 =	spop (v2sf)  }
0x76: {  	[smem:$0x7F2] =	sst s28;
	s28 =	sshll.u32 s23, $0x3  }
0x77: {  	(v2sf) =	vpush v1, $0xF;
	s0 =	sand.u32 $0x7FFFFC00, s28  }
0x78: {  	s0 =	sadd.s32 s5, s0  }
0x79: {  	s24 =	spop (v2sf);
	s0 =	sshrl.u32 s0, $0x3  }
0x7a: {  	s29 =	rddreg [dreg:$0x11];
	s30 =	sshll.u32 s24, $0x3;
	s0 =	sadd.s32 s3, s0  }
0x7b: {  	(v2sf) =	vpush v0, $0x0;
	[tilespmem:s29], [sflag:$0x1] =	stream.linear.gather [hbm4b:s0+s2], $0x400, $0x38;
	[tilespmem:$0x9080] =	vst v63  }
0x7c: {  	s0 =	sand.u32 $0x7FFFFC00, s30  }
0x7d: {  	s0 =	sadd.s32 s5, s0  }
0x7e: {  	[smem:$0x7F3] =	sst s31;
	s25 =	spop (v2sf);
	s0 =	sshrl.u32 s0, $0x3  }
0x7f: {  	s31 =	rddreg [dreg:$0x12];
	s1 =	sshll.u32 s25, $0x3;
	s0 =	sadd.s32 s3, s0  }
0x80: {  	(v2sf) =	vpush v0, $0x1;
	[tilespmem:s31], [sflag:$0x1] =	stream.linear.gather [hbm4b:s0+s2], $0x400, $0x38;
	[tilespmem:$0x9080] =	vst v63  }
0x81: {  	s0 =	sand.u32 $0x7FFFFC00, s1  }
0x82: {  	s0 =	sadd.s32 s5, s0  }
0x83: {  	[smem:$0x7EE] =	sst s8;
	s0 =	sshrl.u32 s0, $0x3  }
0x84: {  	s8 =	rddreg [dreg:$0x13];
	s0 =	sadd.s32 s3, s0  }
0x85: {  	[tilespmem:s8], [sflag:$0x1] =	stream.linear.gather [hbm4b:s0+s2], $0x400, $0x38;
	[tilespmem:$0x9080] =	vst v63  }
0x86: {  	s26 =	spop (v2sf)  }
0x87: {  	s9 =	sshll.u32 s26, $0x3  }
0x88: {  	(v2sf) =	vpush v0, $0x2;
	s0 =	sand.u32 $0x7FFFFC00, s9  }
0x89: {  	s0 =	sadd.s32 s5, s0  }
0x8a: {  	[smem:$0x7F4] =	sst s12;
	s28 =	spop (v2sf);
	s0 =	sshrl.u32 s0, $0x3  }
0x8b: {  	s11 =	rddreg [dreg:$0x14];
	s12 =	sshll.u32 s28, $0x3;
	s0 =	sadd.s32 s3, s0  }
0x8c: {  	(v2sf) =	vpush v0, $0x3;
	[tilespmem:s11], [sflag:$0x1] =	stream.linear.gather [hbm4b:s0+s2], $0x400, $0x38;
	[tilespmem:$0x9080] =	vst v63  }
0x8d: {  	s0 =	sand.u32 $0x7FFFFC00, s12  }
0x8e: {  	s0 =	sadd.s32 s6, s0  }
0x8f: {  	s29 =	spop (v2sf);
	s0 =	sshrl.u32 s0, $0x3  }
0x90: {  	s13 =	rddreg [dreg:$0x15];
	s14 =	sshll.u32 s29, $0x3;
	s0 =	sadd.s32 s3, s0  }
0x91: {  	(v2sf) =	vpush v0, $0x4;
	[tilespmem:s13], [sflag:$0x1] =	stream.linear.gather [hbm4b:s0+s2], $0x400, $0x38;
	[tilespmem:$0x9080] =	vst v63  }
0x92: {  	s0 =	sand.u32 $0x7FFFFC00, s14  }
0x93: {  	s0 =	sadd.s32 s6, s0  }
0x94: {  	[smem:$0x7F5] =	sst s15;
	s0 =	sshrl.u32 s0, $0x3  }
0x95: {  	s15 =	rddreg [dreg:$0x16];
	s0 =	sadd.s32 s3, s0  }
0x96: {  	[tilespmem:s15], [sflag:$0x1] =	stream.linear.gather [hbm4b:s0+s2], $0x400, $0x38;
	[tilespmem:$0x9080] =	vst v63  }
0x97: {  	s30 =	spop (v2sf)  }
0x98: {  	s16 =	sshll.u32 s30, $0x3  }
0x99: {  	(v2sf) =	vpush v0, $0x5;
	s0 =	sand.u32 $0x7FFFFC00, s16  }
0x9a: {  	s0 =	sadd.s32 s6, s0  }
0x9b: {  	s17 =	rddreg [dreg:$0x17];
	s31 =	spop (v2sf);
	s0 =	sshrl.u32 s0, $0x3  }
0x9c: {  	[smem:$0x7F6] =	sst s18;
	s18 =	sshll.u32 s31, $0x3;
	s0 =	sadd.s32 s3, s0  }
0x9d: {  	(v2sf) =	vpush v0, $0x6;
	[tilespmem:s17], [sflag:$0x1] =	stream.linear.gather [hbm4b:s0+s2], $0x400, $0x38;
	[tilespmem:$0x9080] =	vst v63  }
0x9e: {  	s0 =	sand.u32 $0x7FFFFC00, s18  }
0x9f: {  	s0 =	sadd.s32 s6, s0  }
0xa0: {  	s20 =	spop (v2sf);
	s0 =	sshrl.u32 s0, $0x3  }
0xa1: {  	s19 =	rddreg [dreg:$0x18];
	s8 =	sshll.u32 s20, $0x3;
	s0 =	sadd.s32 s3, s0  }
0xa2: {  	(v2sf) =	vpush v0, $0x7;
	[tilespmem:s19], [sflag:$0x1] =	stream.linear.gather [hbm4b:s0+s2], $0x400, $0x38;
	[tilespmem:$0x9080] =	vst v63  }
0xa3: {  	s0 =	sand.u32 $0x7FFFFC00, s8  }
0xa4: {  	s0 =	sadd.s32 s6, s0  }
0xa5: {  	s0 =	sshrl.u32 s0, $0x3  }
0xa6: {  	s9 =	rddreg [dreg:$0x19];
	s0 =	sadd.s32 s3, s0  }
0xa7: {  	[tilespmem:s9], [sflag:$0x1] =	stream.linear.gather [hbm4b:s0+s2], $0x400, $0x38;
	[tilespmem:$0x9080] =	vst v63  }
0xa8: {  	s19 =	spop (v2sf)  }
0xa9: {  	s11 =	sshll.u32 s19, $0x3  }
0xaa: {  	(v2sf) =	vpush v0, $0x8;
	s0 =	sand.u32 $0x7FFFFC00, s11  }
0xab: {  	s0 =	sadd.s32 s6, s0  }
0xac: {  	s18 =	spop (v2sf);
	s0 =	sshrl.u32 s0, $0x3  }
0xad: {  	s12 =	rddreg [dreg:$0x1a];
	s13 =	sshll.u32 s18, $0x3;
	s0 =	sadd.s32 s3, s0  }
0xae: {  	(v2sf) =	vpush v0, $0x9;
	[tilespmem:s12], [sflag:$0x1] =	stream.linear.gather [hbm4b:s0+s2], $0x400, $0x38;
	[tilespmem:$0x9080] =	vst v63  }
0xaf: {  	s0 =	sand.u32 $0x7FFFFC00, s13  }
0xb0: {  	s0 =	sadd.s32 s6, s0  }
0xb1: {  	s17 =	spop (v2sf);
	s0 =	sshrl.u32 s0, $0x3  }
0xb2: {  	s14 =	rddreg [dreg:$0x1b];
	s15 =	sshll.u32 s17, $0x3;
	s0 =	sadd.s32 s3, s0  }
0xb3: {  	(v2sf) =	vpush v0, $0xA;
	[tilespmem:s14], [sflag:$0x1] =	stream.linear.gather [hbm4b:s0+s2], $0x400, $0x38;
	[tilespmem:$0x9080] =	vst v63  }
0xb4: {  	s0 =	sand.u32 $0x7FFFFC00, s15  }
0xb5: {  	s0 =	sadd.s32 s6, s0  }
0xb6: {  	s0 =	sshrl.u32 s0, $0x3  }
0xb7: {  	s16 =	rddreg [dreg:$0x1c];
	s0 =	sadd.s32 s3, s0  }
0xb8: {  	[tilespmem:s16], [sflag:$0x1] =	stream.linear.gather [hbm4b:s0+s2], $0x400, $0x38;
	[tilespmem:$0x9080] =	vst v63  }
0xb9: {  	s16 =	spop (v2sf)  }
0xba: {  	s1 =	sshll.u32 s16, $0x3  }
0xbb: {  	(v2sf) =	vpush v0, $0xB;
	s0 =	sand.u32 $0x7FFFFC00, s1  }
0xbc: {  	s0 =	sadd.s32 s7, s0  }
0xbd: {  	s15 =	spop (v2sf);
	s0 =	sshrl.u32 s0, $0x3  }
0xbe: {  	s8 =	rddreg [dreg:$0x1d];
	s9 =	sshll.u32 s15, $0x3;
	s0 =	sadd.s32 s3, s0  }
0xbf: {  	(v2sf) =	vpush v0, $0xC;
	[tilespmem:s8], [sflag:$0x1] =	stream.linear.gather [hbm4b:s0+s2], $0x400, $0x38;
	[tilespmem:$0x9080] =	vst v63  }
0xc0: {  	s0 =	sand.u32 $0x7FFFFC00, s9  }
0xc1: {  	s0 =	sadd.s32 s7, s0  }
0xc2: {  	s14 =	spop (v2sf);
	s0 =	sshrl.u32 s0, $0x3  }
0xc3: {  	s11 =	rddreg [dreg:$0x1e];
	s12 =	sshll.u32 s14, $0x3;
	s0 =	sadd.s32 s3, s0  }
0xc4: {  	[tilespmem:s11], [sflag:$0x1] =	stream.linear.gather [hbm4b:s0+s2], $0x400, $0x38;
	[tilespmem:$0x9080] =	vst v63  }
0xc5: {  	s0 =	sand.u32 $0x7FFFFC00, s12  }
0xc6: {  	s0 =	sadd.s32 s7, s0  }
0xc7: {  	(v2sf) =	vpush v0, $0xD;
	s0 =	sshrl.u32 s0, $0x3  }
0xc8: {  	s13 =	rddreg [dreg:$0x1f];
	s0 =	sadd.s32 s3, s0  }
0xc9: {  	[tilespmem:s13], [sflag:$0x1] =	stream.linear.gather [hbm4b:s0+s2], $0x400, $0x38;
	[tilespmem:$0x9080] =	vst v63  }
0xca: {  	s13 =	spop (v2sf)  }
0xcb: {  	s1 =	sshll.u32 s13, $0x3  }
0xcc: {  	s0 =	sand.u32 $0x7FFFFC00, s1  }
0xcd: {  	s8 =	sld [smem:$0x7F8];
	s0 =	sadd.s32 s7, s0  }
0xce: {  	(v2sf) =	vpush v0, $0xE;
	s12 =	spop (v2sf);
	s0 =	sshrl.u32 s0, $0x3  }
0xcf: {  	s9 =	sshll.u32 s12, $0x3;
	s0 =	sadd.s32 s3, s0  }
0xd0: {  	[tilespmem:s8], [sflag:$0x1] =	stream.linear.gather [hbm4b:s0+s2], $0x400, $0x38;
	[tilespmem:$0x9080] =	vst v63  }
0xd1: {  	s0 =	sand.u32 $0x7FFFFC00, s9  }
0xd2: {  	s11 =	sld [smem:$0x7F9];
	s0 =	sadd.s32 s7, s0  }
0xd3: {  	s0 =	sshrl.u32 s0, $0x3  }
0xd4: {  	s0 =	sadd.s32 s3, s0  }
0xd5: {  	(v2sf) =	vpush v0, $0xF;
	[tilespmem:s11], [sflag:$0x1] =	stream.linear.gather [hbm4b:s0+s2], $0x400, $0x38;
	[tilespmem:$0x9080] =	vst v63  }
0xd6: {  	s11 =	spop (v2sf)  }
0xd7: {  	s8 =	sshll.u32 s11, $0x3  }
0xd8: {  	s0 =	sand.u32 $0x7FFFFC00, s8  }
0xd9: {  	s9 =	sld [smem:$0x7FA];
	s0 =	sadd.s32 s7, s0  }
0xda: {  	s0 =	sshrl.u32 s0, $0x3  }
0xdb: {  	s0 =	sadd.s32 s3, s0  }
0xdc: {  	[tilespmem:s9], [sflag:$0x1] =	stream.linear.gather [hbm4b:s0+s2], $0x400, $0x38;
	[tilespmem:$0x9080] =	vst v63  }
0xdd: {  	s9 =	spop (v2sf)  }
0xde: {  	s1 =	sshll.u32 s9, $0x3  }
0xdf: {  	s0 =	sand.u32 $0x7FFFFC00, s1  }
0xe0: {  	s8 =	sld [smem:$0x7FB];
	s0 =	sadd.s32 s7, s0  }
0xe1: {  	s0 =	sshrl.u32 s0, $0x3  }
0xe2: {  	s0 =	sadd.s32 s3, s0  }
0xe3: {  	[tilespmem:s8], [sflag:$0x1] =	stream.linear.gather [hbm4b:s0+s2], $0x400, $0x38;
	[tilespmem:$0x9080] =	vst v63  }
0xe4: {  	s0 =	spop (v2sf)  }
0xe5: {  	s8 =	sshll.u32 s0, $0x3  }
0xe6: {  	s1 =	sand.u32 $0x7FFFFC00, s8  }
0xe7: {  	s8 =	sld [smem:$0x7FC];
	s1 =	sadd.s32 s7, s1  }
0xe8: {  	s1 =	sshrl.u32 s1, $0x3  }
0xe9: {  	s1 =	sadd.s32 s3, s1  }
0xea: {  	[tilespmem:s8], [sflag:$0x1] =	stream.linear.gather [hbm4b:s1+s2], $0x400, $0x38;
	[tilespmem:$0x9080] =	vst v63  }
0xeb: {  	_ =	swait.ge [sflag:s10], $0x400  }
0xec: {  	[sflag:s10] =	ssyncset.done $0x0  }
0xed: {  	[sflag:s10] =	ssyncadd.s32 $0xFFFFFC00  }
0xee: {  	_ =	swait.ge [sflag:s10], $0x400  }
0xef: {  	[sflag:s10] =	ssyncset.done $0x0  }
0xf0: {  	[sflag:s10] =	ssyncadd.s32 $0xFFFFFC00  }
0xf1: {  	_ =	swait.ge [sflag:s10], $0x400  }
0xf2: {  	[sflag:s10] =	ssyncset.done $0x0  }
0xf3: {  	[sflag:s10] =	ssyncadd.s32 $0xFFFFFC00  }
0xf4: {  	_ =	swait.ge [sflag:s10], $0x400  }
0xf5: {  	[sflag:s10] =	ssyncset.done $0x0  }
0xf6: {  	[sflag:s10] =	ssyncadd.s32 $0xFFFFFC00  }
0xf7: {  	_ =	swait.ge [sflag:s10], $0x400  }
0xf8: {  	[sflag:s10] =	ssyncset.done $0x0  }
0xf9: {  	[sflag:s10] =	ssyncadd.s32 $0xFFFFFC00  }
0xfa: {  	_ =	swait.ge [sflag:s10], $0x400  }
0xfb: {  	[sflag:s10] =	ssyncset.done $0x0  }
0xfc: {  	[sflag:s10] =	ssyncadd.s32 $0xFFFFFC00  }
0xfd: {  	_ =	swait.ge [sflag:s10], $0x400  }
0xfe: {  	[sflag:s10] =	ssyncset.done $0x0  }
0xff: {  	[sflag:s10] =	ssyncadd.s32 $0xFFFFFC00  }
0x100: {  	_ =	swait.ge [sflag:s10], $0x400  }
0x101: {  	[sflag:s10] =	ssyncset.done $0x0  }
0x102: {  	[sflag:s10] =	ssyncadd.s32 $0xFFFFFC00  }
0x103: {  	_ =	swait.ge [sflag:s10], $0x400  }
0x104: {  	[sflag:s10] =	ssyncset.done $0x0  }
0x105: {  	[sflag:s10] =	ssyncadd.s32 $0xFFFFFC00  }
0x106: {  	_ =	swait.ge [sflag:s10], $0x400  }
0x107: {  	[sflag:s10] =	ssyncset.done $0x0  }
0x108: {  	[sflag:s10] =	ssyncadd.s32 $0xFFFFFC00  }
0x109: {  	_ =	swait.ge [sflag:s10], $0x400  }
0x10a: {  	[sflag:s10] =	ssyncset.done $0x0  }
0x10b: {  	[sflag:s10] =	ssyncadd.s32 $0xFFFFFC00  }
0x10c: {  	_ =	swait.ge [sflag:s10], $0x400  }
0x10d: {  	[sflag:s10] =	ssyncset.done $0x0  }
0x10e: {  	[sflag:s10] =	ssyncadd.s32 $0xFFFFFC00  }
0x10f: {  	_ =	swait.ge [sflag:s10], $0x400  }
0x110: {  	[sflag:s10] =	ssyncset.done $0x0  }
0x111: {  	[sflag:s10] =	ssyncadd.s32 $0xFFFFFC00  }
0x112: {  	_ =	swait.ge [sflag:s10], $0x400  }
0x113: {  	[sflag:s10] =	ssyncset.done $0x0  }
0x114: {  	[sflag:s10] =	ssyncadd.s32 $0xFFFFFC00  }
0x115: {  	_ =	swait.ge [sflag:s10], $0x400  }
0x116: {  	[sflag:s10] =	ssyncset.done $0x0  }
0x117: {  	[sflag:s10] =	ssyncadd.s32 $0xFFFFFC00  }
0x118: {  	_ =	swait.ge [sflag:s10], $0x400  }
0x119: {  	[sflag:s10] =	ssyncset.done $0x0  }
0x11a: {  	[sflag:s10] =	ssyncadd.s32 $0xFFFFFC00  }
0x11b: {  	_ =	swait.ge [sflag:s10], $0x400  }
0x11c: {  	[sflag:s10] =	ssyncset.done $0x0  }
0x11d: {  	[sflag:s10] =	ssyncadd.s32 $0xFFFFFC00  }
0x11e: {  	_ =	swait.ge [sflag:s10], $0x400  }
0x11f: {  	[sflag:s10] =	ssyncset.done $0x0  }
0x120: {  	[sflag:s10] =	ssyncadd.s32 $0xFFFFFC00  }
0x121: {  	_ =	swait.ge [sflag:s10], $0x400  }
0x122: {  	[sflag:s10] =	ssyncset.done $0x0  }
0x123: {  	[sflag:s10] =	ssyncadd.s32 $0xFFFFFC00  }
0x124: {  	_ =	swait.ge [sflag:s10], $0x400  }
0x125: {  	[sflag:s10] =	ssyncset.done $0x0  }
0x126: {  	[sflag:s10] =	ssyncadd.s32 $0xFFFFFC00  }
0x127: {  	_ =	swait.ge [sflag:s10], $0x400  }
0x128: {  	[sflag:s10] =	ssyncset.done $0x0  }
0x129: {  	[sflag:s10] =	ssyncadd.s32 $0xFFFFFC00  }
0x12a: {  	_ =	swait.ge [sflag:s10], $0x400  }
0x12b: {  	[sflag:s10] =	ssyncset.done $0x0  }
0x12c: {  	[sflag:s10] =	ssyncadd.s32 $0xFFFFFC00  }
0x12d: {  	_ =	swait.ge [sflag:s10], $0x400  }
0x12e: {  	[sflag:s10] =	ssyncset.done $0x0  }
0x12f: {  	[sflag:s10] =	ssyncadd.s32 $0xFFFFFC00  }
0x130: {  	_ =	swait.ge [sflag:s10], $0x400  }
0x131: {  	[sflag:s10] =	ssyncset.done $0x0  }
0x132: {  	[sflag:s10] =	ssyncadd.s32 $0xFFFFFC00  }
0x133: {  	_ =	swait.ge [sflag:s10], $0x400  }
0x134: {  	[sflag:s10] =	ssyncset.done $0x0  }
0x135: {  	[sflag:s10] =	ssyncadd.s32 $0xFFFFFC00  }
0x136: {  	_ =	swait.ge [sflag:s10], $0x400  }
0x137: {  	[sflag:s10] =	ssyncset.done $0x0  }
0x138: {  	[sflag:s10] =	ssyncadd.s32 $0xFFFFFC00  }
0x139: {  	_ =	swait.ge [sflag:s10], $0x400  }
0x13a: {  	[sflag:s10] =	ssyncset.done $0x0  }
0x13b: {  	[sflag:s10] =	ssyncadd.s32 $0xFFFFFC00  }
0x13c: {  	_ =	swait.ge [sflag:s10], $0x400  }
0x13d: {  	[sflag:s10] =	ssyncset.done $0x0  }
0x13e: {  	[sflag:s10] =	ssyncadd.s32 $0xFFFFFC00  }
0x13f: {  	_ =	swait.ge [sflag:s10], $0x400  }
0x140: {  	[sflag:s10] =	ssyncset.done $0x0  }
0x141: {  	[sflag:s10] =	ssyncadd.s32 $0xFFFFFC00  }
0x142: {  	_ =	swait.ge [sflag:s10], $0x400  }
0x143: {  	[sflag:s10] =	ssyncset.done $0x0  }
0x144: {  	[sflag:s10] =	ssyncadd.s32 $0xFFFFFC00  }
0x145: {  	_ =	swait.ge [sflag:s10], $0x400  }
0x146: {  	[sflag:s10] =	ssyncset.done $0x0  }
0x147: {  	[sflag:s10] =	ssyncadd.s32 $0xFFFFFC00  }
0x148: {  	_ =	swait.ge [sflag:s10], $0x400  }
0x149: {  	s8 =	sld [smem:$0x7ED];
	_ =	sdelay $0x1  }
0x14a: {  	[sflag:s10] =	ssyncset.done $0x0  }
0x14b: {  	[sflag:s10] =	ssyncadd.s32 $0xFFFFFC00;
	s1 =	sand.u32 $0x70, s8  }
0x14c: {  	v63 =	vld [tilespmem:s1+$0x80];
	_ =	sdelay $0x1  }
0x14d: {  	s8 =	sld [smem:$0x7EE];
	_ =	sdelay $0x2  }
0x14e: {  	s1 =	sand.u32 $0x70, s8;
	[tilespmem:$0x8080] =	vst v63  }
0x14f: {  	v0 =	vld [tilespmem:s1+$0x500];
	_ =	sdelay $0x1  }
0x150: {  	s8 =	sld [smem:$0x7EF];
	_ =	sdelay $0x2  }
0x151: {  	s1 =	sand.u32 $0x70, s8;
	[tilespmem:$0x8100] =	vst v0  }
0x152: {  	v0 =	vld [tilespmem:s1+$0x980];
	_ =	sdelay $0x1  }
0x153: {  	s8 =	sld [smem:$0x7F0];
	_ =	sdelay $0x2  }
0x154: {  	s1 =	sand.u32 $0x70, s8;
	[tilespmem:$0x8180] =	vst v0  }
0x155: {  	v0 =	vld [tilespmem:s1+$0xE00];
	_ =	sdelay $0x1  }
0x156: {  	s8 =	sld [smem:$0x7F1];
	_ =	sdelay $0x2  }
0x157: {  	s1 =	sand.u32 $0x70, s8;
	[tilespmem:$0x8200] =	vst v0  }
0x158: {  	v0 =	vld [tilespmem:s1+$0x1280];
	_ =	sdelay $0x1  }
0x159: {  	s8 =	sld [smem:$0x7F2];
	_ =	sdelay $0x2  }
0x15a: {  	s1 =	sand.u32 $0x70, s8;
	[tilespmem:$0x8280] =	vst v0  }
0x15b: {  	v0 =	vld [tilespmem:s1+$0x1700];
	_ =	sdelay $0x1  }
0x15c: {  	s8 =	sld [smem:$0x7F3];
	_ =	sdelay $0x2  }
0x15d: {  	s1 =	sand.u32 $0x70, s8;
	[tilespmem:$0x8300] =	vst v0  }
0x15e: {  	v0 =	vld [tilespmem:s1+$0x1B80];
	_ =	sdelay $0x1  }
0x15f: {  	s8 =	sld [smem:$0x7F4];
	_ =	sdelay $0x2  }
0x160: {  	s1 =	sand.u32 $0x70, s8;
	[tilespmem:$0x8380] =	vst v0  }
0x161: {  	v0 =	vld [tilespmem:s1+$0x2000];
	_ =	sdelay $0x1  }
0x162: {  	s8 =	sld [smem:$0x7F5];
	_ =	sdelay $0x2  }
0x163: {  	s1 =	sand.u32 $0x70, s8;
	[tilespmem:$0x8400] =	vst v0  }
0x164: {  	v0 =	vld [tilespmem:s1+$0x2080];
	_ =	sdelay $0x1  }
0x165: {  	s8 =	sld [smem:$0x7F6];
	_ =	sdelay $0x2  }
0x166: {  	s1 =	sand.u32 $0x70, s8;
	[tilespmem:$0x8480] =	vst v0  }
0x167: {  	v0 =	vld [tilespmem:s1+$0x2500];
	_ =	sdelay $0x1  }
0x168: {  	s8 =	sld [smem:$0x7F7];
	_ =	sdelay $0x2  }
0x169: {  	s1 =	sand.u32 $0x70, s8;
	[tilespmem:$0x8500] =	vst v0  }
0x16a: {  	v0 =	vld [tilespmem:s1+$0x2980];
	_ =	sdelay $0x4  }
0x16b: {  	s22 =	sand.u32 $0x70, s22;
	[tilespmem:$0x8580] =	vst v0  }
0x16c: {  	v0 =	vld [tilespmem:s22+$0x2E00];
	_ =	sdelay $0x4  }
0x16d: {  	s8 =	sand.u32 $0x70, s23;
	[tilespmem:$0x8600] =	vst v0  }
0x16e: {  	v0 =	vld [tilespmem:s8+$0x3280];
	_ =	sdelay $0x4  }
0x16f: {  	s22 =	sand.u32 $0x70, s24;
	[tilespmem:$0x8680] =	vst v0  }
0x170: {  	v0 =	vld [tilespmem:s22+$0x3700];
	_ =	sdelay $0x4  }
0x171: {  	s23 =	sand.u32 $0x70, s25;
	[tilespmem:$0x8700] =	vst v0  }
0x172: {  	v0 =	vld [tilespmem:s23+$0x3B80];
	_ =	sdelay $0x4  }
0x173: {  	s24 =	sand.u32 $0x70, s26;
	[tilespmem:$0x8780] =	vst v0  }
0x174: {  	v0 =	vld [tilespmem:s24+$0x4000];
	_ =	sdelay $0x4  }
0x175: {  	s25 =	sand.u32 $0x70, s28;
	[tilespmem:$0x8800] =	vst v0  }
0x176: {  	v0 =	vld [tilespmem:s25+$0x4080];
	_ =	sdelay $0x4  }
0x177: {  	s26 =	sand.u32 $0x70, s29;
	[tilespmem:$0x8880] =	vst v0  }
0x178: {  	v0 =	vld [tilespmem:s26+$0x4500];
	_ =	sdelay $0x4  }
0x179: {  	s28 =	sand.u32 $0x70, s30;
	[tilespmem:$0x8900] =	vst v0  }
0x17a: {  	v0 =	vld [tilespmem:s28+$0x4980];
	_ =	sdelay $0x4  }
0x17b: {  	s29 =	sand.u32 $0x70, s31;
	[tilespmem:$0x8980] =	vst v0  }
0x17c: {  	v0 =	vld [tilespmem:s29+$0x4E00];
	_ =	sdelay $0x4  }
0x17d: {  	s30 =	sand.u32 $0x70, s20;
	[tilespmem:$0x8A00] =	vst v0  }
0x17e: {  	v0 =	vld [tilespmem:s30+$0x5280];
	_ =	sdelay $0x4  }
0x17f: {  	s31 =	sand.u32 $0x70, s19;
	[tilespmem:$0x8A80] =	vst v0  }
0x180: {  	v0 =	vld [tilespmem:s31+$0x5700];
	_ =	sdelay $0x4  }
0x181: {  	s8 =	sand.u32 $0x70, s18;
	[tilespmem:$0x8B00] =	vst v0  }
0x182: {  	v0 =	vld [tilespmem:s8+$0x5B80];
	_ =	sdelay $0x4  }
0x183: {  	s18 =	sand.u32 $0x70, s17;
	[tilespmem:$0x8B80] =	vst v0  }
0x184: {  	v0 =	vld [tilespmem:s18+$0x6000];
	_ =	sdelay $0x4  }
0x185: {  	s19 =	sand.u32 $0x70, s16;
	[tilespmem:$0x8C00] =	vst v0  }
0x186: {  	v0 =	vld [tilespmem:s19+$0x6080];
	_ =	sdelay $0x4  }
0x187: {  	s20 =	sand.u32 $0x70, s15;
	[tilespmem:$0x8C80] =	vst v0  }
0x188: {  	v0 =	vld [tilespmem:s20+$0x6500];
	_ =	sdelay $0x4  }
0x189: {  	s22 =	sand.u32 $0x70, s14;
	[tilespmem:$0x8D00] =	vst v0  }
0x18a: {  	v0 =	vld [tilespmem:s22+$0x6980];
	_ =	sdelay $0x4  }
0x18b: {  	s23 =	sand.u32 $0x70, s13;
	[tilespmem:$0x8D80] =	vst v0  }
0x18c: {  	v0 =	vld [tilespmem:s23+$0x6E00];
	_ =	sdelay $0x4  }
0x18d: {  	s24 =	sand.u32 $0x70, s12;
	[tilespmem:$0x8E00] =	vst v0  }
0x18e: {  	v0 =	vld [tilespmem:s24+$0x7280];
	_ =	sdelay $0x4  }
0x18f: {  	s25 =	sand.u32 $0x70, s11;
	[tilespmem:$0x8E80] =	vst v0  }
0x190: {  	v0 =	vld [tilespmem:s25+$0x7700];
	_ =	sdelay $0x4  }
0x191: {  	s26 =	sand.u32 $0x70, s9;
	[tilespmem:$0x8F00] =	vst v0  }
0x192: {  	v0 =	vld [tilespmem:s26+$0x7B80];
	_ =	sdelay $0x4  }
0x193: {  	s0 =	sand.u32 $0x70, s0;
	[tilespmem:$0x8F80] =	vst v0  }
0x194: {  	v0 =	vld [tilespmem:s0+$0x8000];
	_ =	sdelay $0x2  }
0x195: {  	s29 =	sld [smem:$0x7FD]  }
0x196: {  	p0 =	sne.s32 s21, $0x1  }
.Ltmp0:
0x197: {  	s28 =	rddreg [dreg:$0x4];
	s30 =	simm.s32 $0x2;
	[tilespmem:$0x9000] =	vst v0;
	(pc) =	sbr.rel @p0 .LBB2_1-.Ltmp0, $4  }
0x198: {  	[hbm4b:s28+s2] =	stream.linear.scatter [tilespmem:s29], [sflag:$0x2], $0x1000, $0x38;
	[tilespmem:$0x9080] =	vst v63  }
0x199: {  	_ =	swait.ge [sflag:s30], $0x1000  }
0x19a: {  	s31 =	simm.s32 $0x2;
	[sflag:s30] =	ssyncset.done $0x0  }
0x19b: {  	s21 =	sadd.s32 $0xFFFFFFFF, s21;
	[sflag:s31] =	ssyncadd.s32 $0xFFFFF000  }
0x19c: {  	_ =	sfence.sel $0x180000  }
0x19d: {  	[bflag:$0x0] =	sbarrier.arrive $0xFFFF  }
0x19e: {  	_ =	strace $0x90000047  }
0x19f: {  	s0 =	stileid.u32;
	[bflag:$0x2] =	sbarrier.arrive $0xFFFF  }
0x1a0: {  	p0 =	sne.s32 s0, $0x0;
	s0 =	rddreg [dreg:$0x2]  }
0x1a1: {  	s0 =	sadd.s32 @!p0 $0x100000, s0  }
0x1a2: {  	[sflag:s0] =	ssyncadd.tile.s32 @!p0 $0x1;
	_ =	shalt  }
.Lfunc_end2:
_tile_overlayer_lowered:
.L_overlay_start_2:
0x1a3: {  	(tag) =	ssettag $0x2  }
0x1a4: {  	s0 =	rddreg [dreg:$0x0];
	s2 =	stileid.u32  }
0x1a5: {  	s1 =	rddreg [dreg:$0x1];
	p0 =	sne.s32 s2, $0x0  }
0x1a6: {  	s3 =	rddreg [dreg:$0x2];
	[bflag:$0x3] =	sbarrier.arrive $0xFFFF;
	s2 =	simm.s32 @!p0 $0x1C02  }
0x1a7: {  	[timem:s3], [sflag:s2] =	dma.local @!p0 [hbm:s0], s1  }
0x1a8: {  	s0 =	simm.s32 @!p0 $0x2  }
0x1a9: {  	_ =	swait.ge @!p0 [sflag:s0], s1  }
0x1aa: {  	s1 =	ssub.s32 @!p0 $0x0, s1;
	[sflag:s0] =	ssyncset.done @!p0 $0x0  }
0x1ab: {  	[sflag:s0] =	ssyncadd.s32 @!p0 s1  }
0x1ac: {  	[bflag:$0x3] =	sbarrier.arrive $0xFFFF  }
0x1ad: {  	_ =	shalt  }

</sc_bundles>
